<compile_context>
chip_gen: v7x
topology: tpu7x:2x2x1
jax: 0.10.2.dev20260603
libtpu: 0.0.44.dev20260713+nightly
codegen_flags: <defaults>
</compile_context>

<pallas_src>
import functools

import jax
import jax.numpy as jnp
from jax import lax
from jax.experimental import pallas as pl
from jax.experimental.pallas import tpu as pltpu
from jax.experimental.pallas import tpu_sc as plsc

_L = 16
_NW = 32
_H_TC = 24


def _sc_loss(en_hbm, de_hbm, out_hbm, enb, deb, stage, sem0, sem1):
    B, H, W, C = en_hbm.shape
    wid = lax.axis_index("s") * 2 + lax.axis_index("c")
    b = wid // 2
    h_sc = H - _H_TC
    h0 = _H_TC + (wid % 2) * (h_sc // 2)
    nchunk = h_sc // 2
    nvec = C // _L

    def start(g, par, sem):
        pltpu.make_async_copy(en_hbm.at[b, h0 + g], enb.at[par], sem).start()
        pltpu.make_async_copy(de_hbm.at[b, h0 + g], deb.at[par], sem).start()

    def wait(par, sem):
        pltpu.make_async_copy(en_hbm.at[b, h0], enb.at[par], sem).wait()
        pltpu.make_async_copy(de_hbm.at[b, h0], deb.at[par], sem).wait()

    def compute(par, accs):
        def row(i, accs):
            d, e, f = accs
            for j in range(nvec):
                ev = enb[par, i, pl.ds(j * _L, _L)]
                dv = deb[par, i, pl.ds(j * _L, _L)]
                d = d + ev * dv
                e = e + ev * ev
                f = f + dv * dv
            return (d, e, f)

        return lax.fori_loop(0, W, row, accs)

    start(0, 0, sem0)
    start(1, 1, sem1)
    zero = jnp.zeros((_L,), jnp.float32)
    accs = (zero, zero, zero)

    def outer(g2, accs):
        wait(0, sem0)
        accs = compute(0, accs)

        @pl.when(g2 < nchunk // 2 - 1)
        def _():
            start(2 * g2 + 2, 0, sem0)

        wait(1, sem1)
        accs = compute(1, accs)

        @pl.when(g2 < nchunk // 2 - 1)
        def _():
            start(2 * g2 + 3, 1, sem1)

        return accs

    d, e, f = lax.fori_loop(0, nchunk // 2, outer, accs)
    stage[0, :] = d
    stage[1, :] = e
    stage[2, :] = f
    pltpu.sync_copy(stage, out_hbm.at[wid])


def _tc_loss(en_ref, de_ref, out_ref):
    en = en_ref[0]
    de = de_ref[0]
    out_ref[0, 0, 0] = jnp.sum(en * de)
    out_ref[0, 0, 1] = jnp.sum(en * en)
    out_ref[0, 0, 2] = jnp.sum(de * de)


def kernel(encoder_features, decoder_features, global_step):
    B, C, H, W = encoder_features.shape
    en = jnp.transpose(encoder_features, (0, 2, 3, 1))
    de = jnp.transpose(decoder_features, (0, 2, 3, 1))

    mesh = plsc.VectorSubcoreMesh(core_axis_name="c", subcore_axis_name="s")
    sc_call = functools.partial(
        pl.kernel,
        mesh=mesh,
        out_type=jax.ShapeDtypeStruct((_NW, 3, _L), jnp.float32),
        scratch_types=[
            pltpu.VMEM((2, W, C), jnp.float32),
            pltpu.VMEM((2, W, C), jnp.float32),
            pltpu.VMEM((3, _L), jnp.float32),
            pltpu.SemaphoreType.DMA,
            pltpu.SemaphoreType.DMA,
        ],
    )(_sc_loss)
    sc_part = sc_call(en, de)

    tc_part = pl.pallas_call(
        _tc_loss,
        grid=(B,),
        in_specs=[
            pl.BlockSpec((1, _H_TC, W, C), lambda b: (b, 0, 0, 0)),
            pl.BlockSpec((1, _H_TC, W, C), lambda b: (b, 0, 0, 0)),
        ],
        out_specs=pl.BlockSpec(
            (1, 1, 3), lambda b: (b, 0, 0), memory_space=pltpu.SMEM
        ),
        out_shape=jax.ShapeDtypeStruct((B, 1, 3), jnp.float32),
    )(en, de)[:, 0, :]

    sc_per_batch = sc_part.sum(-1).reshape(B, 2, 3).sum(1)
    tot = sc_per_batch + tc_part
    dot, na2, nb2 = tot[:, 0], tot[:, 1], tot[:, 2]
    cos = dot / jnp.maximum(jnp.sqrt(na2) * jnp.sqrt(nb2), 1e-8)
    return jnp.mean(1.0 - cos)

# --- scband reference (transcript-rebuilt; emitter-appended) ---
"""Pipeline reference for scband-cosine-hard-mining-loss-17944373362833 (READ-ONLY COPY).

The authoritative reference and input builder live on the scoring server;
editing this copy changes nothing except your own understanding.
"""

import jax, jax.numpy as jnp
import numpy as np


def _cos(a, b, axis):
    dot = jnp.sum(a * b, axis=axis)
    na = jnp.sqrt(jnp.sum(a * a, axis=axis))
    nb = jnp.sqrt(jnp.sum(b * b, axis=axis))
    return dot / jnp.maximum(na * nb, 1e-8)


def setup_inputs(seed: int = 0) -> dict:
    key = jax.random.key(seed)
    k1, k2 = jax.random.split(key)
    B, C, H, W = 16, 768, 32, 32
    enc = jax.random.normal(k1, (B, C, H, W), dtype=jnp.float32)
    dec = jax.random.normal(k2, (B, C, H, W), dtype=jnp.float32)
    return {"encoder_features": enc, "decoder_features": dec, "global_step": 500}


def reference(encoder_features, decoder_features, global_step):
    p_final = 0.9
    p_schedule_steps = 1000
    factor = 0.1
    p = jnp.minimum(p_final * global_step / p_schedule_steps, p_final)

    en = jax.lax.stop_gradient(encoder_features)  # encoder is detached in torch
    de = decoder_features

    # point-wise cosine distance over channel dim (torch CosineSimilarity dim=1), no_grad
    point_dist = 1.0 - _cos(en, de, axis=1)
    point_dist = point_dist[:, None, :, :]  # unsqueeze(1) -> [B,1,H,W]

    p_static = min(p_final * 500 / p_schedule_steps, p_final)
    k = max(1, int(point_dist.size * (1.0 - p_static)))
    thresh = jax.lax.top_k(point_dist.reshape(-1), k)[0][-1]
    mask = point_dist < thresh + 0.0 * p  # well-reconstructed (easy) points, used by grad hook

    # gradient hook does not change forward value; loss on flattened per-sample features
    B = en.shape[0]
    en_flat = en.reshape(B, -1)
    de_flat = de.reshape(B, -1)
    loss = jnp.mean(1.0 - _cos(en_flat, de_flat, axis=1))

    # single feature layer -> loss / 1
    return loss

if __name__ == "__main__":
    import jax
    _d = setup_inputs()
    print(jax.jit(kernel)(*tuple(_d.values())))

</pallas_src>

<mosaic_0001>
#map = affine_map<(d0, d1) -> (0, 0, 0, 0)>
#map1 = affine_map<(d0, d1) -> (0, 0, 0)>
module attributes {stable_mosaic.version = 14 : i64} {
  func.func @_sc_loss(%arg0: i32, %arg1: i32, %arg2: memref<16x32x32x768xf32, #tpu.memory_space<hbm>>, %arg3: memref<16x32x32x768xf32, #tpu.memory_space<hbm>>, %arg4: memref<32x3x16xf32, #tpu.memory_space<hbm>>, %arg5: memref<2x32x768xf32, #tpu.memory_space<vmem>>, %arg6: memref<2x32x768xf32, #tpu.memory_space<vmem>>, %arg7: memref<3x16xf32, #tpu.memory_space<vmem>>, %arg8: memref<!tpu.dma_semaphore, #tpu.memory_space<semaphore_mem>>, %arg9: memref<!tpu.dma_semaphore, #tpu.memory_space<semaphore_mem>>) attributes {dimension_semantics = [#tpu.dimension_semantics<core_parallel>, #tpu.dimension_semantics<subcore_parallel>], iteration_bounds = array<i64: 2, 16>, scalar_prefetch = 0 : i64, scratch_operands = 5 : i64, tpu.core_type = #tpu.core_type<sc_vector_subcore>, window_params = [{transform_indices = #map}, {transform_indices = #map}, {transform_indices = #map1}]} {
    %mul3A = arith.constant 2 : i32
    %mul3A_0 = arith.muli %arg1, %mul3A : i32
    %add3A = arith.addi %mul3A_0, %arg0 : i32
    %jit3A = arith.constant 2 : i32
    %div3A = arith.divsi %add3A, %jit3A : i32
    %sign3A = arith.constant 0 : i32
    %sign3A_1 = arith.cmpi sgt, %add3A, %sign3A : i32
    %sign3A_2 = arith.extui %sign3A_1 : i1 to i32
    %sign3A_3 = arith.constant 0 : i32
    %sign3A_4 = arith.cmpi slt, %add3A, %sign3A_3 : i32
    %sign3A_5 = arith.extui %sign3A_4 : i1 to i32
    %sign3A_6 = arith.subi %sign3A_2, %sign3A_5 : i32
    %sign3A_7 = arith.constant 0 : i32
    %sign3A_8 = arith.cmpi sgt, %jit3A, %sign3A_7 : i32
    %sign3A_9 = arith.extui %sign3A_8 : i1 to i32
    %sign3A_10 = arith.constant 0 : i32
    %sign3A_11 = arith.cmpi slt, %jit3A, %sign3A_10 : i32
    %sign3A_12 = arith.extui %sign3A_11 : i1 to i32
    %sign3A_13 = arith.subi %sign3A_9, %sign3A_12 : i32
    %ne3A = arith.cmpi ne, %sign3A_6, %sign3A_13 : i32
    %rem3A = arith.remsi %add3A, %jit3A : i32
    %ne3A_14 = arith.constant 0 : i32
    %ne3A_15 = arith.cmpi ne, %rem3A, %ne3A_14 : i32
    %and3A = arith.andi %ne3A, %ne3A_15 : i1
    %sub3A = arith.constant 1 : i32
    %sub3A_16 = arith.subi %div3A, %sub3A : i32
    %select_n3A = arith.select %and3A, %sub3A_16, %div3A : i32
    %jit3A_17 = arith.constant 2 : i32
    %eq3A = arith.constant 0 : i32
    %eq3A_18 = arith.cmpi eq, %jit3A_17, %eq3A : i32
    %jit3A_19 = arith.constant 1 : i32
    %select_n3A_20 = arith.select %eq3A_18, %jit3A_19, %jit3A_17 : i32
    %rem3A_21 = arith.remsi %add3A, %select_n3A_20 : i32
    %ne3A_22 = arith.constant 0 : i32
    %ne3A_23 = arith.cmpi ne, %rem3A_21, %ne3A_22 : i32
    %lt3A = arith.constant 0 : i32
    %lt3A_24 = arith.cmpi slt, %rem3A_21, %lt3A : i32
    %lt3A_25 = arith.constant 0 : i32
    %lt3A_26 = arith.cmpi slt, %select_n3A_20, %lt3A_25 : i32
    %ne3A_27 = arith.xori %lt3A_24, %lt3A_26 : i1
    %and3A_28 = arith.andi %ne3A_27, %ne3A_23 : i1
    %add3A_29 = arith.addi %rem3A_21, %select_n3A_20 : i32
    %select_n3A_30 = arith.select %and3A_28, %add3A_29, %rem3A_21 : i32
    %mul3A_31 = arith.constant 4 : i32
    %mul3A_32 = arith.muli %select_n3A_30, %mul3A_31 : i32
    %add3A_33 = arith.constant 24 : i32
    %add3A_34 = arith.addi %add3A_33, %mul3A_32 : i32
    %add3A_35 = arith.constant 0 : i32
    %add3A_36 = arith.addi %add3A_34, %add3A_35 : i32
    %dma_start3A = arith.constant 0 : i32
    %dma_start3A_37 = arith.constant 0 : i32
    %dma_start3A_38 = arith.constant 0 : i32
    %dma_start3A_39 = tpu.memref_slice %arg5[%dma_start3A, %dma_start3A_37, %dma_start3A_38] : memref<2x32x768xf32, #tpu.memory_space<vmem>> -> memref<1x32x768xf32, #tpu.memory_space<vmem>>
    %dma_start3A_40 = tpu.memref_squeeze %dma_start3A_39 : memref<1x32x768xf32, #tpu.memory_space<vmem>> -> memref<32x768xf32, #tpu.memory_space<vmem>>
    %dma_start3A_41 = arith.constant 0 : i32
    %dma_start3A_42 = arith.constant 0 : i32
    %dma_start3A_43 = tpu.memref_slice %arg2[%select_n3A, %add3A_36, %dma_start3A_41, %dma_start3A_42] : memref<16x32x32x768xf32, #tpu.memory_space<hbm>> -> memref<1x1x32x768xf32, #tpu.memory_space<hbm>>
    %dma_start3A_44 = tpu.memref_squeeze %dma_start3A_43 : memref<1x1x32x768xf32, #tpu.memory_space<hbm>> -> memref<32x768xf32, #tpu.memory_space<hbm>>
    %dma_start3A_45 = arith.constant 0 : i32
    %dma_start3A_46 = arith.constant 0 : i32
    %dma_start3A_47 = tpu.memref_slice %arg5[%dma_start3A, %dma_start3A_45, %dma_start3A_46] : memref<2x32x768xf32, #tpu.memory_space<vmem>> -> memref<1x32x768xf32, #tpu.memory_space<vmem>>
    %dma_start3A_48 = tpu.memref_squeeze %dma_start3A_47 : memref<1x32x768xf32, #tpu.memory_space<vmem>> -> memref<32x768xf32, #tpu.memory_space<vmem>>
    %dma_start3A_49 = arith.constant 0 : i32
    %dma_start3A_50 = arith.constant 0 : i32
    %dma_start3A_51 = tpu.memref_slice %arg2[%select_n3A, %add3A_36, %dma_start3A_49, %dma_start3A_50] : memref<16x32x32x768xf32, #tpu.memory_space<hbm>> -> memref<1x1x32x768xf32, #tpu.memory_space<hbm>>
    %dma_start3A_52 = tpu.memref_squeeze %dma_start3A_51 : memref<1x1x32x768xf32, #tpu.memory_space<hbm>> -> memref<32x768xf32, #tpu.memory_space<hbm>>
    tpu.enqueue_dma source(%dma_start3A_52 : memref<32x768xf32, #tpu.memory_space<hbm>>) target(%dma_start3A_48 : memref<32x768xf32, #tpu.memory_space<vmem>>) target_semaphore(%arg8 : memref<!tpu.dma_semaphore, #tpu.memory_space<semaphore_mem>>)
    %add3A_53 = arith.constant 0 : i32
    %add3A_54 = arith.addi %add3A_34, %add3A_53 : i32
    %dma_start3A_55 = arith.constant 0 : i32
    %dma_start3A_56 = arith.constant 0 : i32
    %dma_start3A_57 = arith.constant 0 : i32
    %dma_start3A_58 = tpu.memref_slice %arg6[%dma_start3A_55, %dma_start3A_56, %dma_start3A_57] : memref<2x32x768xf32, #tpu.memory_space<vmem>> -> memref<1x32x768xf32, #tpu.memory_space<vmem>>
    %dma_start3A_59 = tpu.memref_squeeze %dma_start3A_58 : memref<1x32x768xf32, #tpu.memory_space<vmem>> -> memref<32x768xf32, #tpu.memory_space<vmem>>
    %dma_start3A_60 = arith.constant 0 : i32
    %dma_start3A_61 = arith.constant 0 : i32
    %dma_start3A_62 = tpu.memref_slice %arg3[%select_n3A, %add3A_54, %dma_start3A_60, %dma_start3A_61] : memref<16x32x32x768xf32, #tpu.memory_space<hbm>> -> memref<1x1x32x768xf32, #tpu.memory_space<hbm>>
    %dma_start3A_63 = tpu.memref_squeeze %dma_start3A_62 : memref<1x1x32x768xf32, #tpu.memory_space<hbm>> -> memref<32x768xf32, #tpu.memory_space<hbm>>
    %dma_start3A_64 = arith.constant 0 : i32
    %dma_start3A_65 = arith.constant 0 : i32
    %dma_start3A_66 = tpu.memref_slice %arg6[%dma_start3A_55, %dma_start3A_64, %dma_start3A_65] : memref<2x32x768xf32, #tpu.memory_space<vmem>> -> memref<1x32x768xf32, #tpu.memory_space<vmem>>
    %dma_start3A_67 = tpu.memref_squeeze %dma_start3A_66 : memref<1x32x768xf32, #tpu.memory_space<vmem>> -> memref<32x768xf32, #tpu.memory_space<vmem>>
    %dma_start3A_68 = arith.constant 0 : i32
    %dma_start3A_69 = arith.constant 0 : i32
    %dma_start3A_70 = tpu.memref_slice %arg3[%select_n3A, %add3A_54, %dma_start3A_68, %dma_start3A_69] : memref<16x32x32x768xf32, #tpu.memory_space<hbm>> -> memref<1x1x32x768xf32, #tpu.memory_space<hbm>>
    %dma_start3A_71 = tpu.memref_squeeze %dma_start3A_70 : memref<1x1x32x768xf32, #tpu.memory_space<hbm>> -> memref<32x768xf32, #tpu.memory_space<hbm>>
    tpu.enqueue_dma source(%dma_start3A_71 : memref<32x768xf32, #tpu.memory_space<hbm>>) target(%dma_start3A_67 : memref<32x768xf32, #tpu.memory_space<vmem>>) target_semaphore(%arg8 : memref<!tpu.dma_semaphore, #tpu.memory_space<semaphore_mem>>)
    %add3A_72 = arith.constant 1 : i32
    %add3A_73 = arith.addi %add3A_34, %add3A_72 : i32
    %dma_start3A_74 = arith.constant 1 : i32
    %dma_start3A_75 = arith.constant 0 : i32
    %dma_start3A_76 = arith.constant 0 : i32
    %dma_start3A_77 = tpu.memref_slice %arg5[%dma_start3A_74, %dma_start3A_75, %dma_start3A_76] : memref<2x32x768xf32, #tpu.memory_space<vmem>> -> memref<1x32x768xf32, #tpu.memory_space<vmem>>
    %dma_start3A_78 = tpu.memref_squeeze %dma_start3A_77 : memref<1x32x768xf32, #tpu.memory_space<vmem>> -> memref<32x768xf32, #tpu.memory_space<vmem>>
    %dma_start3A_79 = arith.constant 0 : i32
    %dma_start3A_80 = arith.constant 0 : i32
    %dma_start3A_81 = tpu.memref_slice %arg2[%select_n3A, %add3A_73, %dma_start3A_79, %dma_start3A_80] : memref<16x32x32x768xf32, #tpu.memory_space<hbm>> -> memref<1x1x32x768xf32, #tpu.memory_space<hbm>>
    %dma_start3A_82 = tpu.memref_squeeze %dma_start3A_81 : memref<1x1x32x768xf32, #tpu.memory_space<hbm>> -> memref<32x768xf32, #tpu.memory_space<hbm>>
    %dma_start3A_83 = arith.constant 0 : i32
    %dma_start3A_84 = arith.constant 0 : i32
    %dma_start3A_85 = tpu.memref_slice %arg5[%dma_start3A_74, %dma_start3A_83, %dma_start3A_84] : memref<2x32x768xf32, #tpu.memory_space<vmem>> -> memref<1x32x768xf32, #tpu.memory_space<vmem>>
    %dma_start3A_86 = tpu.memref_squeeze %dma_start3A_85 : memref<1x32x768xf32, #tpu.memory_space<vmem>> -> memref<32x768xf32, #tpu.memory_space<vmem>>
    %dma_start3A_87 = arith.constant 0 : i32
    %dma_start3A_88 = arith.constant 0 : i32
    %dma_start3A_89 = tpu.memref_slice %arg2[%select_n3A, %add3A_73, %dma_start3A_87, %dma_start3A_88] : memref<16x32x32x768xf32, #tpu.memory_space<hbm>> -> memref<1x1x32x768xf32, #tpu.memory_space<hbm>>
    %dma_start3A_90 = tpu.memref_squeeze %dma_start3A_89 : memref<1x1x32x768xf32, #tpu.memory_space<hbm>> -> memref<32x768xf32, #tpu.memory_space<hbm>>
    tpu.enqueue_dma source(%dma_start3A_90 : memref<32x768xf32, #tpu.memory_space<hbm>>) target(%dma_start3A_86 : memref<32x768xf32, #tpu.memory_space<vmem>>) target_semaphore(%arg9 : memref<!tpu.dma_semaphore, #tpu.memory_space<semaphore_mem>>)
    %add3A_91 = arith.constant 1 : i32
    %add3A_92 = arith.addi %add3A_34, %add3A_91 : i32
    %dma_start3A_93 = arith.constant 1 : i32
    %dma_start3A_94 = arith.constant 0 : i32
    %dma_start3A_95 = arith.constant 0 : i32
    %dma_start3A_96 = tpu.memref_slice %arg6[%dma_start3A_93, %dma_start3A_94, %dma_start3A_95] : memref<2x32x768xf32, #tpu.memory_space<vmem>> -> memref<1x32x768xf32, #tpu.memory_space<vmem>>
    %dma_start3A_97 = tpu.memref_squeeze %dma_start3A_96 : memref<1x32x768xf32, #tpu.memory_space<vmem>> -> memref<32x768xf32, #tpu.memory_space<vmem>>
    %dma_start3A_98 = arith.constant 0 : i32
    %dma_start3A_99 = arith.constant 0 : i32
    %dma_start3A_100 = tpu.memref_slice %arg3[%select_n3A, %add3A_92, %dma_start3A_98, %dma_start3A_99] : memref<16x32x32x768xf32, #tpu.memory_space<hbm>> -> memref<1x1x32x768xf32, #tpu.memory_space<hbm>>
    %dma_start3A_101 = tpu.memref_squeeze %dma_start3A_100 : memref<1x1x32x768xf32, #tpu.memory_space<hbm>> -> memref<32x768xf32, #tpu.memory_space<hbm>>
    %dma_start3A_102 = arith.constant 0 : i32
    %dma_start3A_103 = arith.constant 0 : i32
    %dma_start3A_104 = tpu.memref_slice %arg6[%dma_start3A_93, %dma_start3A_102, %dma_start3A_103] : memref<2x32x768xf32, #tpu.memory_space<vmem>> -> memref<1x32x768xf32, #tpu.memory_space<vmem>>
    %dma_start3A_105 = tpu.memref_squeeze %dma_start3A_104 : memref<1x32x768xf32, #tpu.memory_space<vmem>> -> memref<32x768xf32, #tpu.memory_space<vmem>>
    %dma_start3A_106 = arith.constant 0 : i32
    %dma_start3A_107 = arith.constant 0 : i32
    %dma_start3A_108 = tpu.memref_slice %arg3[%select_n3A, %add3A_92, %dma_start3A_106, %dma_start3A_107] : memref<16x32x32x768xf32, #tpu.memory_space<hbm>> -> memref<1x1x32x768xf32, #tpu.memory_space<hbm>>
    %dma_start3A_109 = tpu.memref_squeeze %dma_start3A_108 : memref<1x1x32x768xf32, #tpu.memory_space<hbm>> -> memref<32x768xf32, #tpu.memory_space<hbm>>
    tpu.enqueue_dma source(%dma_start3A_109 : memref<32x768xf32, #tpu.memory_space<hbm>>) target(%dma_start3A_105 : memref<32x768xf32, #tpu.memory_space<vmem>>) target_semaphore(%arg9 : memref<!tpu.dma_semaphore, #tpu.memory_space<semaphore_mem>>)
    %broadcast_in_dim3A = arith.constant 0.000000e+00 : f32
    %broadcast_in_dim3A_110 = vector.broadcast %broadcast_in_dim3A : f32 to vector<16xf32>
    %scan3A = arith.constant 0 : i32
    %scan3A_111 = arith.constant 2 : i32
    %scan3A_112 = arith.addi %scan3A, %scan3A_111 : i32
    %scan3A_113 = arith.constant 1 : i32
    %scan3A_114:3 = scf.for %scan3A_133 = %scan3A to %scan3A_112 step %scan3A_113 iter_args(%scan3A_134 = %broadcast_in_dim3A_110, %scan3A_135 = %broadcast_in_dim3A_110, %scan3A_136 = %broadcast_in_dim3A_110) -> (vector<16xf32>, vector<16xf32>, vector<16xf32>)  : i32 {
      %dma_wait3A = arith.constant 0 : i32
      %dma_wait3A_137 = arith.constant 0 : i32
      %dma_wait3A_138 = arith.constant 0 : i32
      %dma_wait3A_139 = tpu.memref_slice %arg5[%dma_wait3A, %dma_wait3A_137, %dma_wait3A_138] : memref<2x32x768xf32, #tpu.memory_space<vmem>> -> memref<1x32x768xf32, #tpu.memory_space<vmem>>
      %dma_wait3A_140 = tpu.memref_squeeze %dma_wait3A_139 : memref<1x32x768xf32, #tpu.memory_space<vmem>> -> memref<32x768xf32, #tpu.memory_space<vmem>>
      %dma_wait3A_141 = arith.constant 0 : i32
      %dma_wait3A_142 = arith.constant 0 : i32
      %dma_wait3A_143 = tpu.memref_slice %arg2[%select_n3A, %add3A_34, %dma_wait3A_141, %dma_wait3A_142] : memref<16x32x32x768xf32, #tpu.memory_space<hbm>> -> memref<1x1x32x768xf32, #tpu.memory_space<hbm>>
      %dma_wait3A_144 = tpu.memref_squeeze %dma_wait3A_143 : memref<1x1x32x768xf32, #tpu.memory_space<hbm>> -> memref<32x768xf32, #tpu.memory_space<hbm>>
      %dma_wait3A_145 = arith.constant 0 : i32
      %dma_wait3A_146 = arith.constant 0 : i32
      %dma_wait3A_147 = tpu.memref_slice %arg5[%dma_wait3A, %dma_wait3A_145, %dma_wait3A_146] : memref<2x32x768xf32, #tpu.memory_space<vmem>> -> memref<1x32x768xf32, #tpu.memory_space<vmem>>
      %dma_wait3A_148 = tpu.memref_squeeze %dma_wait3A_147 : memref<1x32x768xf32, #tpu.memory_space<vmem>> -> memref<32x768xf32, #tpu.memory_space<vmem>>
      %dma_wait3A_149 = arith.constant 0 : i32
      %dma_wait3A_150 = arith.constant 0 : i32
      %dma_wait3A_151 = tpu.memref_slice %arg2[%select_n3A, %add3A_34, %dma_wait3A_149, %dma_wait3A_150] : memref<16x32x32x768xf32, #tpu.memory_space<hbm>> -> memref<1x1x32x768xf32, #tpu.memory_space<hbm>>
      %dma_wait3A_152 = tpu.memref_squeeze %dma_wait3A_151 : memref<1x1x32x768xf32, #tpu.memory_space<hbm>> -> memref<32x768xf32, #tpu.memory_space<hbm>>
      tpu.wait_dma2 semaphore(%arg8 : memref<!tpu.dma_semaphore, #tpu.memory_space<semaphore_mem>>) src(%dma_wait3A_152 : memref<32x768xf32, #tpu.memory_space<hbm>>) dst(%dma_wait3A_148 : memref<32x768xf32, #tpu.memory_space<vmem>>)
      %dma_wait3A_153 = arith.constant 0 : i32
      %dma_wait3A_154 = arith.constant 0 : i32
      %dma_wait3A_155 = arith.constant 0 : i32
      %dma_wait3A_156 = tpu.memref_slice %arg6[%dma_wait3A_153, %dma_wait3A_154, %dma_wait3A_155] : memref<2x32x768xf32, #tpu.memory_space<vmem>> -> memref<1x32x768xf32, #tpu.memory_space<vmem>>
      %dma_wait3A_157 = tpu.memref_squeeze %dma_wait3A_156 : memref<1x32x768xf32, #tpu.memory_space<vmem>> -> memref<32x768xf32, #tpu.memory_space<vmem>>
      %dma_wait3A_158 = arith.constant 0 : i32
      %dma_wait3A_159 = arith.constant 0 : i32
      %dma_wait3A_160 = tpu.memref_slice %arg3[%select_n3A, %add3A_34, %dma_wait3A_158, %dma_wait3A_159] : memref<16x32x32x768xf32, #tpu.memory_space<hbm>> -> memref<1x1x32x768xf32, #tpu.memory_space<hbm>>
      %dma_wait3A_161 = tpu.memref_squeeze %dma_wait3A_160 : memref<1x1x32x768xf32, #tpu.memory_space<hbm>> -> memref<32x768xf32, #tpu.memory_space<hbm>>
      %dma_wait3A_162 = arith.constant 0 : i32
      %dma_wait3A_163 = arith.constant 0 : i32
      %dma_wait3A_164 = tpu.memref_slice %arg6[%dma_wait3A_153, %dma_wait3A_162, %dma_wait3A_163] : memref<2x32x768xf32, #tpu.memory_space<vmem>> -> memref<1x32x768xf32, #tpu.memory_space<vmem>>
      %dma_wait3A_165 = tpu.memref_squeeze %dma_wait3A_164 : memref<1x32x768xf32, #tpu.memory_space<vmem>> -> memref<32x768xf32, #tpu.memory_space<vmem>>
      %dma_wait3A_166 = arith.constant 0 : i32
      %dma_wait3A_167 = arith.constant 0 : i32
      %dma_wait3A_168 = tpu.memref_slice %arg3[%select_n3A, %add3A_34, %dma_wait3A_166, %dma_wait3A_167] : memref<16x32x32x768xf32, #tpu.memory_space<hbm>> -> memref<1x1x32x768xf32, #tpu.memory_space<hbm>>
      %dma_wait3A_169 = tpu.memref_squeeze %dma_wait3A_168 : memref<1x1x32x768xf32, #tpu.memory_space<hbm>> -> memref<32x768xf32, #tpu.memory_space<hbm>>
      tpu.wait_dma2 semaphore(%arg8 : memref<!tpu.dma_semaphore, #tpu.memory_space<semaphore_mem>>) src(%dma_wait3A_169 : memref<32x768xf32, #tpu.memory_space<hbm>>) dst(%dma_wait3A_165 : memref<32x768xf32, #tpu.memory_space<vmem>>)
      %scan3A_170 = arith.constant 0 : i32
      %scan3A_171 = arith.constant 32 : i32
      %scan3A_172 = arith.addi %scan3A_170, %scan3A_171 : i32
      %scan3A_173 = arith.constant 1 : i32
      %scan3A_174:3 = scf.for %scan3A_224 = %scan3A_170 to %scan3A_172 step %scan3A_173 iter_args(%scan3A_225 = %scan3A_134, %scan3A_226 = %scan3A_135, %scan3A_227 = %scan3A_136) -> (vector<16xf32>, vector<16xf32>, vector<16xf32>)  : i32 {
        %get3A = arith.constant 0 : i32
        %get3A_228 = arith.index_cast %get3A : i32 to index
        %get3A_229 = arith.index_cast %scan3A_224 : i32 to index
        %get3A_230 = arith.constant 0 : index
        %get3A_231 = tpu.vector_load %arg5[%get3A_228, %get3A_229, %get3A_230] {strides = array<i32>} : memref<2x32x768xf32, #tpu.memory_space<vmem>>, vector<1x1x16xf32>,
        %get3A_232 = vector.shape_cast %get3A_231 : vector<1x1x16xf32> to vector<16xf32>
        %get3A_233 = arith.constant 0 : i32
        %get3A_234 = arith.index_cast %get3A_233 : i32 to index
        %get3A_235 = arith.index_cast %scan3A_224 : i32 to index
        %get3A_236 = arith.constant 0 : index
        %get3A_237 = tpu.vector_load %arg6[%get3A_234, %get3A_235, %get3A_236] {strides = array<i32>} : memref<2x32x768xf32, #tpu.memory_space<vmem>>, vector<1x1x16xf32>,
        %get3A_238 = vector.shape_cast %get3A_237 : vector<1x1x16xf32> to vector<16xf32>
        %mul3A_239 = arith.mulf %get3A_232, %get3A_238 : vector<16xf32>
        %add3A_240 = arith.addf %scan3A_225, %mul3A_239 : vector<16xf32>
        %mul3A_241 = arith.mulf %get3A_232, %get3A_232 : vector<16xf32>
        %add3A_242 = arith.addf %scan3A_226, %mul3A_241 : vector<16xf32>
        %mul3A_243 = arith.mulf %get3A_238, %get3A_238 : vector<16xf32>
        %add3A_244 = arith.addf %scan3A_227, %mul3A_243 : vector<16xf32>
        %get3A_245 = arith.constant 0 : i32
        %get3A_246 = arith.index_cast %get3A_245 : i32 to index
        %get3A_247 = arith.index_cast %scan3A_224 : i32 to index
        %get3A_248 = arith.constant 16 : index
        %get3A_249 = tpu.vector_load %arg5[%get3A_246, %get3A_247, %get3A_248] {strides = array<i32>} : memref<2x32x768xf32, #tpu.memory_space<vmem>>, vector<1x1x16xf32>,
        %get3A_250 = vector.shape_cast %get3A_249 : vector<1x1x16xf32> to vector<16xf32>
        %get3A_251 = arith.constant 0 : i32
        %get3A_252 = arith.index_cast %get3A_251 : i32 to index
        %get3A_253 = arith.index_cast %scan3A_224 : i32 to index
        %get3A_254 = arith.constant 16 : index
        %get3A_255 = tpu.vector_load %arg6[%get3A_252, %get3A_253, %get3A_254] {strides = array<i32>} : memref<2x32x768xf32, #tpu.memory_space<vmem>>, vector<1x1x16xf32>,
        %get3A_256 = vector.shape_cast %get3A_255 : vector<1x1x16xf32> to vector<16xf32>
        %mul3A_257 = arith.mulf %get3A_250, %get3A_256 : vector<16xf32>
        %add3A_258 = arith.addf %add3A_240, %mul3A_257 : vector<16xf32>
        %mul3A_259 = arith.mulf %get3A_250, %get3A_250 : vector<16xf32>
        %add3A_260 = arith.addf %add3A_242, %mul3A_259 : vector<16xf32>
        %mul3A_261 = arith.mulf %get3A_256, %get3A_256 : vector<16xf32>
        %add3A_262 = arith.addf %add3A_244, %mul3A_261 : vector<16xf32>
        %get3A_263 = arith.constant 0 : i32
        %get3A_264 = arith.index_cast %get3A_263 : i32 to index
        %get3A_265 = arith.index_cast %scan3A_224 : i32 to index
        %get3A_266 = arith.constant 32 : index
        %get3A_267 = tpu.vector_load %arg5[%get3A_264, %get3A_265, %get3A_266] {strides = array<i32>} : memref<2x32x768xf32, #tpu.memory_space<vmem>>, vector<1x1x16xf32>,
        %get3A_268 = vector.shape_cast %get3A_267 : vector<1x1x16xf32> to vector<16xf32>
        %get3A_269 = arith.constant 0 : i32
        %get3A_270 = arith.index_cast %get3A_269 : i32 to index
        %get3A_271 = arith.index_cast %scan3A_224 : i32 to index
        %get3A_272 = arith.constant 32 : index
        %get3A_273 = tpu.vector_load %arg6[%get3A_270, %get3A_271, %get3A_272] {strides = array<i32>} : memref<2x32x768xf32, #tpu.memory_space<vmem>>, vector<1x1x16xf32>,
        %get3A_274 = vector.shape_cast %get3A_273 : vector<1x1x16xf32> to vector<16xf32>
        %mul3A_275 = arith.mulf %get3A_268, %get3A_274 : vector<16xf32>
        %add3A_276 = arith.addf %add3A_258, %mul3A_275 : vector<16xf32>
        %mul3A_277 = arith.mulf %get3A_268, %get3A_268 : vector<16xf32>
        %add3A_278 = arith.addf %add3A_260, %mul3A_277 : vector<16xf32>
        %mul3A_279 = arith.mulf %get3A_274, %get3A_274 : vector<16xf32>
        %add3A_280 = arith.addf %add3A_262, %mul3A_279 : vector<16xf32>
        %get3A_281 = arith.constant 0 : i32
        %get3A_282 = arith.index_cast %get3A_281 : i32 to index
        %get3A_283 = arith.index_cast %scan3A_224 : i32 to index
        %get3A_284 = arith.constant 48 : index
        %get3A_285 = tpu.vector_load %arg5[%get3A_282, %get3A_283, %get3A_284] {strides = array<i32>} : memref<2x32x768xf32, #tpu.memory_space<vmem>>, vector<1x1x16xf32>,
        %get3A_286 = vector.shape_cast %get3A_285 : vector<1x1x16xf32> to vector<16xf32>
        %get3A_287 = arith.constant 0 : i32
        %get3A_288 = arith.index_cast %get3A_287 : i32 to index
        %get3A_289 = arith.index_cast %scan3A_224 : i32 to index
        %get3A_290 = arith.constant 48 : index
        %get3A_291 = tpu.vector_load %arg6[%get3A_288, %get3A_289, %get3A_290] {strides = array<i32>} : memref<2x32x768xf32, #tpu.memory_space<vmem>>, vector<1x1x16xf32>,
        %get3A_292 = vector.shape_cast %get3A_291 : vector<1x1x16xf32> to vector<16xf32>
        %mul3A_293 = arith.mulf %get3A_286, %get3A_292 : vector<16xf32>
        %add3A_294 = arith.addf %add3A_276, %mul3A_293 : vector<16xf32>
        %mul3A_295 = arith.mulf %get3A_286, %get3A_286 : vector<16xf32>
        %add3A_296 = arith.addf %add3A_278, %mul3A_295 : vector<16xf32>
        %mul3A_297 = arith.mulf %get3A_292, %get3A_292 : vector<16xf32>
        %add3A_298 = arith.addf %add3A_280, %mul3A_297 : vector<16xf32>
        %get3A_299 = arith.constant 0 : i32
        %get3A_300 = arith.index_cast %get3A_299 : i32 to index
        %get3A_301 = arith.index_cast %scan3A_224 : i32 to index
        %get3A_302 = arith.constant 64 : index
        %get3A_303 = tpu.vector_load %arg5[%get3A_300, %get3A_301, %get3A_302] {strides = array<i32>} : memref<2x32x768xf32, #tpu.memory_space<vmem>>, vector<1x1x16xf32>,
        %get3A_304 = vector.shape_cast %get3A_303 : vector<1x1x16xf32> to vector<16xf32>
        %get3A_305 = arith.constant 0 : i32
        %get3A_306 = arith.index_cast %get3A_305 : i32 to index
        %get3A_307 = arith.index_cast %scan3A_224 : i32 to index
        %get3A_308 = arith.constant 64 : index
        %get3A_309 = tpu.vector_load %arg6[%get3A_306, %get3A_307, %get3A_308] {strides = array<i32>} : memref<2x32x768xf32, #tpu.memory_space<vmem>>, vector<1x1x16xf32>,
        %get3A_310 = vector.shape_cast %get3A_309 : vector<1x1x16xf32> to vector<16xf32>
        %mul3A_311 = arith.mulf %get3A_304, %get3A_310 : vector<16xf32>
        %add3A_312 = arith.addf %add3A_294, %mul3A_311 : vector<16xf32>
        %mul3A_313 = arith.mulf %get3A_304, %get3A_304 : vector<16xf32>
        %add3A_314 = arith.addf %add3A_296, %mul3A_313 : vector<16xf32>
        %mul3A_315 = arith.mulf %get3A_310, %get3A_310 : vector<16xf32>
        %add3A_316 = arith.addf %add3A_298, %mul3A_315 : vector<16xf32>
        %get3A_317 = arith.constant 0 : i32
        %get3A_318 = arith.index_cast %get3A_317 : i32 to index
        %get3A_319 = arith.index_cast %scan3A_224 : i32 to index
        %get3A_320 = arith.constant 80 : index
        %get3A_321 = tpu.vector_load %arg5[%get3A_318, %get3A_319, %get3A_320] {strides = array<i32>} : memref<2x32x768xf32, #tpu.memory_space<vmem>>, vector<1x1x16xf32>,
        %get3A_322 = vector.shape_cast %get3A_321 : vector<1x1x16xf32> to vector<16xf32>
        %get3A_323 = arith.constant 0 : i32
        %get3A_324 = arith.index_cast %get3A_323 : i32 to index
        %get3A_325 = arith.index_cast %scan3A_224 : i32 to index
        %get3A_326 = arith.constant 80 : index
        %get3A_327 = tpu.vector_load %arg6[%get3A_324, %get3A_325, %get3A_326] {strides = array<i32>} : memref<2x32x768xf32, #tpu.memory_space<vmem>>, vector<1x1x16xf32>,
        %get3A_328 = vector.shape_cast %get3A_327 : vector<1x1x16xf32> to vector<16xf32>
        %mul3A_329 = arith.mulf %get3A_322, %get3A_328 : vector<16xf32>
        %add3A_330 = arith.addf %add3A_312, %mul3A_329 : vector<16xf32>
        %mul3A_331 = arith.mulf %get3A_322, %get3A_322 : vector<16xf32>
        %add3A_332 = arith.addf %add3A_314, %mul3A_331 : vector<16xf32>
        %mul3A_333 = arith.mulf %get3A_328, %get3A_328 : vector<16xf32>
        %add3A_334 = arith.addf %add3A_316, %mul3A_333 : vector<16xf32>
        %get3A_335 = arith.constant 0 : i32
        %get3A_336 = arith.index_cast %get3A_335 : i32 to index
        %get3A_337 = arith.index_cast %scan3A_224 : i32 to index
        %get3A_338 = arith.constant 96 : index
        %get3A_339 = tpu.vector_load %arg5[%get3A_336, %get3A_337, %get3A_338] {strides = array<i32>} : memref<2x32x768xf32, #tpu.memory_space<vmem>>, vector<1x1x16xf32>,
        %get3A_340 = vector.shape_cast %get3A_339 : vector<1x1x16xf32> to vector<16xf32>
        %get3A_341 = arith.constant 0 : i32
        %get3A_342 = arith.index_cast %get3A_341 : i32 to index
        %get3A_343 = arith.index_cast %scan3A_224 : i32 to index
        %get3A_344 = arith.constant 96 : index
        %get3A_345 = tpu.vector_load %arg6[%get3A_342, %get3A_343, %get3A_344] {strides = array<i32>} : memref<2x32x768xf32, #tpu.memory_space<vmem>>, vector<1x1x16xf32>,
        %get3A_346 = vector.shape_cast %get3A_345 : vector<1x1x16xf32> to vector<16xf32>
        %mul3A_347 = arith.mulf %get3A_340, %get3A_346 : vector<16xf32>
        %add3A_348 = arith.addf %add3A_330, %mul3A_347 : vector<16xf32>
        %mul3A_349 = arith.mulf %get3A_340, %get3A_340 : vector<16xf32>
        %add3A_350 = arith.addf %add3A_332, %mul3A_349 : vector<16xf32>
        %mul3A_351 = arith.mulf %get3A_346, %get3A_346 : vector<16xf32>
        %add3A_352 = arith.addf %add3A_334, %mul3A_351 : vector<16xf32>
        %get3A_353 = arith.constant 0 : i32
        %get3A_354 = arith.index_cast %get3A_353 : i32 to index
        %get3A_355 = arith.index_cast %scan3A_224 : i32 to index
        %get3A_356 = arith.constant 112 : index
        %get3A_357 = tpu.vector_load %arg5[%get3A_354, %get3A_355, %get3A_356] {strides = array<i32>} : memref<2x32x768xf32, #tpu.memory_space<vmem>>, vector<1x1x16xf32>,
        %get3A_358 = vector.shape_cast %get3A_357 : vector<1x1x16xf32> to vector<16xf32>
        %get3A_359 = arith.constant 0 : i32
        %get3A_360 = arith.index_cast %get3A_359 : i32 to index
        %get3A_361 = arith.index_cast %scan3A_224 : i32 to index
        %get3A_362 = arith.constant 112 : index
        %get3A_363 = tpu.vector_load %arg6[%get3A_360, %get3A_361, %get3A_362] {strides = array<i32>} : memref<2x32x768xf32, #tpu.memory_space<vmem>>, vector<1x1x16xf32>,
        %get3A_364 = vector.shape_cast %get3A_363 : vector<1x1x16xf32> to vector<16xf32>
        %mul3A_365 = arith.mulf %get3A_358, %get3A_364 : vector<16xf32>
        %add3A_366 = arith.addf %add3A_348, %mul3A_365 : vector<16xf32>
        %mul3A_367 = arith.mulf %get3A_358, %get3A_358 : vector<16xf32>
        %add3A_368 = arith.addf %add3A_350, %mul3A_367 : vector<16xf32>
        %mul3A_369 = arith.mulf %get3A_364, %get3A_364 : vector<16xf32>
        %add3A_370 = arith.addf %add3A_352, %mul3A_369 : vector<16xf32>
        %get3A_371 = arith.constant 0 : i32
        %get3A_372 = arith.index_cast %get3A_371 : i32 to index
        %get3A_373 = arith.index_cast %scan3A_224 : i32 to index
        %get3A_374 = arith.constant 128 : index
        %get3A_375 = tpu.vector_load %arg5[%get3A_372, %get3A_373, %get3A_374] {strides = array<i32>} : memref<2x32x768xf32, #tpu.memory_space<vmem>>, vector<1x1x16xf32>,
        %get3A_376 = vector.shape_cast %get3A_375 : vector<1x1x16xf32> to vector<16xf32>
        %get3A_377 = arith.constant 0 : i32
        %get3A_378 = arith.index_cast %get3A_377 : i32 to index
        %get3A_379 = arith.index_cast %scan3A_224 : i32 to index
        %get3A_380 = arith.constant 128 : index
        %get3A_381 = tpu.vector_load %arg6[%get3A_378, %get3A_379, %get3A_380] {strides = array<i32>} : memref<2x32x768xf32, #tpu.memory_space<vmem>>, vector<1x1x16xf32>,
        %get3A_382 = vector.shape_cast %get3A_381 : vector<1x1x16xf32> to vector<16xf32>
        %mul3A_383 = arith.mulf %get3A_376, %get3A_382 : vector<16xf32>
        %add3A_384 = arith.addf %add3A_366, %mul3A_383 : vector<16xf32>
        %mul3A_385 = arith.mulf %get3A_376, %get3A_376 : vector<16xf32>
        %add3A_386 = arith.addf %add3A_368, %mul3A_385 : vector<16xf32>
        %mul3A_387 = arith.mulf %get3A_382, %get3A_382 : vector<16xf32>
        %add3A_388 = arith.addf %add3A_370, %mul3A_387 : vector<16xf32>
        %get3A_389 = arith.constant 0 : i32
        %get3A_390 = arith.index_cast %get3A_389 : i32 to index
        %get3A_391 = arith.index_cast %scan3A_224 : i32 to index
        %get3A_392 = arith.constant 144 : index
        %get3A_393 = tpu.vector_load %arg5[%get3A_390, %get3A_391, %get3A_392] {strides = array<i32>} : memref<2x32x768xf32, #tpu.memory_space<vmem>>, vector<1x1x16xf32>,
        %get3A_394 = vector.shape_cast %get3A_393 : vector<1x1x16xf32> to vector<16xf32>
        %get3A_395 = arith.constant 0 : i32
        %get3A_396 = arith.index_cast %get3A_395 : i32 to index
        %get3A_397 = arith.index_cast %scan3A_224 : i32 to index
        %get3A_398 = arith.constant 144 : index
        %get3A_399 = tpu.vector_load %arg6[%get3A_396, %get3A_397, %get3A_398] {strides = array<i32>} : memref<2x32x768xf32, #tpu.memory_space<vmem>>, vector<1x1x16xf32>,
        %get3A_400 = vector.shape_cast %get3A_399 : vector<1x1x16xf32> to vector<16xf32>
        %mul3A_401 = arith.mulf %get3A_394, %get3A_400 : vector<16xf32>
        %add3A_402 = arith.addf %add3A_384, %mul3A_401 : vector<16xf32>
        %mul3A_403 = arith.mulf %get3A_394, %get3A_394 : vector<16xf32>
        %add3A_404 = arith.addf %add3A_386, %mul3A_403 : vector<16xf32>
        %mul3A_405 = arith.mulf %get3A_400, %get3A_400 : vector<16xf32>
        %add3A_406 = arith.addf %add3A_388, %mul3A_405 : vector<16xf32>
        %get3A_407 = arith.constant 0 : i32
        %get3A_408 = arith.index_cast %get3A_407 : i32 to index
        %get3A_409 = arith.index_cast %scan3A_224 : i32 to index
        %get3A_410 = arith.constant 160 : index
        %get3A_411 = tpu.vector_load %arg5[%get3A_408, %get3A_409, %get3A_410] {strides = array<i32>} : memref<2x32x768xf32, #tpu.memory_space<vmem>>, vector<1x1x16xf32>,
        %get3A_412 = vector.shape_cast %get3A_411 : vector<1x1x16xf32> to vector<16xf32>
        %get3A_413 = arith.constant 0 : i32
        %get3A_414 = arith.index_cast %get3A_413 : i32 to index
        %get3A_415 = arith.index_cast %scan3A_224 : i32 to index
        %get3A_416 = arith.constant 160 : index
        %get3A_417 = tpu.vector_load %arg6[%get3A_414, %get3A_415, %get3A_416] {strides = array<i32>} : memref<2x32x768xf32, #tpu.memory_space<vmem>>, vector<1x1x16xf32>,
        %get3A_418 = vector.shape_cast %get3A_417 : vector<1x1x16xf32> to vector<16xf32>
        %mul3A_419 = arith.mulf %get3A_412, %get3A_418 : vector<16xf32>
        %add3A_420 = arith.addf %add3A_402, %mul3A_419 : vector<16xf32>
        %mul3A_421 = arith.mulf %get3A_412, %get3A_412 : vector<16xf32>
        %add3A_422 = arith.addf %add3A_404, %mul3A_421 : vector<16xf32>
        %mul3A_423 = arith.mulf %get3A_418, %get3A_418 : vector<16xf32>
        %add3A_424 = arith.addf %add3A_406, %mul3A_423 : vector<16xf32>
        %get3A_425 = arith.constant 0 : i32
        %get3A_426 = arith.index_cast %get3A_425 : i32 to index
        %get3A_427 = arith.index_cast %scan3A_224 : i32 to index
        %get3A_428 = arith.constant 176 : index
        %get3A_429 = tpu.vector_load %arg5[%get3A_426, %get3A_427, %get3A_428] {strides = array<i32>} : memref<2x32x768xf32, #tpu.memory_space<vmem>>, vector<1x1x16xf32>,
        %get3A_430 = vector.shape_cast %get3A_429 : vector<1x1x16xf32> to vector<16xf32>
        %get3A_431 = arith.constant 0 : i32
        %get3A_432 = arith.index_cast %get3A_431 : i32 to index
        %get3A_433 = arith.index_cast %scan3A_224 : i32 to index
        %get3A_434 = arith.constant 176 : index
        %get3A_435 = tpu.vector_load %arg6[%get3A_432, %get3A_433, %get3A_434] {strides = array<i32>} : memref<2x32x768xf32, #tpu.memory_space<vmem>>, vector<1x1x16xf32>,
        %get3A_436 = vector.shape_cast %get3A_435 : vector<1x1x16xf32> to vector<16xf32>
        %mul3A_437 = arith.mulf %get3A_430, %get3A_436 : vector<16xf32>
        %add3A_438 = arith.addf %add3A_420, %mul3A_437 : vector<16xf32>
        %mul3A_439 = arith.mulf %get3A_430, %get3A_430 : vector<16xf32>
        %add3A_440 = arith.addf %add3A_422, %mul3A_439 : vector<16xf32>
        %mul3A_441 = arith.mulf %get3A_436, %get3A_436 : vector<16xf32>
        %add3A_442 = arith.addf %add3A_424, %mul3A_441 : vector<16xf32>
        %get3A_443 = arith.constant 0 : i32
        %get3A_444 = arith.index_cast %get3A_443 : i32 to index
        %get3A_445 = arith.index_cast %scan3A_224 : i32 to index
        %get3A_446 = arith.constant 192 : index
        %get3A_447 = tpu.vector_load %arg5[%get3A_444, %get3A_445, %get3A_446] {strides = array<i32>} : memref<2x32x768xf32, #tpu.memory_space<vmem>>, vector<1x1x16xf32>,
        %get3A_448 = vector.shape_cast %get3A_447 : vector<1x1x16xf32> to vector<16xf32>
        %get3A_449 = arith.constant 0 : i32
        %get3A_450 = arith.index_cast %get3A_449 : i32 to index
        %get3A_451 = arith.index_cast %scan3A_224 : i32 to index
        %get3A_452 = arith.constant 192 : index
        %get3A_453 = tpu.vector_load %arg6[%get3A_450, %get3A_451, %get3A_452] {strides = array<i32>} : memref<2x32x768xf32, #tpu.memory_space<vmem>>, vector<1x1x16xf32>,
        %get3A_454 = vector.shape_cast %get3A_453 : vector<1x1x16xf32> to vector<16xf32>
        %mul3A_455 = arith.mulf %get3A_448, %get3A_454 : vector<16xf32>
        %add3A_456 = arith.addf %add3A_438, %mul3A_455 : vector<16xf32>
        %mul3A_457 = arith.mulf %get3A_448, %get3A_448 : vector<16xf32>
        %add3A_458 = arith.addf %add3A_440, %mul3A_457 : vector<16xf32>
        %mul3A_459 = arith.mulf %get3A_454, %get3A_454 : vector<16xf32>
        %add3A_460 = arith.addf %add3A_442, %mul3A_459 : vector<16xf32>
        %get3A_461 = arith.constant 0 : i32
        %get3A_462 = arith.index_cast %get3A_461 : i32 to index
        %get3A_463 = arith.index_cast %scan3A_224 : i32 to index
        %get3A_464 = arith.constant 208 : index
        %get3A_465 = tpu.vector_load %arg5[%get3A_462, %get3A_463, %get3A_464] {strides = array<i32>} : memref<2x32x768xf32, #tpu.memory_space<vmem>>, vector<1x1x16xf32>,
        %get3A_466 = vector.shape_cast %get3A_465 : vector<1x1x16xf32> to vector<16xf32>
        %get3A_467 = arith.constant 0 : i32
        %get3A_468 = arith.index_cast %get3A_467 : i32 to index
        %get3A_469 = arith.index_cast %scan3A_224 : i32 to index
        %get3A_470 = arith.constant 208 : index
        %get3A_471 = tpu.vector_load %arg6[%get3A_468, %get3A_469, %get3A_470] {strides = array<i32>} : memref<2x32x768xf32, #tpu.memory_space<vmem>>, vector<1x1x16xf32>,
        %get3A_472 = vector.shape_cast %get3A_471 : vector<1x1x16xf32> to vector<16xf32>
        %mul3A_473 = arith.mulf %get3A_466, %get3A_472 : vector<16xf32>
        %add3A_474 = arith.addf %add3A_456, %mul3A_473 : vector<16xf32>
        %mul3A_475 = arith.mulf %get3A_466, %get3A_466 : vector<16xf32>
        %add3A_476 = arith.addf %add3A_458, %mul3A_475 : vector<16xf32>
        %mul3A_477 = arith.mulf %get3A_472, %get3A_472 : vector<16xf32>
        %add3A_478 = arith.addf %add3A_460, %mul3A_477 : vector<16xf32>
        %get3A_479 = arith.constant 0 : i32
        %get3A_480 = arith.index_cast %get3A_479 : i32 to index
        %get3A_481 = arith.index_cast %scan3A_224 : i32 to index
        %get3A_482 = arith.constant 224 : index
        %get3A_483 = tpu.vector_load %arg5[%get3A_480, %get3A_481, %get3A_482] {strides = array<i32>} : memref<2x32x768xf32, #tpu.memory_space<vmem>>, vector<1x1x16xf32>,
        %get3A_484 = vector.shape_cast %get3A_483 : vector<1x1x16xf32> to vector<16xf32>
        %get3A_485 = arith.constant 0 : i32
        %get3A_486 = arith.index_cast %get3A_485 : i32 to index
        %get3A_487 = arith.index_cast %scan3A_224 : i32 to index
        %get3A_488 = arith.constant 224 : index
        %get3A_489 = tpu.vector_load %arg6[%get3A_486, %get3A_487, %get3A_488] {strides = array<i32>} : memref<2x32x768xf32, #tpu.memory_space<vmem>>, vector<1x1x16xf32>,
        %get3A_490 = vector.shape_cast %get3A_489 : vector<1x1x16xf32> to vector<16xf32>
        %mul3A_491 = arith.mulf %get3A_484, %get3A_490 : vector<16xf32>
        %add3A_492 = arith.addf %add3A_474, %mul3A_491 : vector<16xf32>
        %mul3A_493 = arith.mulf %get3A_484, %get3A_484 : vector<16xf32>
        %add3A_494 = arith.addf %add3A_476, %mul3A_493 : vector<16xf32>
        %mul3A_495 = arith.mulf %get3A_490, %get3A_490 : vector<16xf32>
        %add3A_496 = arith.addf %add3A_478, %mul3A_495 : vector<16xf32>
        %get3A_497 = arith.constant 0 : i32
        %get3A_498 = arith.index_cast %get3A_497 : i32 to index
        %get3A_499 = arith.index_cast %scan3A_224 : i32 to index
        %get3A_500 = arith.constant 240 : index
        %get3A_501 = tpu.vector_load %arg5[%get3A_498, %get3A_499, %get3A_500] {strides = array<i32>} : memref<2x32x768xf32, #tpu.memory_space<vmem>>, vector<1x1x16xf32>,
        %get3A_502 = vector.shape_cast %get3A_501 : vector<1x1x16xf32> to vector<16xf32>
        %get3A_503 = arith.constant 0 : i32
        %get3A_504 = arith.index_cast %get3A_503 : i32 to index
        %get3A_505 = arith.index_cast %scan3A_224 : i32 to index
        %get3A_506 = arith.constant 240 : index
        %get3A_507 = tpu.vector_load %arg6[%get3A_504, %get3A_505, %get3A_506] {strides = array<i32>} : memref<2x32x768xf32, #tpu.memory_space<vmem>>, vector<1x1x16xf32>,
        %get3A_508 = vector.shape_cast %get3A_507 : vector<1x1x16xf32> to vector<16xf32>
        %mul3A_509 = arith.mulf %get3A_502, %get3A_508 : vector<16xf32>
        %add3A_510 = arith.addf %add3A_492, %mul3A_509 : vector<16xf32>
        %mul3A_511 = arith.mulf %get3A_502, %get3A_502 : vector<16xf32>
        %add3A_512 = arith.addf %add3A_494, %mul3A_511 : vector<16xf32>
        %mul3A_513 = arith.mulf %get3A_508, %get3A_508 : vector<16xf32>
        %add3A_514 = arith.addf %add3A_496, %mul3A_513 : vector<16xf32>
        %get3A_515 = arith.constant 0 : i32
        %get3A_516 = arith.index_cast %get3A_515 : i32 to index
        %get3A_517 = arith.index_cast %scan3A_224 : i32 to index
        %get3A_518 = arith.constant 256 : index
        %get3A_519 = tpu.vector_load %arg5[%get3A_516, %get3A_517, %get3A_518] {strides = array<i32>} : memref<2x32x768xf32, #tpu.memory_space<vmem>>, vector<1x1x16xf32>,
        %get3A_520 = vector.shape_cast %get3A_519 : vector<1x1x16xf32> to vector<16xf32>
        %get3A_521 = arith.constant 0 : i32
        %get3A_522 = arith.index_cast %get3A_521 : i32 to index
        %get3A_523 = arith.index_cast %scan3A_224 : i32 to index
        %get3A_524 = arith.constant 256 : index
        %get3A_525 = tpu.vector_load %arg6[%get3A_522, %get3A_523, %get3A_524] {strides = array<i32>} : memref<2x32x768xf32, #tpu.memory_space<vmem>>, vector<1x1x16xf32>,
        %get3A_526 = vector.shape_cast %get3A_525 : vector<1x1x16xf32> to vector<16xf32>
        %mul3A_527 = arith.mulf %get3A_520, %get3A_526 : vector<16xf32>
        %add3A_528 = arith.addf %add3A_510, %mul3A_527 : vector<16xf32>
        %mul3A_529 = arith.mulf %get3A_520, %get3A_520 : vector<16xf32>
        %add3A_530 = arith.addf %add3A_512, %mul3A_529 : vector<16xf32>
        %mul3A_531 = arith.mulf %get3A_526, %get3A_526 : vector<16xf32>
        %add3A_532 = arith.addf %add3A_514, %mul3A_531 : vector<16xf32>
        %get3A_533 = arith.constant 0 : i32
        %get3A_534 = arith.index_cast %get3A_533 : i32 to index
        %get3A_535 = arith.index_cast %scan3A_224 : i32 to index
        %get3A_536 = arith.constant 272 : index
        %get3A_537 = tpu.vector_load %arg5[%get3A_534, %get3A_535, %get3A_536] {strides = array<i32>} : memref<2x32x768xf32, #tpu.memory_space<vmem>>, vector<1x1x16xf32>,
        %get3A_538 = vector.shape_cast %get3A_537 : vector<1x1x16xf32> to vector<16xf32>
        %get3A_539 = arith.constant 0 : i32
        %get3A_540 = arith.index_cast %get3A_539 : i32 to index
        %get3A_541 = arith.index_cast %scan3A_224 : i32 to index
        %get3A_542 = arith.constant 272 : index
        %get3A_543 = tpu.vector_load %arg6[%get3A_540, %get3A_541, %get3A_542] {strides = array<i32>} : memref<2x32x768xf32, #tpu.memory_space<vmem>>, vector<1x1x16xf32>,
        %get3A_544 = vector.shape_cast %get3A_543 : vector<1x1x16xf32> to vector<16xf32>
        %mul3A_545 = arith.mulf %get3A_538, %get3A_544 : vector<16xf32>
        %add3A_546 = arith.addf %add3A_528, %mul3A_545 : vector<16xf32>
        %mul3A_547 = arith.mulf %get3A_538, %get3A_538 : vector<16xf32>
        %add3A_548 = arith.addf %add3A_530, %mul3A_547 : vector<16xf32>
        %mul3A_549 = arith.mulf %get3A_544, %get3A_544 : vector<16xf32>
        %add3A_550 = arith.addf %add3A_532, %mul3A_549 : vector<16xf32>
        %get3A_551 = arith.constant 0 : i32
        %get3A_552 = arith.index_cast %get3A_551 : i32 to index
        %get3A_553 = arith.index_cast %scan3A_224 : i32 to index
        %get3A_554 = arith.constant 288 : index
        %get3A_555 = tpu.vector_load %arg5[%get3A_552, %get3A_553, %get3A_554] {strides = array<i32>} : memref<2x32x768xf32, #tpu.memory_space<vmem>>, vector<1x1x16xf32>,
        %get3A_556 = vector.shape_cast %get3A_555 : vector<1x1x16xf32> to vector<16xf32>
        %get3A_557 = arith.constant 0 : i32
        %get3A_558 = arith.index_cast %get3A_557 : i32 to index
        %get3A_559 = arith.index_cast %scan3A_224 : i32 to index
        %get3A_560 = arith.constant 288 : index
        %get3A_561 = tpu.vector_load %arg6[%get3A_558, %get3A_559, %get3A_560] {strides = array<i32>} : memref<2x32x768xf32, #tpu.memory_space<vmem>>, vector<1x1x16xf32>,
        %get3A_562 = vector.shape_cast %get3A_561 : vector<1x1x16xf32> to vector<16xf32>
        %mul3A_563 = arith.mulf %get3A_556, %get3A_562 : vector<16xf32>
        %add3A_564 = arith.addf %add3A_546, %mul3A_563 : vector<16xf32>
        %mul3A_565 = arith.mulf %get3A_556, %get3A_556 : vector<16xf32>
        %add3A_566 = arith.addf %add3A_548, %mul3A_565 : vector<16xf32>
        %mul3A_567 = arith.mulf %get3A_562, %get3A_562 : vector<16xf32>
        %add3A_568 = arith.addf %add3A_550, %mul3A_567 : vector<16xf32>
        %get3A_569 = arith.constant 0 : i32
        %get3A_570 = arith.index_cast %get3A_569 : i32 to index
        %get3A_571 = arith.index_cast %scan3A_224 : i32 to index
        %get3A_572 = arith.constant 304 : index
        %get3A_573 = tpu.vector_load %arg5[%get3A_570, %get3A_571, %get3A_572] {strides = array<i32>} : memref<2x32x768xf32, #tpu.memory_space<vmem>>, vector<1x1x16xf32>,
        %get3A_574 = vector.shape_cast %get3A_573 : vector<1x1x16xf32> to vector<16xf32>
        %get3A_575 = arith.constant 0 : i32
        %get3A_576 = arith.index_cast %get3A_575 : i32 to index
        %get3A_577 = arith.index_cast %scan3A_224 : i32 to index
        %get3A_578 = arith.constant 304 : index
        %get3A_579 = tpu.vector_load %arg6[%get3A_576, %get3A_577, %get3A_578] {strides = array<i32>} : memref<2x32x768xf32, #tpu.memory_space<vmem>>, vector<1x1x16xf32>,
        %get3A_580 = vector.shape_cast %get3A_579 : vector<1x1x16xf32> to vector<16xf32>
        %mul3A_581 = arith.mulf %get3A_574, %get3A_580 : vector<16xf32>
        %add3A_582 = arith.addf %add3A_564, %mul3A_581 : vector<16xf32>
        %mul3A_583 = arith.mulf %get3A_574, %get3A_574 : vector<16xf32>
        %add3A_584 = arith.addf %add3A_566, %mul3A_583 : vector<16xf32>
        %mul3A_585 = arith.mulf %get3A_580, %get3A_580 : vector<16xf32>
        %add3A_586 = arith.addf %add3A_568, %mul3A_585 : vector<16xf32>
        %get3A_587 = arith.constant 0 : i32
        %get3A_588 = arith.index_cast %get3A_587 : i32 to index
        %get3A_589 = arith.index_cast %scan3A_224 : i32 to index
        %get3A_590 = arith.constant 320 : index
        %get3A_591 = tpu.vector_load %arg5[%get3A_588, %get3A_589, %get3A_590] {strides = array<i32>} : memref<2x32x768xf32, #tpu.memory_space<vmem>>, vector<1x1x16xf32>,
        %get3A_592 = vector.shape_cast %get3A_591 : vector<1x1x16xf32> to vector<16xf32>
        %get3A_593 = arith.constant 0 : i32
        %get3A_594 = arith.index_cast %get3A_593 : i32 to index
        %get3A_595 = arith.index_cast %scan3A_224 : i32 to index
        %get3A_596 = arith.constant 320 : index
        %get3A_597 = tpu.vector_load %arg6[%get3A_594, %get3A_595, %get3A_596] {strides = array<i32>} : memref<2x32x768xf32, #tpu.memory_space<vmem>>, vector<1x1x16xf32>,
        %get3A_598 = vector.shape_cast %get3A_597 : vector<1x1x16xf32> to vector<16xf32>
        %mul3A_599 = arith.mulf %get3A_592, %get3A_598 : vector<16xf32>
        %add3A_600 = arith.addf %add3A_582, %mul3A_599 : vector<16xf32>
        %mul3A_601 = arith.mulf %get3A_592, %get3A_592 : vector<16xf32>
        %add3A_602 = arith.addf %add3A_584, %mul3A_601 : vector<16xf32>
        %mul3A_603 = arith.mulf %get3A_598, %get3A_598 : vector<16xf32>
        %add3A_604 = arith.addf %add3A_586, %mul3A_603 : vector<16xf32>
        %get3A_605 = arith.constant 0 : i32
        %get3A_606 = arith.index_cast %get3A_605 : i32 to index
        %get3A_607 = arith.index_cast %scan3A_224 : i32 to index
        %get3A_608 = arith.constant 336 : index
        %get3A_609 = tpu.vector_load %arg5[%get3A_606, %get3A_607, %get3A_608] {strides = array<i32>} : memref<2x32x768xf32, #tpu.memory_space<vmem>>, vector<1x1x16xf32>,
        %get3A_610 = vector.shape_cast %get3A_609 : vector<1x1x16xf32> to vector<16xf32>
        %get3A_611 = arith.constant 0 : i32
        %get3A_612 = arith.index_cast %get3A_611 : i32 to index
        %get3A_613 = arith.index_cast %scan3A_224 : i32 to index
        %get3A_614 = arith.constant 336 : index
        %get3A_615 = tpu.vector_load %arg6[%get3A_612, %get3A_613, %get3A_614] {strides = array<i32>} : memref<2x32x768xf32, #tpu.memory_space<vmem>>, vector<1x1x16xf32>,
        %get3A_616 = vector.shape_cast %get3A_615 : vector<1x1x16xf32> to vector<16xf32>
        %mul3A_617 = arith.mulf %get3A_610, %get3A_616 : vector<16xf32>
        %add3A_618 = arith.addf %add3A_600, %mul3A_617 : vector<16xf32>
        %mul3A_619 = arith.mulf %get3A_610, %get3A_610 : vector<16xf32>
        %add3A_620 = arith.addf %add3A_602, %mul3A_619 : vector<16xf32>
        %mul3A_621 = arith.mulf %get3A_616, %get3A_616 : vector<16xf32>
        %add3A_622 = arith.addf %add3A_604, %mul3A_621 : vector<16xf32>
        %get3A_623 = arith.constant 0 : i32
        %get3A_624 = arith.index_cast %get3A_623 : i32 to index
        %get3A_625 = arith.index_cast %scan3A_224 : i32 to index
        %get3A_626 = arith.constant 352 : index
        %get3A_627 = tpu.vector_load %arg5[%get3A_624, %get3A_625, %get3A_626] {strides = array<i32>} : memref<2x32x768xf32, #tpu.memory_space<vmem>>, vector<1x1x16xf32>,
        %get3A_628 = vector.shape_cast %get3A_627 : vector<1x1x16xf32> to vector<16xf32>
        %get3A_629 = arith.constant 0 : i32
        %get3A_630 = arith.index_cast %get3A_629 : i32 to index
        %get3A_631 = arith.index_cast %scan3A_224 : i32 to index
        %get3A_632 = arith.constant 352 : index
        %get3A_633 = tpu.vector_load %arg6[%get3A_630, %get3A_631, %get3A_632] {strides = array<i32>} : memref<2x32x768xf32, #tpu.memory_space<vmem>>, vector<1x1x16xf32>,
        %get3A_634 = vector.shape_cast %get3A_633 : vector<1x1x16xf32> to vector<16xf32>
        %mul3A_635 = arith.mulf %get3A_628, %get3A_634 : vector<16xf32>
        %add3A_636 = arith.addf %add3A_618, %mul3A_635 : vector<16xf32>
        %mul3A_637 = arith.mulf %get3A_628, %get3A_628 : vector<16xf32>
        %add3A_638 = arith.addf %add3A_620, %mul3A_637 : vector<16xf32>
        %mul3A_639 = arith.mulf %get3A_634, %get3A_634 : vector<16xf32>
        %add3A_640 = arith.addf %add3A_622, %mul3A_639 : vector<16xf32>
        %get3A_641 = arith.constant 0 : i32
        %get3A_642 = arith.index_cast %get3A_641 : i32 to index
        %get3A_643 = arith.index_cast %scan3A_224 : i32 to index
        %get3A_644 = arith.constant 368 : index
        %get3A_645 = tpu.vector_load %arg5[%get3A_642, %get3A_643, %get3A_644] {strides = array<i32>} : memref<2x32x768xf32, #tpu.memory_space<vmem>>, vector<1x1x16xf32>,
        %get3A_646 = vector.shape_cast %get3A_645 : vector<1x1x16xf32> to vector<16xf32>
        %get3A_647 = arith.constant 0 : i32
        %get3A_648 = arith.index_cast %get3A_647 : i32 to index
        %get3A_649 = arith.index_cast %scan3A_224 : i32 to index
        %get3A_650 = arith.constant 368 : index
        %get3A_651 = tpu.vector_load %arg6[%get3A_648, %get3A_649, %get3A_650] {strides = array<i32>} : memref<2x32x768xf32, #tpu.memory_space<vmem>>, vector<1x1x16xf32>,
        %get3A_652 = vector.shape_cast %get3A_651 : vector<1x1x16xf32> to vector<16xf32>
        %mul3A_653 = arith.mulf %get3A_646, %get3A_652 : vector<16xf32>
        %add3A_654 = arith.addf %add3A_636, %mul3A_653 : vector<16xf32>
        %mul3A_655 = arith.mulf %get3A_646, %get3A_646 : vector<16xf32>
        %add3A_656 = arith.addf %add3A_638, %mul3A_655 : vector<16xf32>
        %mul3A_657 = arith.mulf %get3A_652, %get3A_652 : vector<16xf32>
        %add3A_658 = arith.addf %add3A_640, %mul3A_657 : vector<16xf32>
        %get3A_659 = arith.constant 0 : i32
        %get3A_660 = arith.index_cast %get3A_659 : i32 to index
        %get3A_661 = arith.index_cast %scan3A_224 : i32 to index
        %get3A_662 = arith.constant 384 : index
        %get3A_663 = tpu.vector_load %arg5[%get3A_660, %get3A_661, %get3A_662] {strides = array<i32>} : memref<2x32x768xf32, #tpu.memory_space<vmem>>, vector<1x1x16xf32>,
        %get3A_664 = vector.shape_cast %get3A_663 : vector<1x1x16xf32> to vector<16xf32>
        %get3A_665 = arith.constant 0 : i32
        %get3A_666 = arith.index_cast %get3A_665 : i32 to index
        %get3A_667 = arith.index_cast %scan3A_224 : i32 to index
        %get3A_668 = arith.constant 384 : index
        %get3A_669 = tpu.vector_load %arg6[%get3A_666, %get3A_667, %get3A_668] {strides = array<i32>} : memref<2x32x768xf32, #tpu.memory_space<vmem>>, vector<1x1x16xf32>,
        %get3A_670 = vector.shape_cast %get3A_669 : vector<1x1x16xf32> to vector<16xf32>
        %mul3A_671 = arith.mulf %get3A_664, %get3A_670 : vector<16xf32>
        %add3A_672 = arith.addf %add3A_654, %mul3A_671 : vector<16xf32>
        %mul3A_673 = arith.mulf %get3A_664, %get3A_664 : vector<16xf32>
        %add3A_674 = arith.addf %add3A_656, %mul3A_673 : vector<16xf32>
        %mul3A_675 = arith.mulf %get3A_670, %get3A_670 : vector<16xf32>
        %add3A_676 = arith.addf %add3A_658, %mul3A_675 : vector<16xf32>
        %get3A_677 = arith.constant 0 : i32
        %get3A_678 = arith.index_cast %get3A_677 : i32 to index
        %get3A_679 = arith.index_cast %scan3A_224 : i32 to index
        %get3A_680 = arith.constant 400 : index
        %get3A_681 = tpu.vector_load %arg5[%get3A_678, %get3A_679, %get3A_680] {strides = array<i32>} : memref<2x32x768xf32, #tpu.memory_space<vmem>>, vector<1x1x16xf32>,
        %get3A_682 = vector.shape_cast %get3A_681 : vector<1x1x16xf32> to vector<16xf32>
        %get3A_683 = arith.constant 0 : i32
        %get3A_684 = arith.index_cast %get3A_683 : i32 to index
        %get3A_685 = arith.index_cast %scan3A_224 : i32 to index
        %get3A_686 = arith.constant 400 : index
        %get3A_687 = tpu.vector_load %arg6[%get3A_684, %get3A_685, %get3A_686] {strides = array<i32>} : memref<2x32x768xf32, #tpu.memory_space<vmem>>, vector<1x1x16xf32>,
        %get3A_688 = vector.shape_cast %get3A_687 : vector<1x1x16xf32> to vector<16xf32>
        %mul3A_689 = arith.mulf %get3A_682, %get3A_688 : vector<16xf32>
        %add3A_690 = arith.addf %add3A_672, %mul3A_689 : vector<16xf32>
        %mul3A_691 = arith.mulf %get3A_682, %get3A_682 : vector<16xf32>
        %add3A_692 = arith.addf %add3A_674, %mul3A_691 : vector<16xf32>
        %mul3A_693 = arith.mulf %get3A_688, %get3A_688 : vector<16xf32>
        %add3A_694 = arith.addf %add3A_676, %mul3A_693 : vector<16xf32>
        %get3A_695 = arith.constant 0 : i32
        %get3A_696 = arith.index_cast %get3A_695 : i32 to index
        %get3A_697 = arith.index_cast %scan3A_224 : i32 to index
        %get3A_698 = arith.constant 416 : index
        %get3A_699 = tpu.vector_load %arg5[%get3A_696, %get3A_697, %get3A_698] {strides = array<i32>} : memref<2x32x768xf32, #tpu.memory_space<vmem>>, vector<1x1x16xf32>,
        %get3A_700 = vector.shape_cast %get3A_699 : vector<1x1x16xf32> to vector<16xf32>
        %get3A_701 = arith.constant 0 : i32
        %get3A_702 = arith.index_cast %get3A_701 : i32 to index
        %get3A_703 = arith.index_cast %scan3A_224 : i32 to index
        %get3A_704 = arith.constant 416 : index
        %get3A_705 = tpu.vector_load %arg6[%get3A_702, %get3A_703, %get3A_704] {strides = array<i32>} : memref<2x32x768xf32, #tpu.memory_space<vmem>>, vector<1x1x16xf32>,
        %get3A_706 = vector.shape_cast %get3A_705 : vector<1x1x16xf32> to vector<16xf32>
        %mul3A_707 = arith.mulf %get3A_700, %get3A_706 : vector<16xf32>
        %add3A_708 = arith.addf %add3A_690, %mul3A_707 : vector<16xf32>
        %mul3A_709 = arith.mulf %get3A_700, %get3A_700 : vector<16xf32>
        %add3A_710 = arith.addf %add3A_692, %mul3A_709 : vector<16xf32>
        %mul3A_711 = arith.mulf %get3A_706, %get3A_706 : vector<16xf32>
        %add3A_712 = arith.addf %add3A_694, %mul3A_711 : vector<16xf32>
        %get3A_713 = arith.constant 0 : i32
        %get3A_714 = arith.index_cast %get3A_713 : i32 to index
        %get3A_715 = arith.index_cast %scan3A_224 : i32 to index
        %get3A_716 = arith.constant 432 : index
        %get3A_717 = tpu.vector_load %arg5[%get3A_714, %get3A_715, %get3A_716] {strides = array<i32>} : memref<2x32x768xf32, #tpu.memory_space<vmem>>, vector<1x1x16xf32>,
        %get3A_718 = vector.shape_cast %get3A_717 : vector<1x1x16xf32> to vector<16xf32>
        %get3A_719 = arith.constant 0 : i32
        %get3A_720 = arith.index_cast %get3A_719 : i32 to index
        %get3A_721 = arith.index_cast %scan3A_224 : i32 to index
        %get3A_722 = arith.constant 432 : index
        %get3A_723 = tpu.vector_load %arg6[%get3A_720, %get3A_721, %get3A_722] {strides = array<i32>} : memref<2x32x768xf32, #tpu.memory_space<vmem>>, vector<1x1x16xf32>,
        %get3A_724 = vector.shape_cast %get3A_723 : vector<1x1x16xf32> to vector<16xf32>
        %mul3A_725 = arith.mulf %get3A_718, %get3A_724 : vector<16xf32>
        %add3A_726 = arith.addf %add3A_708, %mul3A_725 : vector<16xf32>
        %mul3A_727 = arith.mulf %get3A_718, %get3A_718 : vector<16xf32>
        %add3A_728 = arith.addf %add3A_710, %mul3A_727 : vector<16xf32>
        %mul3A_729 = arith.mulf %get3A_724, %get3A_724 : vector<16xf32>
        %add3A_730 = arith.addf %add3A_712, %mul3A_729 : vector<16xf32>
        %get3A_731 = arith.constant 0 : i32
        %get3A_732 = arith.index_cast %get3A_731 : i32 to index
        %get3A_733 = arith.index_cast %scan3A_224 : i32 to index
        %get3A_734 = arith.constant 448 : index
        %get3A_735 = tpu.vector_load %arg5[%get3A_732, %get3A_733, %get3A_734] {strides = array<i32>} : memref<2x32x768xf32, #tpu.memory_space<vmem>>, vector<1x1x16xf32>,
        %get3A_736 = vector.shape_cast %get3A_735 : vector<1x1x16xf32> to vector<16xf32>
        %get3A_737 = arith.constant 0 : i32
        %get3A_738 = arith.index_cast %get3A_737 : i32 to index
        %get3A_739 = arith.index_cast %scan3A_224 : i32 to index
        %get3A_740 = arith.constant 448 : index
        %get3A_741 = tpu.vector_load %arg6[%get3A_738, %get3A_739, %get3A_740] {strides = array<i32>} : memref<2x32x768xf32, #tpu.memory_space<vmem>>, vector<1x1x16xf32>,
        %get3A_742 = vector.shape_cast %get3A_741 : vector<1x1x16xf32> to vector<16xf32>
        %mul3A_743 = arith.mulf %get3A_736, %get3A_742 : vector<16xf32>
        %add3A_744 = arith.addf %add3A_726, %mul3A_743 : vector<16xf32>
        %mul3A_745 = arith.mulf %get3A_736, %get3A_736 : vector<16xf32>
        %add3A_746 = arith.addf %add3A_728, %mul3A_745 : vector<16xf32>
        %mul3A_747 = arith.mulf %get3A_742, %get3A_742 : vector<16xf32>
        %add3A_748 = arith.addf %add3A_730, %mul3A_747 : vector<16xf32>
        %get3A_749 = arith.constant 0 : i32
        %get3A_750 = arith.index_cast %get3A_749 : i32 to index
        %get3A_751 = arith.index_cast %scan3A_224 : i32 to index
        %get3A_752 = arith.constant 464 : index
        %get3A_753 = tpu.vector_load %arg5[%get3A_750, %get3A_751, %get3A_752] {strides = array<i32>} : memref<2x32x768xf32, #tpu.memory_space<vmem>>, vector<1x1x16xf32>,
        %get3A_754 = vector.shape_cast %get3A_753 : vector<1x1x16xf32> to vector<16xf32>
        %get3A_755 = arith.constant 0 : i32
        %get3A_756 = arith.index_cast %get3A_755 : i32 to index
        %get3A_757 = arith.index_cast %scan3A_224 : i32 to index
        %get3A_758 = arith.constant 464 : index
        %get3A_759 = tpu.vector_load %arg6[%get3A_756, %get3A_757, %get3A_758] {strides = array<i32>} : memref<2x32x768xf32, #tpu.memory_space<vmem>>, vector<1x1x16xf32>,
        %get3A_760 = vector.shape_cast %get3A_759 : vector<1x1x16xf32> to vector<16xf32>
        %mul3A_761 = arith.mulf %get3A_754, %get3A_760 : vector<16xf32>
        %add3A_762 = arith.addf %add3A_744, %mul3A_761 : vector<16xf32>
        %mul3A_763 = arith.mulf %get3A_754, %get3A_754 : vector<16xf32>
        %add3A_764 = arith.addf %add3A_746, %mul3A_763 : vector<16xf32>
        %mul3A_765 = arith.mulf %get3A_760, %get3A_760 : vector<16xf32>
        %add3A_766 = arith.addf %add3A_748, %mul3A_765 : vector<16xf32>
        %get3A_767 = arith.constant 0 : i32
        %get3A_768 = arith.index_cast %get3A_767 : i32 to index
        %get3A_769 = arith.index_cast %scan3A_224 : i32 to index
        %get3A_770 = arith.constant 480 : index
        %get3A_771 = tpu.vector_load %arg5[%get3A_768, %get3A_769, %get3A_770] {strides = array<i32>} : memref<2x32x768xf32, #tpu.memory_space<vmem>>, vector<1x1x16xf32>,
        %get3A_772 = vector.shape_cast %get3A_771 : vector<1x1x16xf32> to vector<16xf32>
        %get3A_773 = arith.constant 0 : i32
        %get3A_774 = arith.index_cast %get3A_773 : i32 to index
        %get3A_775 = arith.index_cast %scan3A_224 : i32 to index
        %get3A_776 = arith.constant 480 : index
        %get3A_777 = tpu.vector_load %arg6[%get3A_774, %get3A_775, %get3A_776] {strides = array<i32>} : memref<2x32x768xf32, #tpu.memory_space<vmem>>, vector<1x1x16xf32>,
        %get3A_778 = vector.shape_cast %get3A_777 : vector<1x1x16xf32> to vector<16xf32>
        %mul3A_779 = arith.mulf %get3A_772, %get3A_778 : vector<16xf32>
        %add3A_780 = arith.addf %add3A_762, %mul3A_779 : vector<16xf32>
        %mul3A_781 = arith.mulf %get3A_772, %get3A_772 : vector<16xf32>
        %add3A_782 = arith.addf %add3A_764, %mul3A_781 : vector<16xf32>
        %mul3A_783 = arith.mulf %get3A_778, %get3A_778 : vector<16xf32>
        %add3A_784 = arith.addf %add3A_766, %mul3A_783 : vector<16xf32>
        %get3A_785 = arith.constant 0 : i32
        %get3A_786 = arith.index_cast %get3A_785 : i32 to index
        %get3A_787 = arith.index_cast %scan3A_224 : i32 to index
        %get3A_788 = arith.constant 496 : index
        %get3A_789 = tpu.vector_load %arg5[%get3A_786, %get3A_787, %get3A_788] {strides = array<i32>} : memref<2x32x768xf32, #tpu.memory_space<vmem>>, vector<1x1x16xf32>,
        %get3A_790 = vector.shape_cast %get3A_789 : vector<1x1x16xf32> to vector<16xf32>
        %get3A_791 = arith.constant 0 : i32
        %get3A_792 = arith.index_cast %get3A_791 : i32 to index
        %get3A_793 = arith.index_cast %scan3A_224 : i32 to index
        %get3A_794 = arith.constant 496 : index
        %get3A_795 = tpu.vector_load %arg6[%get3A_792, %get3A_793, %get3A_794] {strides = array<i32>} : memref<2x32x768xf32, #tpu.memory_space<vmem>>, vector<1x1x16xf32>,
        %get3A_796 = vector.shape_cast %get3A_795 : vector<1x1x16xf32> to vector<16xf32>
        %mul3A_797 = arith.mulf %get3A_790, %get3A_796 : vector<16xf32>
        %add3A_798 = arith.addf %add3A_780, %mul3A_797 : vector<16xf32>
        %mul3A_799 = arith.mulf %get3A_790, %get3A_790 : vector<16xf32>
        %add3A_800 = arith.addf %add3A_782, %mul3A_799 : vector<16xf32>
        %mul3A_801 = arith.mulf %get3A_796, %get3A_796 : vector<16xf32>
        %add3A_802 = arith.addf %add3A_784, %mul3A_801 : vector<16xf32>
        %get3A_803 = arith.constant 0 : i32
        %get3A_804 = arith.index_cast %get3A_803 : i32 to index
        %get3A_805 = arith.index_cast %scan3A_224 : i32 to index
        %get3A_806 = arith.constant 512 : index
        %get3A_807 = tpu.vector_load %arg5[%get3A_804, %get3A_805, %get3A_806] {strides = array<i32>} : memref<2x32x768xf32, #tpu.memory_space<vmem>>, vector<1x1x16xf32>,
        %get3A_808 = vector.shape_cast %get3A_807 : vector<1x1x16xf32> to vector<16xf32>
        %get3A_809 = arith.constant 0 : i32
        %get3A_810 = arith.index_cast %get3A_809 : i32 to index
        %get3A_811 = arith.index_cast %scan3A_224 : i32 to index
        %get3A_812 = arith.constant 512 : index
        %get3A_813 = tpu.vector_load %arg6[%get3A_810, %get3A_811, %get3A_812] {strides = array<i32>} : memref<2x32x768xf32, #tpu.memory_space<vmem>>, vector<1x1x16xf32>,
        %get3A_814 = vector.shape_cast %get3A_813 : vector<1x1x16xf32> to vector<16xf32>
        %mul3A_815 = arith.mulf %get3A_808, %get3A_814 : vector<16xf32>
        %add3A_816 = arith.addf %add3A_798, %mul3A_815 : vector<16xf32>
        %mul3A_817 = arith.mulf %get3A_808, %get3A_808 : vector<16xf32>
        %add3A_818 = arith.addf %add3A_800, %mul3A_817 : vector<16xf32>
        %mul3A_819 = arith.mulf %get3A_814, %get3A_814 : vector<16xf32>
        %add3A_820 = arith.addf %add3A_802, %mul3A_819 : vector<16xf32>
        %get3A_821 = arith.constant 0 : i32
        %get3A_822 = arith.index_cast %get3A_821 : i32 to index
        %get3A_823 = arith.index_cast %scan3A_224 : i32 to index
        %get3A_824 = arith.constant 528 : index
        %get3A_825 = tpu.vector_load %arg5[%get3A_822, %get3A_823, %get3A_824] {strides = array<i32>} : memref<2x32x768xf32, #tpu.memory_space<vmem>>, vector<1x1x16xf32>,
        %get3A_826 = vector.shape_cast %get3A_825 : vector<1x1x16xf32> to vector<16xf32>
        %get3A_827 = arith.constant 0 : i32
        %get3A_828 = arith.index_cast %get3A_827 : i32 to index
        %get3A_829 = arith.index_cast %scan3A_224 : i32 to index
        %get3A_830 = arith.constant 528 : index
        %get3A_831 = tpu.vector_load %arg6[%get3A_828, %get3A_829, %get3A_830] {strides = array<i32>} : memref<2x32x768xf32, #tpu.memory_space<vmem>>, vector<1x1x16xf32>,
        %get3A_832 = vector.shape_cast %get3A_831 : vector<1x1x16xf32> to vector<16xf32>
        %mul3A_833 = arith.mulf %get3A_826, %get3A_832 : vector<16xf32>
        %add3A_834 = arith.addf %add3A_816, %mul3A_833 : vector<16xf32>
        %mul3A_835 = arith.mulf %get3A_826, %get3A_826 : vector<16xf32>
        %add3A_836 = arith.addf %add3A_818, %mul3A_835 : vector<16xf32>
        %mul3A_837 = arith.mulf %get3A_832, %get3A_832 : vector<16xf32>
        %add3A_838 = arith.addf %add3A_820, %mul3A_837 : vector<16xf32>
        %get3A_839 = arith.constant 0 : i32
        %get3A_840 = arith.index_cast %get3A_839 : i32 to index
        %get3A_841 = arith.index_cast %scan3A_224 : i32 to index
        %get3A_842 = arith.constant 544 : index
        %get3A_843 = tpu.vector_load %arg5[%get3A_840, %get3A_841, %get3A_842] {strides = array<i32>} : memref<2x32x768xf32, #tpu.memory_space<vmem>>, vector<1x1x16xf32>,
        %get3A_844 = vector.shape_cast %get3A_843 : vector<1x1x16xf32> to vector<16xf32>
        %get3A_845 = arith.constant 0 : i32
        %get3A_846 = arith.index_cast %get3A_845 : i32 to index
        %get3A_847 = arith.index_cast %scan3A_224 : i32 to index
        %get3A_848 = arith.constant 544 : index
        %get3A_849 = tpu.vector_load %arg6[%get3A_846, %get3A_847, %get3A_848] {strides = array<i32>} : memref<2x32x768xf32, #tpu.memory_space<vmem>>, vector<1x1x16xf32>,
        %get3A_850 = vector.shape_cast %get3A_849 : vector<1x1x16xf32> to vector<16xf32>
        %mul3A_851 = arith.mulf %get3A_844, %get3A_850 : vector<16xf32>
        %add3A_852 = arith.addf %add3A_834, %mul3A_851 : vector<16xf32>
        %mul3A_853 = arith.mulf %get3A_844, %get3A_844 : vector<16xf32>
        %add3A_854 = arith.addf %add3A_836, %mul3A_853 : vector<16xf32>
        %mul3A_855 = arith.mulf %get3A_850, %get3A_850 : vector<16xf32>
        %add3A_856 = arith.addf %add3A_838, %mul3A_855 : vector<16xf32>
        %get3A_857 = arith.constant 0 : i32
        %get3A_858 = arith.index_cast %get3A_857 : i32 to index
        %get3A_859 = arith.index_cast %scan3A_224 : i32 to index
        %get3A_860 = arith.constant 560 : index
        %get3A_861 = tpu.vector_load %arg5[%get3A_858, %get3A_859, %get3A_860] {strides = array<i32>} : memref<2x32x768xf32, #tpu.memory_space<vmem>>, vector<1x1x16xf32>,
        %get3A_862 = vector.shape_cast %get3A_861 : vector<1x1x16xf32> to vector<16xf32>
        %get3A_863 = arith.constant 0 : i32
        %get3A_864 = arith.index_cast %get3A_863 : i32 to index
        %get3A_865 = arith.index_cast %scan3A_224 : i32 to index
        %get3A_866 = arith.constant 560 : index
        %get3A_867 = tpu.vector_load %arg6[%get3A_864, %get3A_865, %get3A_866] {strides = array<i32>} : memref<2x32x768xf32, #tpu.memory_space<vmem>>, vector<1x1x16xf32>,
        %get3A_868 = vector.shape_cast %get3A_867 : vector<1x1x16xf32> to vector<16xf32>
        %mul3A_869 = arith.mulf %get3A_862, %get3A_868 : vector<16xf32>
        %add3A_870 = arith.addf %add3A_852, %mul3A_869 : vector<16xf32>
        %mul3A_871 = arith.mulf %get3A_862, %get3A_862 : vector<16xf32>
        %add3A_872 = arith.addf %add3A_854, %mul3A_871 : vector<16xf32>
        %mul3A_873 = arith.mulf %get3A_868, %get3A_868 : vector<16xf32>
        %add3A_874 = arith.addf %add3A_856, %mul3A_873 : vector<16xf32>
        %get3A_875 = arith.constant 0 : i32
        %get3A_876 = arith.index_cast %get3A_875 : i32 to index
        %get3A_877 = arith.index_cast %scan3A_224 : i32 to index
        %get3A_878 = arith.constant 576 : index
        %get3A_879 = tpu.vector_load %arg5[%get3A_876, %get3A_877, %get3A_878] {strides = array<i32>} : memref<2x32x768xf32, #tpu.memory_space<vmem>>, vector<1x1x16xf32>,
        %get3A_880 = vector.shape_cast %get3A_879 : vector<1x1x16xf32> to vector<16xf32>
        %get3A_881 = arith.constant 0 : i32
        %get3A_882 = arith.index_cast %get3A_881 : i32 to index
        %get3A_883 = arith.index_cast %scan3A_224 : i32 to index
        %get3A_884 = arith.constant 576 : index
        %get3A_885 = tpu.vector_load %arg6[%get3A_882, %get3A_883, %get3A_884] {strides = array<i32>} : memref<2x32x768xf32, #tpu.memory_space<vmem>>, vector<1x1x16xf32>,
        %get3A_886 = vector.shape_cast %get3A_885 : vector<1x1x16xf32> to vector<16xf32>
        %mul3A_887 = arith.mulf %get3A_880, %get3A_886 : vector<16xf32>
        %add3A_888 = arith.addf %add3A_870, %mul3A_887 : vector<16xf32>
        %mul3A_889 = arith.mulf %get3A_880, %get3A_880 : vector<16xf32>
        %add3A_890 = arith.addf %add3A_872, %mul3A_889 : vector<16xf32>
        %mul3A_891 = arith.mulf %get3A_886, %get3A_886 : vector<16xf32>
        %add3A_892 = arith.addf %add3A_874, %mul3A_891 : vector<16xf32>
        %get3A_893 = arith.constant 0 : i32
        %get3A_894 = arith.index_cast %get3A_893 : i32 to index
        %get3A_895 = arith.index_cast %scan3A_224 : i32 to index
        %get3A_896 = arith.constant 592 : index
        %get3A_897 = tpu.vector_load %arg5[%get3A_894, %get3A_895, %get3A_896] {strides = array<i32>} : memref<2x32x768xf32, #tpu.memory_space<vmem>>, vector<1x1x16xf32>,
        %get3A_898 = vector.shape_cast %get3A_897 : vector<1x1x16xf32> to vector<16xf32>
        %get3A_899 = arith.constant 0 : i32
        %get3A_900 = arith.index_cast %get3A_899 : i32 to index
        %get3A_901 = arith.index_cast %scan3A_224 : i32 to index
        %get3A_902 = arith.constant 592 : index
        %get3A_903 = tpu.vector_load %arg6[%get3A_900, %get3A_901, %get3A_902] {strides = array<i32>} : memref<2x32x768xf32, #tpu.memory_space<vmem>>, vector<1x1x16xf32>,
        %get3A_904 = vector.shape_cast %get3A_903 : vector<1x1x16xf32> to vector<16xf32>
        %mul3A_905 = arith.mulf %get3A_898, %get3A_904 : vector<16xf32>
        %add3A_906 = arith.addf %add3A_888, %mul3A_905 : vector<16xf32>
        %mul3A_907 = arith.mulf %get3A_898, %get3A_898 : vector<16xf32>
        %add3A_908 = arith.addf %add3A_890, %mul3A_907 : vector<16xf32>
        %mul3A_909 = arith.mulf %get3A_904, %get3A_904 : vector<16xf32>
        %add3A_910 = arith.addf %add3A_892, %mul3A_909 : vector<16xf32>
        %get3A_911 = arith.constant 0 : i32
        %get3A_912 = arith.index_cast %get3A_911 : i32 to index
        %get3A_913 = arith.index_cast %scan3A_224 : i32 to index
        %get3A_914 = arith.constant 608 : index
        %get3A_915 = tpu.vector_load %arg5[%get3A_912, %get3A_913, %get3A_914] {strides = array<i32>} : memref<2x32x768xf32, #tpu.memory_space<vmem>>, vector<1x1x16xf32>,
        %get3A_916 = vector.shape_cast %get3A_915 : vector<1x1x16xf32> to vector<16xf32>
        %get3A_917 = arith.constant 0 : i32
        %get3A_918 = arith.index_cast %get3A_917 : i32 to index
        %get3A_919 = arith.index_cast %scan3A_224 : i32 to index
        %get3A_920 = arith.constant 608 : index
        %get3A_921 = tpu.vector_load %arg6[%get3A_918, %get3A_919, %get3A_920] {strides = array<i32>} : memref<2x32x768xf32, #tpu.memory_space<vmem>>, vector<1x1x16xf32>,
        %get3A_922 = vector.shape_cast %get3A_921 : vector<1x1x16xf32> to vector<16xf32>
        %mul3A_923 = arith.mulf %get3A_916, %get3A_922 : vector<16xf32>
        %add3A_924 = arith.addf %add3A_906, %mul3A_923 : vector<16xf32>
        %mul3A_925 = arith.mulf %get3A_916, %get3A_916 : vector<16xf32>
        %add3A_926 = arith.addf %add3A_908, %mul3A_925 : vector<16xf32>
        %mul3A_927 = arith.mulf %get3A_922, %get3A_922 : vector<16xf32>
        %add3A_928 = arith.addf %add3A_910, %mul3A_927 : vector<16xf32>
        %get3A_929 = arith.constant 0 : i32
        %get3A_930 = arith.index_cast %get3A_929 : i32 to index
        %get3A_931 = arith.index_cast %scan3A_224 : i32 to index
        %get3A_932 = arith.constant 624 : index
        %get3A_933 = tpu.vector_load %arg5[%get3A_930, %get3A_931, %get3A_932] {strides = array<i32>} : memref<2x32x768xf32, #tpu.memory_space<vmem>>, vector<1x1x16xf32>,
        %get3A_934 = vector.shape_cast %get3A_933 : vector<1x1x16xf32> to vector<16xf32>
        %get3A_935 = arith.constant 0 : i32
        %get3A_936 = arith.index_cast %get3A_935 : i32 to index
        %get3A_937 = arith.index_cast %scan3A_224 : i32 to index
        %get3A_938 = arith.constant 624 : index
        %get3A_939 = tpu.vector_load %arg6[%get3A_936, %get3A_937, %get3A_938] {strides = array<i32>} : memref<2x32x768xf32, #tpu.memory_space<vmem>>, vector<1x1x16xf32>,
        %get3A_940 = vector.shape_cast %get3A_939 : vector<1x1x16xf32> to vector<16xf32>
        %mul3A_941 = arith.mulf %get3A_934, %get3A_940 : vector<16xf32>
        %add3A_942 = arith.addf %add3A_924, %mul3A_941 : vector<16xf32>
        %mul3A_943 = arith.mulf %get3A_934, %get3A_934 : vector<16xf32>
        %add3A_944 = arith.addf %add3A_926, %mul3A_943 : vector<16xf32>
        %mul3A_945 = arith.mulf %get3A_940, %get3A_940 : vector<16xf32>
        %add3A_946 = arith.addf %add3A_928, %mul3A_945 : vector<16xf32>
        %get3A_947 = arith.constant 0 : i32
        %get3A_948 = arith.index_cast %get3A_947 : i32 to index
        %get3A_949 = arith.index_cast %scan3A_224 : i32 to index
        %get3A_950 = arith.constant 640 : index
        %get3A_951 = tpu.vector_load %arg5[%get3A_948, %get3A_949, %get3A_950] {strides = array<i32>} : memref<2x32x768xf32, #tpu.memory_space<vmem>>, vector<1x1x16xf32>,
        %get3A_952 = vector.shape_cast %get3A_951 : vector<1x1x16xf32> to vector<16xf32>
        %get3A_953 = arith.constant 0 : i32
        %get3A_954 = arith.index_cast %get3A_953 : i32 to index
        %get3A_955 = arith.index_cast %scan3A_224 : i32 to index
        %get3A_956 = arith.constant 640 : index
        %get3A_957 = tpu.vector_load %arg6[%get3A_954, %get3A_955, %get3A_956] {strides = array<i32>} : memref<2x32x768xf32, #tpu.memory_space<vmem>>, vector<1x1x16xf32>,
        %get3A_958 = vector.shape_cast %get3A_957 : vector<1x1x16xf32> to vector<16xf32>
        %mul3A_959 = arith.mulf %get3A_952, %get3A_958 : vector<16xf32>
        %add3A_960 = arith.addf %add3A_942, %mul3A_959 : vector<16xf32>
        %mul3A_961 = arith.mulf %get3A_952, %get3A_952 : vector<16xf32>
        %add3A_962 = arith.addf %add3A_944, %mul3A_961 : vector<16xf32>
        %mul3A_963 = arith.mulf %get3A_958, %get3A_958 : vector<16xf32>
        %add3A_964 = arith.addf %add3A_946, %mul3A_963 : vector<16xf32>
        %get3A_965 = arith.constant 0 : i32
        %get3A_966 = arith.index_cast %get3A_965 : i32 to index
        %get3A_967 = arith.index_cast %scan3A_224 : i32 to index
        %get3A_968 = arith.constant 656 : index
        %get3A_969 = tpu.vector_load %arg5[%get3A_966, %get3A_967, %get3A_968] {strides = array<i32>} : memref<2x32x768xf32, #tpu.memory_space<vmem>>, vector<1x1x16xf32>,
        %get3A_970 = vector.shape_cast %get3A_969 : vector<1x1x16xf32> to vector<16xf32>
        %get3A_971 = arith.constant 0 : i32
        %get3A_972 = arith.index_cast %get3A_971 : i32 to index
        %get3A_973 = arith.index_cast %scan3A_224 : i32 to index
        %get3A_974 = arith.constant 656 : index
        %get3A_975 = tpu.vector_load %arg6[%get3A_972, %get3A_973, %get3A_974] {strides = array<i32>} : memref<2x32x768xf32, #tpu.memory_space<vmem>>, vector<1x1x16xf32>,
        %get3A_976 = vector.shape_cast %get3A_975 : vector<1x1x16xf32> to vector<16xf32>
        %mul3A_977 = arith.mulf %get3A_970, %get3A_976 : vector<16xf32>
        %add3A_978 = arith.addf %add3A_960, %mul3A_977 : vector<16xf32>
        %mul3A_979 = arith.mulf %get3A_970, %get3A_970 : vector<16xf32>
        %add3A_980 = arith.addf %add3A_962, %mul3A_979 : vector<16xf32>
        %mul3A_981 = arith.mulf %get3A_976, %get3A_976 : vector<16xf32>
        %add3A_982 = arith.addf %add3A_964, %mul3A_981 : vector<16xf32>
        %get3A_983 = arith.constant 0 : i32
        %get3A_984 = arith.index_cast %get3A_983 : i32 to index
        %get3A_985 = arith.index_cast %scan3A_224 : i32 to index
        %get3A_986 = arith.constant 672 : index
        %get3A_987 = tpu.vector_load %arg5[%get3A_984, %get3A_985, %get3A_986] {strides = array<i32>} : memref<2x32x768xf32, #tpu.memory_space<vmem>>, vector<1x1x16xf32>,
        %get3A_988 = vector.shape_cast %get3A_987 : vector<1x1x16xf32> to vector<16xf32>
        %get3A_989 = arith.constant 0 : i32
        %get3A_990 = arith.index_cast %get3A_989 : i32 to index
        %get3A_991 = arith.index_cast %scan3A_224 : i32 to index
        %get3A_992 = arith.constant 672 : index
        %get3A_993 = tpu.vector_load %arg6[%get3A_990, %get3A_991, %get3A_992] {strides = array<i32>} : memref<2x32x768xf32, #tpu.memory_space<vmem>>, vector<1x1x16xf32>,
        %get3A_994 = vector.shape_cast %get3A_993 : vector<1x1x16xf32> to vector<16xf32>
        %mul3A_995 = arith.mulf %get3A_988, %get3A_994 : vector<16xf32>
        %add3A_996 = arith.addf %add3A_978, %mul3A_995 : vector<16xf32>
        %mul3A_997 = arith.mulf %get3A_988, %get3A_988 : vector<16xf32>
        %add3A_998 = arith.addf %add3A_980, %mul3A_997 : vector<16xf32>
        %mul3A_999 = arith.mulf %get3A_994, %get3A_994 : vector<16xf32>
        %add3A_1000 = arith.addf %add3A_982, %mul3A_999 : vector<16xf32>
        %get3A_1001 = arith.constant 0 : i32
        %get3A_1002 = arith.index_cast %get3A_1001 : i32 to index
        %get3A_1003 = arith.index_cast %scan3A_224 : i32 to index
        %get3A_1004 = arith.constant 688 : index
        %get3A_1005 = tpu.vector_load %arg5[%get3A_1002, %get3A_1003, %get3A_1004] {strides = array<i32>} : memref<2x32x768xf32, #tpu.memory_space<vmem>>, vector<1x1x16xf32>,
        %get3A_1006 = vector.shape_cast %get3A_1005 : vector<1x1x16xf32> to vector<16xf32>
        %get3A_1007 = arith.constant 0 : i32
        %get3A_1008 = arith.index_cast %get3A_1007 : i32 to index
        %get3A_1009 = arith.index_cast %scan3A_224 : i32 to index
        %get3A_1010 = arith.constant 688 : index
        %get3A_1011 = tpu.vector_load %arg6[%get3A_1008, %get3A_1009, %get3A_1010] {strides = array<i32>} : memref<2x32x768xf32, #tpu.memory_space<vmem>>, vector<1x1x16xf32>,
        %get3A_1012 = vector.shape_cast %get3A_1011 : vector<1x1x16xf32> to vector<16xf32>
        %mul3A_1013 = arith.mulf %get3A_1006, %get3A_1012 : vector<16xf32>
        %add3A_1014 = arith.addf %add3A_996, %mul3A_1013 : vector<16xf32>
        %mul3A_1015 = arith.mulf %get3A_1006, %get3A_1006 : vector<16xf32>
        %add3A_1016 = arith.addf %add3A_998, %mul3A_1015 : vector<16xf32>
        %mul3A_1017 = arith.mulf %get3A_1012, %get3A_1012 : vector<16xf32>
        %add3A_1018 = arith.addf %add3A_1000, %mul3A_1017 : vector<16xf32>
        %get3A_1019 = arith.constant 0 : i32
        %get3A_1020 = arith.index_cast %get3A_1019 : i32 to index
        %get3A_1021 = arith.index_cast %scan3A_224 : i32 to index
        %get3A_1022 = arith.constant 704 : index
        %get3A_1023 = tpu.vector_load %arg5[%get3A_1020, %get3A_1021, %get3A_1022] {strides = array<i32>} : memref<2x32x768xf32, #tpu.memory_space<vmem>>, vector<1x1x16xf32>,
        %get3A_1024 = vector.shape_cast %get3A_1023 : vector<1x1x16xf32> to vector<16xf32>
        %get3A_1025 = arith.constant 0 : i32
        %get3A_1026 = arith.index_cast %get3A_1025 : i32 to index
        %get3A_1027 = arith.index_cast %scan3A_224 : i32 to index
        %get3A_1028 = arith.constant 704 : index
        %get3A_1029 = tpu.vector_load %arg6[%get3A_1026, %get3A_1027, %get3A_1028] {strides = array<i32>} : memref<2x32x768xf32, #tpu.memory_space<vmem>>, vector<1x1x16xf32>,
        %get3A_1030 = vector.shape_cast %get3A_1029 : vector<1x1x16xf32> to vector<16xf32>
        %mul3A_1031 = arith.mulf %get3A_1024, %get3A_1030 : vector<16xf32>
        %add3A_1032 = arith.addf %add3A_1014, %mul3A_1031 : vector<16xf32>
        %mul3A_1033 = arith.mulf %get3A_1024, %get3A_1024 : vector<16xf32>
        %add3A_1034 = arith.addf %add3A_1016, %mul3A_1033 : vector<16xf32>
        %mul3A_1035 = arith.mulf %get3A_1030, %get3A_1030 : vector<16xf32>
        %add3A_1036 = arith.addf %add3A_1018, %mul3A_1035 : vector<16xf32>
        %get3A_1037 = arith.constant 0 : i32
        %get3A_1038 = arith.index_cast %get3A_1037 : i32 to index
        %get3A_1039 = arith.index_cast %scan3A_224 : i32 to index
        %get3A_1040 = arith.constant 720 : index
        %get3A_1041 = tpu.vector_load %arg5[%get3A_1038, %get3A_1039, %get3A_1040] {strides = array<i32>} : memref<2x32x768xf32, #tpu.memory_space<vmem>>, vector<1x1x16xf32>,
        %get3A_1042 = vector.shape_cast %get3A_1041 : vector<1x1x16xf32> to vector<16xf32>
        %get3A_1043 = arith.constant 0 : i32
        %get3A_1044 = arith.index_cast %get3A_1043 : i32 to index
        %get3A_1045 = arith.index_cast %scan3A_224 : i32 to index
        %get3A_1046 = arith.constant 720 : index
        %get3A_1047 = tpu.vector_load %arg6[%get3A_1044, %get3A_1045, %get3A_1046] {strides = array<i32>} : memref<2x32x768xf32, #tpu.memory_space<vmem>>, vector<1x1x16xf32>,
        %get3A_1048 = vector.shape_cast %get3A_1047 : vector<1x1x16xf32> to vector<16xf32>
        %mul3A_1049 = arith.mulf %get3A_1042, %get3A_1048 : vector<16xf32>
        %add3A_1050 = arith.addf %add3A_1032, %mul3A_1049 : vector<16xf32>
        %mul3A_1051 = arith.mulf %get3A_1042, %get3A_1042 : vector<16xf32>
        %add3A_1052 = arith.addf %add3A_1034, %mul3A_1051 : vector<16xf32>
        %mul3A_1053 = arith.mulf %get3A_1048, %get3A_1048 : vector<16xf32>
        %add3A_1054 = arith.addf %add3A_1036, %mul3A_1053 : vector<16xf32>
        %get3A_1055 = arith.constant 0 : i32
        %get3A_1056 = arith.index_cast %get3A_1055 : i32 to index
        %get3A_1057 = arith.index_cast %scan3A_224 : i32 to index
        %get3A_1058 = arith.constant 736 : index
        %get3A_1059 = tpu.vector_load %arg5[%get3A_1056, %get3A_1057, %get3A_1058] {strides = array<i32>} : memref<2x32x768xf32, #tpu.memory_space<vmem>>, vector<1x1x16xf32>,
        %get3A_1060 = vector.shape_cast %get3A_1059 : vector<1x1x16xf32> to vector<16xf32>
        %get3A_1061 = arith.constant 0 : i32
        %get3A_1062 = arith.index_cast %get3A_1061 : i32 to index
        %get3A_1063 = arith.index_cast %scan3A_224 : i32 to index
        %get3A_1064 = arith.constant 736 : index
        %get3A_1065 = tpu.vector_load %arg6[%get3A_1062, %get3A_1063, %get3A_1064] {strides = array<i32>} : memref<2x32x768xf32, #tpu.memory_space<vmem>>, vector<1x1x16xf32>,
        %get3A_1066 = vector.shape_cast %get3A_1065 : vector<1x1x16xf32> to vector<16xf32>
        %mul3A_1067 = arith.mulf %get3A_1060, %get3A_1066 : vector<16xf32>
        %add3A_1068 = arith.addf %add3A_1050, %mul3A_1067 : vector<16xf32>
        %mul3A_1069 = arith.mulf %get3A_1060, %get3A_1060 : vector<16xf32>
        %add3A_1070 = arith.addf %add3A_1052, %mul3A_1069 : vector<16xf32>
        %mul3A_1071 = arith.mulf %get3A_1066, %get3A_1066 : vector<16xf32>
        %add3A_1072 = arith.addf %add3A_1054, %mul3A_1071 : vector<16xf32>
        %get3A_1073 = arith.constant 0 : i32
        %get3A_1074 = arith.index_cast %get3A_1073 : i32 to index
        %get3A_1075 = arith.index_cast %scan3A_224 : i32 to index
        %get3A_1076 = arith.constant 752 : index
        %get3A_1077 = tpu.vector_load %arg5[%get3A_1074, %get3A_1075, %get3A_1076] {strides = array<i32>} : memref<2x32x768xf32, #tpu.memory_space<vmem>>, vector<1x1x16xf32>,
        %get3A_1078 = vector.shape_cast %get3A_1077 : vector<1x1x16xf32> to vector<16xf32>
        %get3A_1079 = arith.constant 0 : i32
        %get3A_1080 = arith.index_cast %get3A_1079 : i32 to index
        %get3A_1081 = arith.index_cast %scan3A_224 : i32 to index
        %get3A_1082 = arith.constant 752 : index
        %get3A_1083 = tpu.vector_load %arg6[%get3A_1080, %get3A_1081, %get3A_1082] {strides = array<i32>} : memref<2x32x768xf32, #tpu.memory_space<vmem>>, vector<1x1x16xf32>,
        %get3A_1084 = vector.shape_cast %get3A_1083 : vector<1x1x16xf32> to vector<16xf32>
        %mul3A_1085 = arith.mulf %get3A_1078, %get3A_1084 : vector<16xf32>
        %add3A_1086 = arith.addf %add3A_1068, %mul3A_1085 : vector<16xf32>
        %mul3A_1087 = arith.mulf %get3A_1078, %get3A_1078 : vector<16xf32>
        %add3A_1088 = arith.addf %add3A_1070, %mul3A_1087 : vector<16xf32>
        %mul3A_1089 = arith.mulf %get3A_1084, %get3A_1084 : vector<16xf32>
        %add3A_1090 = arith.addf %add3A_1072, %mul3A_1089 : vector<16xf32>
        scf.yield %add3A_1086, %add3A_1088, %add3A_1090 : vector<16xf32>, vector<16xf32>, vector<16xf32>
      }
      %scan3A_175 = arith.constant 32 : i32
      %lt3A_176 = arith.constant 1 : i32
      %lt3A_177 = arith.cmpi slt, %scan3A_133, %lt3A_176 : i32
      %convert_element_type3A = arith.extui %lt3A_177 : i1 to i32
      %cond3A = arith.constant 0 : i32
      %cond3A_178 = arith.cmpi ne, %convert_element_type3A, %cond3A : i32
      scf.if %cond3A_178 {
        %mul3A_224 = arith.constant 2 : i32
        %mul3A_225 = arith.muli %mul3A_224, %scan3A_133 : i32
        %add3A_226 = arith.constant 2 : i32
        %add3A_227 = arith.addi %mul3A_225, %add3A_226 : i32
        %add3A_228 = arith.addi %add3A_34, %add3A_227 : i32
        %dma_start3A_229 = arith.constant 0 : i32
        %dma_start3A_230 = arith.constant 0 : i32
        %dma_start3A_231 = arith.constant 0 : i32
        %dma_start3A_232 = tpu.memref_slice %arg5[%dma_start3A_229, %dma_start3A_230, %dma_start3A_231] : memref<2x32x768xf32, #tpu.memory_space<vmem>> -> memref<1x32x768xf32, #tpu.memory_space<vmem>>
        %dma_start3A_233 = tpu.memref_squeeze %dma_start3A_232 : memref<1x32x768xf32, #tpu.memory_space<vmem>> -> memref<32x768xf32, #tpu.memory_space<vmem>>
        %dma_start3A_234 = arith.constant 0 : i32
        %dma_start3A_235 = arith.constant 0 : i32
        %dma_start3A_236 = tpu.memref_slice %arg2[%select_n3A, %add3A_228, %dma_start3A_234, %dma_start3A_235] : memref<16x32x32x768xf32, #tpu.memory_space<hbm>> -> memref<1x1x32x768xf32, #tpu.memory_space<hbm>>
        %dma_start3A_237 = tpu.memref_squeeze %dma_start3A_236 : memref<1x1x32x768xf32, #tpu.memory_space<hbm>> -> memref<32x768xf32, #tpu.memory_space<hbm>>
        %dma_start3A_238 = arith.constant 0 : i32
        %dma_start3A_239 = arith.constant 0 : i32
        %dma_start3A_240 = tpu.memref_slice %arg5[%dma_start3A_229, %dma_start3A_238, %dma_start3A_239] : memref<2x32x768xf32, #tpu.memory_space<vmem>> -> memref<1x32x768xf32, #tpu.memory_space<vmem>>
        %dma_start3A_241 = tpu.memref_squeeze %dma_start3A_240 : memref<1x32x768xf32, #tpu.memory_space<vmem>> -> memref<32x768xf32, #tpu.memory_space<vmem>>
        %dma_start3A_242 = arith.constant 0 : i32
        %dma_start3A_243 = arith.constant 0 : i32
        %dma_start3A_244 = tpu.memref_slice %arg2[%select_n3A, %add3A_228, %dma_start3A_242, %dma_start3A_243] : memref<16x32x32x768xf32, #tpu.memory_space<hbm>> -> memref<1x1x32x768xf32, #tpu.memory_space<hbm>>
        %dma_start3A_245 = tpu.memref_squeeze %dma_start3A_244 : memref<1x1x32x768xf32, #tpu.memory_space<hbm>> -> memref<32x768xf32, #tpu.memory_space<hbm>>
        tpu.enqueue_dma source(%dma_start3A_245 : memref<32x768xf32, #tpu.memory_space<hbm>>) target(%dma_start3A_241 : memref<32x768xf32, #tpu.memory_space<vmem>>) target_semaphore(%arg8 : memref<!tpu.dma_semaphore, #tpu.memory_space<semaphore_mem>>)
        %add3A_246 = arith.addi %add3A_34, %add3A_227 : i32
        %dma_start3A_247 = arith.constant 0 : i32
        %dma_start3A_248 = arith.constant 0 : i32
        %dma_start3A_249 = arith.constant 0 : i32
        %dma_start3A_250 = tpu.memref_slice %arg6[%dma_start3A_247, %dma_start3A_248, %dma_start3A_249] : memref<2x32x768xf32, #tpu.memory_space<vmem>> -> memref<1x32x768xf32, #tpu.memory_space<vmem>>
        %dma_start3A_251 = tpu.memref_squeeze %dma_start3A_250 : memref<1x32x768xf32, #tpu.memory_space<vmem>> -> memref<32x768xf32, #tpu.memory_space<vmem>>
        %dma_start3A_252 = arith.constant 0 : i32
        %dma_start3A_253 = arith.constant 0 : i32
        %dma_start3A_254 = tpu.memref_slice %arg3[%select_n3A, %add3A_246, %dma_start3A_252, %dma_start3A_253] : memref<16x32x32x768xf32, #tpu.memory_space<hbm>> -> memref<1x1x32x768xf32, #tpu.memory_space<hbm>>
        %dma_start3A_255 = tpu.memref_squeeze %dma_start3A_254 : memref<1x1x32x768xf32, #tpu.memory_space<hbm>> -> memref<32x768xf32, #tpu.memory_space<hbm>>
        %dma_start3A_256 = arith.constant 0 : i32
        %dma_start3A_257 = arith.constant 0 : i32
        %dma_start3A_258 = tpu.memref_slice %arg6[%dma_start3A_247, %dma_start3A_256, %dma_start3A_257] : memref<2x32x768xf32, #tpu.memory_space<vmem>> -> memref<1x32x768xf32, #tpu.memory_space<vmem>>
        %dma_start3A_259 = tpu.memref_squeeze %dma_start3A_258 : memref<1x32x768xf32, #tpu.memory_space<vmem>> -> memref<32x768xf32, #tpu.memory_space<vmem>>
        %dma_start3A_260 = arith.constant 0 : i32
        %dma_start3A_261 = arith.constant 0 : i32
        %dma_start3A_262 = tpu.memref_slice %arg3[%select_n3A, %add3A_246, %dma_start3A_260, %dma_start3A_261] : memref<16x32x32x768xf32, #tpu.memory_space<hbm>> -> memref<1x1x32x768xf32, #tpu.memory_space<hbm>>
        %dma_start3A_263 = tpu.memref_squeeze %dma_start3A_262 : memref<1x1x32x768xf32, #tpu.memory_space<hbm>> -> memref<32x768xf32, #tpu.memory_space<hbm>>
        tpu.enqueue_dma source(%dma_start3A_263 : memref<32x768xf32, #tpu.memory_space<hbm>>) target(%dma_start3A_259 : memref<32x768xf32, #tpu.memory_space<vmem>>) target_semaphore(%arg8 : memref<!tpu.dma_semaphore, #tpu.memory_space<semaphore_mem>>)
      } else {
      }
      %dma_wait3A_179 = arith.constant 1 : i32
      %dma_wait3A_180 = arith.constant 0 : i32
      %dma_wait3A_181 = arith.constant 0 : i32
      %dma_wait3A_182 = tpu.memref_slice %arg5[%dma_wait3A_179, %dma_wait3A_180, %dma_wait3A_181] : memref<2x32x768xf32, #tpu.memory_space<vmem>> -> memref<1x32x768xf32, #tpu.memory_space<vmem>>
      %dma_wait3A_183 = tpu.memref_squeeze %dma_wait3A_182 : memref<1x32x768xf32, #tpu.memory_space<vmem>> -> memref<32x768xf32, #tpu.memory_space<vmem>>
      %dma_wait3A_184 = arith.constant 0 : i32
      %dma_wait3A_185 = arith.constant 0 : i32
      %dma_wait3A_186 = tpu.memref_slice %arg2[%select_n3A, %add3A_34, %dma_wait3A_184, %dma_wait3A_185] : memref<16x32x32x768xf32, #tpu.memory_space<hbm>> -> memref<1x1x32x768xf32, #tpu.memory_space<hbm>>
      %dma_wait3A_187 = tpu.memref_squeeze %dma_wait3A_186 : memref<1x1x32x768xf32, #tpu.memory_space<hbm>> -> memref<32x768xf32, #tpu.memory_space<hbm>>
      %dma_wait3A_188 = arith.constant 0 : i32
      %dma_wait3A_189 = arith.constant 0 : i32
      %dma_wait3A_190 = tpu.memref_slice %arg5[%dma_wait3A_179, %dma_wait3A_188, %dma_wait3A_189] : memref<2x32x768xf32, #tpu.memory_space<vmem>> -> memref<1x32x768xf32, #tpu.memory_space<vmem>>
      %dma_wait3A_191 = tpu.memref_squeeze %dma_wait3A_190 : memref<1x32x768xf32, #tpu.memory_space<vmem>> -> memref<32x768xf32, #tpu.memory_space<vmem>>
      %dma_wait3A_192 = arith.constant 0 : i32
      %dma_wait3A_193 = arith.constant 0 : i32
      %dma_wait3A_194 = tpu.memref_slice %arg2[%select_n3A, %add3A_34, %dma_wait3A_192, %dma_wait3A_193] : memref<16x32x32x768xf32, #tpu.memory_space<hbm>> -> memref<1x1x32x768xf32, #tpu.memory_space<hbm>>
      %dma_wait3A_195 = tpu.memref_squeeze %dma_wait3A_194 : memref<1x1x32x768xf32, #tpu.memory_space<hbm>> -> memref<32x768xf32, #tpu.memory_space<hbm>>
      tpu.wait_dma2 semaphore(%arg9 : memref<!tpu.dma_semaphore, #tpu.memory_space<semaphore_mem>>) src(%dma_wait3A_195 : memref<32x768xf32, #tpu.memory_space<hbm>>) dst(%dma_wait3A_191 : memref<32x768xf32, #tpu.memory_space<vmem>>)
      %dma_wait3A_196 = arith.constant 1 : i32
      %dma_wait3A_197 = arith.constant 0 : i32
      %dma_wait3A_198 = arith.constant 0 : i32
      %dma_wait3A_199 = tpu.memref_slice %arg6[%dma_wait3A_196, %dma_wait3A_197, %dma_wait3A_198] : memref<2x32x768xf32, #tpu.memory_space<vmem>> -> memref<1x32x768xf32, #tpu.memory_space<vmem>>
      %dma_wait3A_200 = tpu.memref_squeeze %dma_wait3A_199 : memref<1x32x768xf32, #tpu.memory_space<vmem>> -> memref<32x768xf32, #tpu.memory_space<vmem>>
      %dma_wait3A_201 = arith.constant 0 : i32
      %dma_wait3A_202 = arith.constant 0 : i32
      %dma_wait3A_203 = tpu.memref_slice %arg3[%select_n3A, %add3A_34, %dma_wait3A_201, %dma_wait3A_202] : memref<16x32x32x768xf32, #tpu.memory_space<hbm>> -> memref<1x1x32x768xf32, #tpu.memory_space<hbm>>
      %dma_wait3A_204 = tpu.memref_squeeze %dma_wait3A_203 : memref<1x1x32x768xf32, #tpu.memory_space<hbm>> -> memref<32x768xf32, #tpu.memory_space<hbm>>
      %dma_wait3A_205 = arith.constant 0 : i32
      %dma_wait3A_206 = arith.constant 0 : i32
      %dma_wait3A_207 = tpu.memref_slice %arg6[%dma_wait3A_196, %dma_wait3A_205, %dma_wait3A_206] : memref<2x32x768xf32, #tpu.memory_space<vmem>> -> memref<1x32x768xf32, #tpu.memory_space<vmem>>
      %dma_wait3A_208 = tpu.memref_squeeze %dma_wait3A_207 : memref<1x32x768xf32, #tpu.memory_space<vmem>> -> memref<32x768xf32, #tpu.memory_space<vmem>>
      %dma_wait3A_209 = arith.constant 0 : i32
      %dma_wait3A_210 = arith.constant 0 : i32
      %dma_wait3A_211 = tpu.memref_slice %arg3[%select_n3A, %add3A_34, %dma_wait3A_209, %dma_wait3A_210] : memref<16x32x32x768xf32, #tpu.memory_space<hbm>> -> memref<1x1x32x768xf32, #tpu.memory_space<hbm>>
      %dma_wait3A_212 = tpu.memref_squeeze %dma_wait3A_211 : memref<1x1x32x768xf32, #tpu.memory_space<hbm>> -> memref<32x768xf32, #tpu.memory_space<hbm>>
      tpu.wait_dma2 semaphore(%arg9 : memref<!tpu.dma_semaphore, #tpu.memory_space<semaphore_mem>>) src(%dma_wait3A_212 : memref<32x768xf32, #tpu.memory_space<hbm>>) dst(%dma_wait3A_208 : memref<32x768xf32, #tpu.memory_space<vmem>>)
      %scan3A_213 = arith.constant 0 : i32
      %scan3A_214 = arith.constant 32 : i32
      %scan3A_215 = arith.addi %scan3A_213, %scan3A_214 : i32
      %scan3A_216 = arith.constant 1 : i32
      %scan3A_217:3 = scf.for %scan3A_224 = %scan3A_213 to %scan3A_215 step %scan3A_216 iter_args(%scan3A_225 = %scan3A_174#0, %scan3A_226 = %scan3A_174#1, %scan3A_227 = %scan3A_174#2) -> (vector<16xf32>, vector<16xf32>, vector<16xf32>)  : i32 {
        %get3A = arith.constant 1 : i32
        %get3A_228 = arith.index_cast %get3A : i32 to index
        %get3A_229 = arith.index_cast %scan3A_224 : i32 to index
        %get3A_230 = arith.constant 0 : index
        %get3A_231 = tpu.vector_load %arg5[%get3A_228, %get3A_229, %get3A_230] {strides = array<i32>} : memref<2x32x768xf32, #tpu.memory_space<vmem>>, vector<1x1x16xf32>,
        %get3A_232 = vector.shape_cast %get3A_231 : vector<1x1x16xf32> to vector<16xf32>
        %get3A_233 = arith.constant 1 : i32
        %get3A_234 = arith.index_cast %get3A_233 : i32 to index
        %get3A_235 = arith.index_cast %scan3A_224 : i32 to index
        %get3A_236 = arith.constant 0 : index
        %get3A_237 = tpu.vector_load %arg6[%get3A_234, %get3A_235, %get3A_236] {strides = array<i32>} : memref<2x32x768xf32, #tpu.memory_space<vmem>>, vector<1x1x16xf32>,
        %get3A_238 = vector.shape_cast %get3A_237 : vector<1x1x16xf32> to vector<16xf32>
        %mul3A_239 = arith.mulf %get3A_232, %get3A_238 : vector<16xf32>
        %add3A_240 = arith.addf %scan3A_225, %mul3A_239 : vector<16xf32>
        %mul3A_241 = arith.mulf %get3A_232, %get3A_232 : vector<16xf32>
        %add3A_242 = arith.addf %scan3A_226, %mul3A_241 : vector<16xf32>
        %mul3A_243 = arith.mulf %get3A_238, %get3A_238 : vector<16xf32>
        %add3A_244 = arith.addf %scan3A_227, %mul3A_243 : vector<16xf32>
        %get3A_245 = arith.constant 1 : i32
        %get3A_246 = arith.index_cast %get3A_245 : i32 to index
        %get3A_247 = arith.index_cast %scan3A_224 : i32 to index
        %get3A_248 = arith.constant 16 : index
        %get3A_249 = tpu.vector_load %arg5[%get3A_246, %get3A_247, %get3A_248] {strides = array<i32>} : memref<2x32x768xf32, #tpu.memory_space<vmem>>, vector<1x1x16xf32>,
        %get3A_250 = vector.shape_cast %get3A_249 : vector<1x1x16xf32> to vector<16xf32>
        %get3A_251 = arith.constant 1 : i32
        %get3A_252 = arith.index_cast %get3A_251 : i32 to index
        %get3A_253 = arith.index_cast %scan3A_224 : i32 to index
        %get3A_254 = arith.constant 16 : index
        %get3A_255 = tpu.vector_load %arg6[%get3A_252, %get3A_253, %get3A_254] {strides = array<i32>} : memref<2x32x768xf32, #tpu.memory_space<vmem>>, vector<1x1x16xf32>,
        %get3A_256 = vector.shape_cast %get3A_255 : vector<1x1x16xf32> to vector<16xf32>
        %mul3A_257 = arith.mulf %get3A_250, %get3A_256 : vector<16xf32>
        %add3A_258 = arith.addf %add3A_240, %mul3A_257 : vector<16xf32>
        %mul3A_259 = arith.mulf %get3A_250, %get3A_250 : vector<16xf32>
        %add3A_260 = arith.addf %add3A_242, %mul3A_259 : vector<16xf32>
        %mul3A_261 = arith.mulf %get3A_256, %get3A_256 : vector<16xf32>
        %add3A_262 = arith.addf %add3A_244, %mul3A_261 : vector<16xf32>
        %get3A_263 = arith.constant 1 : i32
        %get3A_264 = arith.index_cast %get3A_263 : i32 to index
        %get3A_265 = arith.index_cast %scan3A_224 : i32 to index
        %get3A_266 = arith.constant 32 : index
        %get3A_267 = tpu.vector_load %arg5[%get3A_264, %get3A_265, %get3A_266] {strides = array<i32>} : memref<2x32x768xf32, #tpu.memory_space<vmem>>, vector<1x1x16xf32>,
        %get3A_268 = vector.shape_cast %get3A_267 : vector<1x1x16xf32> to vector<16xf32>
        %get3A_269 = arith.constant 1 : i32
        %get3A_270 = arith.index_cast %get3A_269 : i32 to index
        %get3A_271 = arith.index_cast %scan3A_224 : i32 to index
        %get3A_272 = arith.constant 32 : index
        %get3A_273 = tpu.vector_load %arg6[%get3A_270, %get3A_271, %get3A_272] {strides = array<i32>} : memref<2x32x768xf32, #tpu.memory_space<vmem>>, vector<1x1x16xf32>,
        %get3A_274 = vector.shape_cast %get3A_273 : vector<1x1x16xf32> to vector<16xf32>
        %mul3A_275 = arith.mulf %get3A_268, %get3A_274 : vector<16xf32>
        %add3A_276 = arith.addf %add3A_258, %mul3A_275 : vector<16xf32>
        %mul3A_277 = arith.mulf %get3A_268, %get3A_268 : vector<16xf32>
        %add3A_278 = arith.addf %add3A_260, %mul3A_277 : vector<16xf32>
        %mul3A_279 = arith.mulf %get3A_274, %get3A_274 : vector<16xf32>
        %add3A_280 = arith.addf %add3A_262, %mul3A_279 : vector<16xf32>
        %get3A_281 = arith.constant 1 : i32
        %get3A_282 = arith.index_cast %get3A_281 : i32 to index
        %get3A_283 = arith.index_cast %scan3A_224 : i32 to index
        %get3A_284 = arith.constant 48 : index
        %get3A_285 = tpu.vector_load %arg5[%get3A_282, %get3A_283, %get3A_284] {strides = array<i32>} : memref<2x32x768xf32, #tpu.memory_space<vmem>>, vector<1x1x16xf32>,
        %get3A_286 = vector.shape_cast %get3A_285 : vector<1x1x16xf32> to vector<16xf32>
        %get3A_287 = arith.constant 1 : i32
        %get3A_288 = arith.index_cast %get3A_287 : i32 to index
        %get3A_289 = arith.index_cast %scan3A_224 : i32 to index
        %get3A_290 = arith.constant 48 : index
        %get3A_291 = tpu.vector_load %arg6[%get3A_288, %get3A_289, %get3A_290] {strides = array<i32>} : memref<2x32x768xf32, #tpu.memory_space<vmem>>, vector<1x1x16xf32>,
        %get3A_292 = vector.shape_cast %get3A_291 : vector<1x1x16xf32> to vector<16xf32>
        %mul3A_293 = arith.mulf %get3A_286, %get3A_292 : vector<16xf32>
        %add3A_294 = arith.addf %add3A_276, %mul3A_293 : vector<16xf32>
        %mul3A_295 = arith.mulf %get3A_286, %get3A_286 : vector<16xf32>
        %add3A_296 = arith.addf %add3A_278, %mul3A_295 : vector<16xf32>
        %mul3A_297 = arith.mulf %get3A_292, %get3A_292 : vector<16xf32>
        %add3A_298 = arith.addf %add3A_280, %mul3A_297 : vector<16xf32>
        %get3A_299 = arith.constant 1 : i32
        %get3A_300 = arith.index_cast %get3A_299 : i32 to index
        %get3A_301 = arith.index_cast %scan3A_224 : i32 to index
        %get3A_302 = arith.constant 64 : index
        %get3A_303 = tpu.vector_load %arg5[%get3A_300, %get3A_301, %get3A_302] {strides = array<i32>} : memref<2x32x768xf32, #tpu.memory_space<vmem>>, vector<1x1x16xf32>,
        %get3A_304 = vector.shape_cast %get3A_303 : vector<1x1x16xf32> to vector<16xf32>
        %get3A_305 = arith.constant 1 : i32
        %get3A_306 = arith.index_cast %get3A_305 : i32 to index
        %get3A_307 = arith.index_cast %scan3A_224 : i32 to index
        %get3A_308 = arith.constant 64 : index
        %get3A_309 = tpu.vector_load %arg6[%get3A_306, %get3A_307, %get3A_308] {strides = array<i32>} : memref<2x32x768xf32, #tpu.memory_space<vmem>>, vector<1x1x16xf32>,
        %get3A_310 = vector.shape_cast %get3A_309 : vector<1x1x16xf32> to vector<16xf32>
        %mul3A_311 = arith.mulf %get3A_304, %get3A_310 : vector<16xf32>
        %add3A_312 = arith.addf %add3A_294, %mul3A_311 : vector<16xf32>
        %mul3A_313 = arith.mulf %get3A_304, %get3A_304 : vector<16xf32>
        %add3A_314 = arith.addf %add3A_296, %mul3A_313 : vector<16xf32>
        %mul3A_315 = arith.mulf %get3A_310, %get3A_310 : vector<16xf32>
        %add3A_316 = arith.addf %add3A_298, %mul3A_315 : vector<16xf32>
        %get3A_317 = arith.constant 1 : i32
        %get3A_318 = arith.index_cast %get3A_317 : i32 to index
        %get3A_319 = arith.index_cast %scan3A_224 : i32 to index
        %get3A_320 = arith.constant 80 : index
        %get3A_321 = tpu.vector_load %arg5[%get3A_318, %get3A_319, %get3A_320] {strides = array<i32>} : memref<2x32x768xf32, #tpu.memory_space<vmem>>, vector<1x1x16xf32>,
        %get3A_322 = vector.shape_cast %get3A_321 : vector<1x1x16xf32> to vector<16xf32>
        %get3A_323 = arith.constant 1 : i32
        %get3A_324 = arith.index_cast %get3A_323 : i32 to index
        %get3A_325 = arith.index_cast %scan3A_224 : i32 to index
        %get3A_326 = arith.constant 80 : index
        %get3A_327 = tpu.vector_load %arg6[%get3A_324, %get3A_325, %get3A_326] {strides = array<i32>} : memref<2x32x768xf32, #tpu.memory_space<vmem>>, vector<1x1x16xf32>,
        %get3A_328 = vector.shape_cast %get3A_327 : vector<1x1x16xf32> to vector<16xf32>
        %mul3A_329 = arith.mulf %get3A_322, %get3A_328 : vector<16xf32>
        %add3A_330 = arith.addf %add3A_312, %mul3A_329 : vector<16xf32>
        %mul3A_331 = arith.mulf %get3A_322, %get3A_322 : vector<16xf32>
        %add3A_332 = arith.addf %add3A_314, %mul3A_331 : vector<16xf32>
        %mul3A_333 = arith.mulf %get3A_328, %get3A_328 : vector<16xf32>
        %add3A_334 = arith.addf %add3A_316, %mul3A_333 : vector<16xf32>
        %get3A_335 = arith.constant 1 : i32
        %get3A_336 = arith.index_cast %get3A_335 : i32 to index
        %get3A_337 = arith.index_cast %scan3A_224 : i32 to index
        %get3A_338 = arith.constant 96 : index
        %get3A_339 = tpu.vector_load %arg5[%get3A_336, %get3A_337, %get3A_338] {strides = array<i32>} : memref<2x32x768xf32, #tpu.memory_space<vmem>>, vector<1x1x16xf32>,
        %get3A_340 = vector.shape_cast %get3A_339 : vector<1x1x16xf32> to vector<16xf32>
        %get3A_341 = arith.constant 1 : i32
        %get3A_342 = arith.index_cast %get3A_341 : i32 to index
        %get3A_343 = arith.index_cast %scan3A_224 : i32 to index
        %get3A_344 = arith.constant 96 : index
        %get3A_345 = tpu.vector_load %arg6[%get3A_342, %get3A_343, %get3A_344] {strides = array<i32>} : memref<2x32x768xf32, #tpu.memory_space<vmem>>, vector<1x1x16xf32>,
        %get3A_346 = vector.shape_cast %get3A_345 : vector<1x1x16xf32> to vector<16xf32>
        %mul3A_347 = arith.mulf %get3A_340, %get3A_346 : vector<16xf32>
        %add3A_348 = arith.addf %add3A_330, %mul3A_347 : vector<16xf32>
        %mul3A_349 = arith.mulf %get3A_340, %get3A_340 : vector<16xf32>
        %add3A_350 = arith.addf %add3A_332, %mul3A_349 : vector<16xf32>
        %mul3A_351 = arith.mulf %get3A_346, %get3A_346 : vector<16xf32>
        %add3A_352 = arith.addf %add3A_334, %mul3A_351 : vector<16xf32>
        %get3A_353 = arith.constant 1 : i32
        %get3A_354 = arith.index_cast %get3A_353 : i32 to index
        %get3A_355 = arith.index_cast %scan3A_224 : i32 to index
        %get3A_356 = arith.constant 112 : index
        %get3A_357 = tpu.vector_load %arg5[%get3A_354, %get3A_355, %get3A_356] {strides = array<i32>} : memref<2x32x768xf32, #tpu.memory_space<vmem>>, vector<1x1x16xf32>,
        %get3A_358 = vector.shape_cast %get3A_357 : vector<1x1x16xf32> to vector<16xf32>
        %get3A_359 = arith.constant 1 : i32
        %get3A_360 = arith.index_cast %get3A_359 : i32 to index
        %get3A_361 = arith.index_cast %scan3A_224 : i32 to index
        %get3A_362 = arith.constant 112 : index
        %get3A_363 = tpu.vector_load %arg6[%get3A_360, %get3A_361, %get3A_362] {strides = array<i32>} : memref<2x32x768xf32, #tpu.memory_space<vmem>>, vector<1x1x16xf32>,
        %get3A_364 = vector.shape_cast %get3A_363 : vector<1x1x16xf32> to vector<16xf32>
        %mul3A_365 = arith.mulf %get3A_358, %get3A_364 : vector<16xf32>
        %add3A_366 = arith.addf %add3A_348, %mul3A_365 : vector<16xf32>
        %mul3A_367 = arith.mulf %get3A_358, %get3A_358 : vector<16xf32>
        %add3A_368 = arith.addf %add3A_350, %mul3A_367 : vector<16xf32>
        %mul3A_369 = arith.mulf %get3A_364, %get3A_364 : vector<16xf32>
        %add3A_370 = arith.addf %add3A_352, %mul3A_369 : vector<16xf32>
        %get3A_371 = arith.constant 1 : i32
        %get3A_372 = arith.index_cast %get3A_371 : i32 to index
        %get3A_373 = arith.index_cast %scan3A_224 : i32 to index
        %get3A_374 = arith.constant 128 : index
        %get3A_375 = tpu.vector_load %arg5[%get3A_372, %get3A_373, %get3A_374] {strides = array<i32>} : memref<2x32x768xf32, #tpu.memory_space<vmem>>, vector<1x1x16xf32>,
        %get3A_376 = vector.shape_cast %get3A_375 : vector<1x1x16xf32> to vector<16xf32>
        %get3A_377 = arith.constant 1 : i32
        %get3A_378 = arith.index_cast %get3A_377 : i32 to index
        %get3A_379 = arith.index_cast %scan3A_224 : i32 to index
        %get3A_380 = arith.constant 128 : index
        %get3A_381 = tpu.vector_load %arg6[%get3A_378, %get3A_379, %get3A_380] {strides = array<i32>} : memref<2x32x768xf32, #tpu.memory_space<vmem>>, vector<1x1x16xf32>,
        %get3A_382 = vector.shape_cast %get3A_381 : vector<1x1x16xf32> to vector<16xf32>
        %mul3A_383 = arith.mulf %get3A_376, %get3A_382 : vector<16xf32>
        %add3A_384 = arith.addf %add3A_366, %mul3A_383 : vector<16xf32>
        %mul3A_385 = arith.mulf %get3A_376, %get3A_376 : vector<16xf32>
        %add3A_386 = arith.addf %add3A_368, %mul3A_385 : vector<16xf32>
        %mul3A_387 = arith.mulf %get3A_382, %get3A_382 : vector<16xf32>
        %add3A_388 = arith.addf %add3A_370, %mul3A_387 : vector<16xf32>
        %get3A_389 = arith.constant 1 : i32
        %get3A_390 = arith.index_cast %get3A_389 : i32 to index
        %get3A_391 = arith.index_cast %scan3A_224 : i32 to index
        %get3A_392 = arith.constant 144 : index
        %get3A_393 = tpu.vector_load %arg5[%get3A_390, %get3A_391, %get3A_392] {strides = array<i32>} : memref<2x32x768xf32, #tpu.memory_space<vmem>>, vector<1x1x16xf32>,
        %get3A_394 = vector.shape_cast %get3A_393 : vector<1x1x16xf32> to vector<16xf32>
        %get3A_395 = arith.constant 1 : i32
        %get3A_396 = arith.index_cast %get3A_395 : i32 to index
        %get3A_397 = arith.index_cast %scan3A_224 : i32 to index
        %get3A_398 = arith.constant 144 : index
        %get3A_399 = tpu.vector_load %arg6[%get3A_396, %get3A_397, %get3A_398] {strides = array<i32>} : memref<2x32x768xf32, #tpu.memory_space<vmem>>, vector<1x1x16xf32>,
        %get3A_400 = vector.shape_cast %get3A_399 : vector<1x1x16xf32> to vector<16xf32>
        %mul3A_401 = arith.mulf %get3A_394, %get3A_400 : vector<16xf32>
        %add3A_402 = arith.addf %add3A_384, %mul3A_401 : vector<16xf32>
        %mul3A_403 = arith.mulf %get3A_394, %get3A_394 : vector<16xf32>
        %add3A_404 = arith.addf %add3A_386, %mul3A_403 : vector<16xf32>
        %mul3A_405 = arith.mulf %get3A_400, %get3A_400 : vector<16xf32>
        %add3A_406 = arith.addf %add3A_388, %mul3A_405 : vector<16xf32>
        %get3A_407 = arith.constant 1 : i32
        %get3A_408 = arith.index_cast %get3A_407 : i32 to index
        %get3A_409 = arith.index_cast %scan3A_224 : i32 to index
        %get3A_410 = arith.constant 160 : index
        %get3A_411 = tpu.vector_load %arg5[%get3A_408, %get3A_409, %get3A_410] {strides = array<i32>} : memref<2x32x768xf32, #tpu.memory_space<vmem>>, vector<1x1x16xf32>,
        %get3A_412 = vector.shape_cast %get3A_411 : vector<1x1x16xf32> to vector<16xf32>
        %get3A_413 = arith.constant 1 : i32
        %get3A_414 = arith.index_cast %get3A_413 : i32 to index
        %get3A_415 = arith.index_cast %scan3A_224 : i32 to index
        %get3A_416 = arith.constant 160 : index
        %get3A_417 = tpu.vector_load %arg6[%get3A_414, %get3A_415, %get3A_416] {strides = array<i32>} : memref<2x32x768xf32, #tpu.memory_space<vmem>>, vector<1x1x16xf32>,
        %get3A_418 = vector.shape_cast %get3A_417 : vector<1x1x16xf32> to vector<16xf32>
        %mul3A_419 = arith.mulf %get3A_412, %get3A_418 : vector<16xf32>
        %add3A_420 = arith.addf %add3A_402, %mul3A_419 : vector<16xf32>
        %mul3A_421 = arith.mulf %get3A_412, %get3A_412 : vector<16xf32>
        %add3A_422 = arith.addf %add3A_404, %mul3A_421 : vector<16xf32>
        %mul3A_423 = arith.mulf %get3A_418, %get3A_418 : vector<16xf32>
        %add3A_424 = arith.addf %add3A_406, %mul3A_423 : vector<16xf32>
        %get3A_425 = arith.constant 1 : i32
        %get3A_426 = arith.index_cast %get3A_425 : i32 to index
        %get3A_427 = arith.index_cast %scan3A_224 : i32 to index
        %get3A_428 = arith.constant 176 : index
        %get3A_429 = tpu.vector_load %arg5[%get3A_426, %get3A_427, %get3A_428] {strides = array<i32>} : memref<2x32x768xf32, #tpu.memory_space<vmem>>, vector<1x1x16xf32>,
        %get3A_430 = vector.shape_cast %get3A_429 : vector<1x1x16xf32> to vector<16xf32>
        %get3A_431 = arith.constant 1 : i32
        %get3A_432 = arith.index_cast %get3A_431 : i32 to index
        %get3A_433 = arith.index_cast %scan3A_224 : i32 to index
        %get3A_434 = arith.constant 176 : index
        %get3A_435 = tpu.vector_load %arg6[%get3A_432, %get3A_433, %get3A_434] {strides = array<i32>} : memref<2x32x768xf32, #tpu.memory_space<vmem>>, vector<1x1x16xf32>,
        %get3A_436 = vector.shape_cast %get3A_435 : vector<1x1x16xf32> to vector<16xf32>
        %mul3A_437 = arith.mulf %get3A_430, %get3A_436 : vector<16xf32>
        %add3A_438 = arith.addf %add3A_420, %mul3A_437 : vector<16xf32>
        %mul3A_439 = arith.mulf %get3A_430, %get3A_430 : vector<16xf32>
        %add3A_440 = arith.addf %add3A_422, %mul3A_439 : vector<16xf32>
        %mul3A_441 = arith.mulf %get3A_436, %get3A_436 : vector<16xf32>
        %add3A_442 = arith.addf %add3A_424, %mul3A_441 : vector<16xf32>
        %get3A_443 = arith.constant 1 : i32
        %get3A_444 = arith.index_cast %get3A_443 : i32 to index
        %get3A_445 = arith.index_cast %scan3A_224 : i32 to index
        %get3A_446 = arith.constant 192 : index
        %get3A_447 = tpu.vector_load %arg5[%get3A_444, %get3A_445, %get3A_446] {strides = array<i32>} : memref<2x32x768xf32, #tpu.memory_space<vmem>>, vector<1x1x16xf32>,
        %get3A_448 = vector.shape_cast %get3A_447 : vector<1x1x16xf32> to vector<16xf32>
        %get3A_449 = arith.constant 1 : i32
        %get3A_450 = arith.index_cast %get3A_449 : i32 to index
        %get3A_451 = arith.index_cast %scan3A_224 : i32 to index
        %get3A_452 = arith.constant 192 : index
        %get3A_453 = tpu.vector_load %arg6[%get3A_450, %get3A_451, %get3A_452] {strides = array<i32>} : memref<2x32x768xf32, #tpu.memory_space<vmem>>, vector<1x1x16xf32>,
        %get3A_454 = vector.shape_cast %get3A_453 : vector<1x1x16xf32> to vector<16xf32>
        %mul3A_455 = arith.mulf %get3A_448, %get3A_454 : vector<16xf32>
        %add3A_456 = arith.addf %add3A_438, %mul3A_455 : vector<16xf32>
        %mul3A_457 = arith.mulf %get3A_448, %get3A_448 : vector<16xf32>
        %add3A_458 = arith.addf %add3A_440, %mul3A_457 : vector<16xf32>
        %mul3A_459 = arith.mulf %get3A_454, %get3A_454 : vector<16xf32>
        %add3A_460 = arith.addf %add3A_442, %mul3A_459 : vector<16xf32>
        %get3A_461 = arith.constant 1 : i32
        %get3A_462 = arith.index_cast %get3A_461 : i32 to index
        %get3A_463 = arith.index_cast %scan3A_224 : i32 to index
        %get3A_464 = arith.constant 208 : index
        %get3A_465 = tpu.vector_load %arg5[%get3A_462, %get3A_463, %get3A_464] {strides = array<i32>} : memref<2x32x768xf32, #tpu.memory_space<vmem>>, vector<1x1x16xf32>,
        %get3A_466 = vector.shape_cast %get3A_465 : vector<1x1x16xf32> to vector<16xf32>
        %get3A_467 = arith.constant 1 : i32
        %get3A_468 = arith.index_cast %get3A_467 : i32 to index
        %get3A_469 = arith.index_cast %scan3A_224 : i32 to index
        %get3A_470 = arith.constant 208 : index
        %get3A_471 = tpu.vector_load %arg6[%get3A_468, %get3A_469, %get3A_470] {strides = array<i32>} : memref<2x32x768xf32, #tpu.memory_space<vmem>>, vector<1x1x16xf32>,
        %get3A_472 = vector.shape_cast %get3A_471 : vector<1x1x16xf32> to vector<16xf32>
        %mul3A_473 = arith.mulf %get3A_466, %get3A_472 : vector<16xf32>
        %add3A_474 = arith.addf %add3A_456, %mul3A_473 : vector<16xf32>
        %mul3A_475 = arith.mulf %get3A_466, %get3A_466 : vector<16xf32>
        %add3A_476 = arith.addf %add3A_458, %mul3A_475 : vector<16xf32>
        %mul3A_477 = arith.mulf %get3A_472, %get3A_472 : vector<16xf32>
        %add3A_478 = arith.addf %add3A_460, %mul3A_477 : vector<16xf32>
        %get3A_479 = arith.constant 1 : i32
        %get3A_480 = arith.index_cast %get3A_479 : i32 to index
        %get3A_481 = arith.index_cast %scan3A_224 : i32 to index
        %get3A_482 = arith.constant 224 : index
        %get3A_483 = tpu.vector_load %arg5[%get3A_480, %get3A_481, %get3A_482] {strides = array<i32>} : memref<2x32x768xf32, #tpu.memory_space<vmem>>, vector<1x1x16xf32>,
        %get3A_484 = vector.shape_cast %get3A_483 : vector<1x1x16xf32> to vector<16xf32>
        %get3A_485 = arith.constant 1 : i32
        %get3A_486 = arith.index_cast %get3A_485 : i32 to index
        %get3A_487 = arith.index_cast %scan3A_224 : i32 to index
        %get3A_488 = arith.constant 224 : index
        %get3A_489 = tpu.vector_load %arg6[%get3A_486, %get3A_487, %get3A_488] {strides = array<i32>} : memref<2x32x768xf32, #tpu.memory_space<vmem>>, vector<1x1x16xf32>,
        %get3A_490 = vector.shape_cast %get3A_489 : vector<1x1x16xf32> to vector<16xf32>
        %mul3A_491 = arith.mulf %get3A_484, %get3A_490 : vector<16xf32>
        %add3A_492 = arith.addf %add3A_474, %mul3A_491 : vector<16xf32>
        %mul3A_493 = arith.mulf %get3A_484, %get3A_484 : vector<16xf32>
        %add3A_494 = arith.addf %add3A_476, %mul3A_493 : vector<16xf32>
        %mul3A_495 = arith.mulf %get3A_490, %get3A_490 : vector<16xf32>
        %add3A_496 = arith.addf %add3A_478, %mul3A_495 : vector<16xf32>
        %get3A_497 = arith.constant 1 : i32
        %get3A_498 = arith.index_cast %get3A_497 : i32 to index
        %get3A_499 = arith.index_cast %scan3A_224 : i32 to index
        %get3A_500 = arith.constant 240 : index
        %get3A_501 = tpu.vector_load %arg5[%get3A_498, %get3A_499, %get3A_500] {strides = array<i32>} : memref<2x32x768xf32, #tpu.memory_space<vmem>>, vector<1x1x16xf32>,
        %get3A_502 = vector.shape_cast %get3A_501 : vector<1x1x16xf32> to vector<16xf32>
        %get3A_503 = arith.constant 1 : i32
        %get3A_504 = arith.index_cast %get3A_503 : i32 to index
        %get3A_505 = arith.index_cast %scan3A_224 : i32 to index
        %get3A_506 = arith.constant 240 : index
        %get3A_507 = tpu.vector_load %arg6[%get3A_504, %get3A_505, %get3A_506] {strides = array<i32>} : memref<2x32x768xf32, #tpu.memory_space<vmem>>, vector<1x1x16xf32>,
        %get3A_508 = vector.shape_cast %get3A_507 : vector<1x1x16xf32> to vector<16xf32>
        %mul3A_509 = arith.mulf %get3A_502, %get3A_508 : vector<16xf32>
        %add3A_510 = arith.addf %add3A_492, %mul3A_509 : vector<16xf32>
        %mul3A_511 = arith.mulf %get3A_502, %get3A_502 : vector<16xf32>
        %add3A_512 = arith.addf %add3A_494, %mul3A_511 : vector<16xf32>
        %mul3A_513 = arith.mulf %get3A_508, %get3A_508 : vector<16xf32>
        %add3A_514 = arith.addf %add3A_496, %mul3A_513 : vector<16xf32>
        %get3A_515 = arith.constant 1 : i32
        %get3A_516 = arith.index_cast %get3A_515 : i32 to index
        %get3A_517 = arith.index_cast %scan3A_224 : i32 to index
        %get3A_518 = arith.constant 256 : index
        %get3A_519 = tpu.vector_load %arg5[%get3A_516, %get3A_517, %get3A_518] {strides = array<i32>} : memref<2x32x768xf32, #tpu.memory_space<vmem>>, vector<1x1x16xf32>,
        %get3A_520 = vector.shape_cast %get3A_519 : vector<1x1x16xf32> to vector<16xf32>
        %get3A_521 = arith.constant 1 : i32
        %get3A_522 = arith.index_cast %get3A_521 : i32 to index
        %get3A_523 = arith.index_cast %scan3A_224 : i32 to index
        %get3A_524 = arith.constant 256 : index
        %get3A_525 = tpu.vector_load %arg6[%get3A_522, %get3A_523, %get3A_524] {strides = array<i32>} : memref<2x32x768xf32, #tpu.memory_space<vmem>>, vector<1x1x16xf32>,
        %get3A_526 = vector.shape_cast %get3A_525 : vector<1x1x16xf32> to vector<16xf32>
        %mul3A_527 = arith.mulf %get3A_520, %get3A_526 : vector<16xf32>
        %add3A_528 = arith.addf %add3A_510, %mul3A_527 : vector<16xf32>
        %mul3A_529 = arith.mulf %get3A_520, %get3A_520 : vector<16xf32>
        %add3A_530 = arith.addf %add3A_512, %mul3A_529 : vector<16xf32>
        %mul3A_531 = arith.mulf %get3A_526, %get3A_526 : vector<16xf32>
        %add3A_532 = arith.addf %add3A_514, %mul3A_531 : vector<16xf32>
        %get3A_533 = arith.constant 1 : i32
        %get3A_534 = arith.index_cast %get3A_533 : i32 to index
        %get3A_535 = arith.index_cast %scan3A_224 : i32 to index
        %get3A_536 = arith.constant 272 : index
        %get3A_537 = tpu.vector_load %arg5[%get3A_534, %get3A_535, %get3A_536] {strides = array<i32>} : memref<2x32x768xf32, #tpu.memory_space<vmem>>, vector<1x1x16xf32>,
        %get3A_538 = vector.shape_cast %get3A_537 : vector<1x1x16xf32> to vector<16xf32>
        %get3A_539 = arith.constant 1 : i32
        %get3A_540 = arith.index_cast %get3A_539 : i32 to index
        %get3A_541 = arith.index_cast %scan3A_224 : i32 to index
        %get3A_542 = arith.constant 272 : index
        %get3A_543 = tpu.vector_load %arg6[%get3A_540, %get3A_541, %get3A_542] {strides = array<i32>} : memref<2x32x768xf32, #tpu.memory_space<vmem>>, vector<1x1x16xf32>,
        %get3A_544 = vector.shape_cast %get3A_543 : vector<1x1x16xf32> to vector<16xf32>
        %mul3A_545 = arith.mulf %get3A_538, %get3A_544 : vector<16xf32>
        %add3A_546 = arith.addf %add3A_528, %mul3A_545 : vector<16xf32>
        %mul3A_547 = arith.mulf %get3A_538, %get3A_538 : vector<16xf32>
        %add3A_548 = arith.addf %add3A_530, %mul3A_547 : vector<16xf32>
        %mul3A_549 = arith.mulf %get3A_544, %get3A_544 : vector<16xf32>
        %add3A_550 = arith.addf %add3A_532, %mul3A_549 : vector<16xf32>
        %get3A_551 = arith.constant 1 : i32
        %get3A_552 = arith.index_cast %get3A_551 : i32 to index
        %get3A_553 = arith.index_cast %scan3A_224 : i32 to index
        %get3A_554 = arith.constant 288 : index
        %get3A_555 = tpu.vector_load %arg5[%get3A_552, %get3A_553, %get3A_554] {strides = array<i32>} : memref<2x32x768xf32, #tpu.memory_space<vmem>>, vector<1x1x16xf32>,
        %get3A_556 = vector.shape_cast %get3A_555 : vector<1x1x16xf32> to vector<16xf32>
        %get3A_557 = arith.constant 1 : i32
        %get3A_558 = arith.index_cast %get3A_557 : i32 to index
        %get3A_559 = arith.index_cast %scan3A_224 : i32 to index
        %get3A_560 = arith.constant 288 : index
        %get3A_561 = tpu.vector_load %arg6[%get3A_558, %get3A_559, %get3A_560] {strides = array<i32>} : memref<2x32x768xf32, #tpu.memory_space<vmem>>, vector<1x1x16xf32>,
        %get3A_562 = vector.shape_cast %get3A_561 : vector<1x1x16xf32> to vector<16xf32>
        %mul3A_563 = arith.mulf %get3A_556, %get3A_562 : vector<16xf32>
        %add3A_564 = arith.addf %add3A_546, %mul3A_563 : vector<16xf32>
        %mul3A_565 = arith.mulf %get3A_556, %get3A_556 : vector<16xf32>
        %add3A_566 = arith.addf %add3A_548, %mul3A_565 : vector<16xf32>
        %mul3A_567 = arith.mulf %get3A_562, %get3A_562 : vector<16xf32>
        %add3A_568 = arith.addf %add3A_550, %mul3A_567 : vector<16xf32>
        %get3A_569 = arith.constant 1 : i32
        %get3A_570 = arith.index_cast %get3A_569 : i32 to index
        %get3A_571 = arith.index_cast %scan3A_224 : i32 to index
        %get3A_572 = arith.constant 304 : index
        %get3A_573 = tpu.vector_load %arg5[%get3A_570, %get3A_571, %get3A_572] {strides = array<i32>} : memref<2x32x768xf32, #tpu.memory_space<vmem>>, vector<1x1x16xf32>,
        %get3A_574 = vector.shape_cast %get3A_573 : vector<1x1x16xf32> to vector<16xf32>
        %get3A_575 = arith.constant 1 : i32
        %get3A_576 = arith.index_cast %get3A_575 : i32 to index
        %get3A_577 = arith.index_cast %scan3A_224 : i32 to index
        %get3A_578 = arith.constant 304 : index
        %get3A_579 = tpu.vector_load %arg6[%get3A_576, %get3A_577, %get3A_578] {strides = array<i32>} : memref<2x32x768xf32, #tpu.memory_space<vmem>>, vector<1x1x16xf32>,
        %get3A_580 = vector.shape_cast %get3A_579 : vector<1x1x16xf32> to vector<16xf32>
        %mul3A_581 = arith.mulf %get3A_574, %get3A_580 : vector<16xf32>
        %add3A_582 = arith.addf %add3A_564, %mul3A_581 : vector<16xf32>
        %mul3A_583 = arith.mulf %get3A_574, %get3A_574 : vector<16xf32>
        %add3A_584 = arith.addf %add3A_566, %mul3A_583 : vector<16xf32>
        %mul3A_585 = arith.mulf %get3A_580, %get3A_580 : vector<16xf32>
        %add3A_586 = arith.addf %add3A_568, %mul3A_585 : vector<16xf32>
        %get3A_587 = arith.constant 1 : i32
        %get3A_588 = arith.index_cast %get3A_587 : i32 to index
        %get3A_589 = arith.index_cast %scan3A_224 : i32 to index
        %get3A_590 = arith.constant 320 : index
        %get3A_591 = tpu.vector_load %arg5[%get3A_588, %get3A_589, %get3A_590] {strides = array<i32>} : memref<2x32x768xf32, #tpu.memory_space<vmem>>, vector<1x1x16xf32>,
        %get3A_592 = vector.shape_cast %get3A_591 : vector<1x1x16xf32> to vector<16xf32>
        %get3A_593 = arith.constant 1 : i32
        %get3A_594 = arith.index_cast %get3A_593 : i32 to index
        %get3A_595 = arith.index_cast %scan3A_224 : i32 to index
        %get3A_596 = arith.constant 320 : index
        %get3A_597 = tpu.vector_load %arg6[%get3A_594, %get3A_595, %get3A_596] {strides = array<i32>} : memref<2x32x768xf32, #tpu.memory_space<vmem>>, vector<1x1x16xf32>,
        %get3A_598 = vector.shape_cast %get3A_597 : vector<1x1x16xf32> to vector<16xf32>
        %mul3A_599 = arith.mulf %get3A_592, %get3A_598 : vector<16xf32>
        %add3A_600 = arith.addf %add3A_582, %mul3A_599 : vector<16xf32>
        %mul3A_601 = arith.mulf %get3A_592, %get3A_592 : vector<16xf32>
        %add3A_602 = arith.addf %add3A_584, %mul3A_601 : vector<16xf32>
        %mul3A_603 = arith.mulf %get3A_598, %get3A_598 : vector<16xf32>
        %add3A_604 = arith.addf %add3A_586, %mul3A_603 : vector<16xf32>
        %get3A_605 = arith.constant 1 : i32
        %get3A_606 = arith.index_cast %get3A_605 : i32 to index
        %get3A_607 = arith.index_cast %scan3A_224 : i32 to index
        %get3A_608 = arith.constant 336 : index
        %get3A_609 = tpu.vector_load %arg5[%get3A_606, %get3A_607, %get3A_608] {strides = array<i32>} : memref<2x32x768xf32, #tpu.memory_space<vmem>>, vector<1x1x16xf32>,
        %get3A_610 = vector.shape_cast %get3A_609 : vector<1x1x16xf32> to vector<16xf32>
        %get3A_611 = arith.constant 1 : i32
        %get3A_612 = arith.index_cast %get3A_611 : i32 to index
        %get3A_613 = arith.index_cast %scan3A_224 : i32 to index
        %get3A_614 = arith.constant 336 : index
        %get3A_615 = tpu.vector_load %arg6[%get3A_612, %get3A_613, %get3A_614] {strides = array<i32>} : memref<2x32x768xf32, #tpu.memory_space<vmem>>, vector<1x1x16xf32>,
        %get3A_616 = vector.shape_cast %get3A_615 : vector<1x1x16xf32> to vector<16xf32>
        %mul3A_617 = arith.mulf %get3A_610, %get3A_616 : vector<16xf32>
        %add3A_618 = arith.addf %add3A_600, %mul3A_617 : vector<16xf32>
        %mul3A_619 = arith.mulf %get3A_610, %get3A_610 : vector<16xf32>
        %add3A_620 = arith.addf %add3A_602, %mul3A_619 : vector<16xf32>
        %mul3A_621 = arith.mulf %get3A_616, %get3A_616 : vector<16xf32>
        %add3A_622 = arith.addf %add3A_604, %mul3A_621 : vector<16xf32>
        %get3A_623 = arith.constant 1 : i32
        %get3A_624 = arith.index_cast %get3A_623 : i32 to index
        %get3A_625 = arith.index_cast %scan3A_224 : i32 to index
        %get3A_626 = arith.constant 352 : index
        %get3A_627 = tpu.vector_load %arg5[%get3A_624, %get3A_625, %get3A_626] {strides = array<i32>} : memref<2x32x768xf32, #tpu.memory_space<vmem>>, vector<1x1x16xf32>,
        %get3A_628 = vector.shape_cast %get3A_627 : vector<1x1x16xf32> to vector<16xf32>
        %get3A_629 = arith.constant 1 : i32
        %get3A_630 = arith.index_cast %get3A_629 : i32 to index
        %get3A_631 = arith.index_cast %scan3A_224 : i32 to index
        %get3A_632 = arith.constant 352 : index
        %get3A_633 = tpu.vector_load %arg6[%get3A_630, %get3A_631, %get3A_632] {strides = array<i32>} : memref<2x32x768xf32, #tpu.memory_space<vmem>>, vector<1x1x16xf32>,
        %get3A_634 = vector.shape_cast %get3A_633 : vector<1x1x16xf32> to vector<16xf32>
        %mul3A_635 = arith.mulf %get3A_628, %get3A_634 : vector<16xf32>
        %add3A_636 = arith.addf %add3A_618, %mul3A_635 : vector<16xf32>
        %mul3A_637 = arith.mulf %get3A_628, %get3A_628 : vector<16xf32>
        %add3A_638 = arith.addf %add3A_620, %mul3A_637 : vector<16xf32>
        %mul3A_639 = arith.mulf %get3A_634, %get3A_634 : vector<16xf32>
        %add3A_640 = arith.addf %add3A_622, %mul3A_639 : vector<16xf32>
        %get3A_641 = arith.constant 1 : i32
        %get3A_642 = arith.index_cast %get3A_641 : i32 to index
        %get3A_643 = arith.index_cast %scan3A_224 : i32 to index
        %get3A_644 = arith.constant 368 : index
        %get3A_645 = tpu.vector_load %arg5[%get3A_642, %get3A_643, %get3A_644] {strides = array<i32>} : memref<2x32x768xf32, #tpu.memory_space<vmem>>, vector<1x1x16xf32>,
        %get3A_646 = vector.shape_cast %get3A_645 : vector<1x1x16xf32> to vector<16xf32>
        %get3A_647 = arith.constant 1 : i32
        %get3A_648 = arith.index_cast %get3A_647 : i32 to index
        %get3A_649 = arith.index_cast %scan3A_224 : i32 to index
        %get3A_650 = arith.constant 368 : index
        %get3A_651 = tpu.vector_load %arg6[%get3A_648, %get3A_649, %get3A_650] {strides = array<i32>} : memref<2x32x768xf32, #tpu.memory_space<vmem>>, vector<1x1x16xf32>,
        %get3A_652 = vector.shape_cast %get3A_651 : vector<1x1x16xf32> to vector<16xf32>
        %mul3A_653 = arith.mulf %get3A_646, %get3A_652 : vector<16xf32>
        %add3A_654 = arith.addf %add3A_636, %mul3A_653 : vector<16xf32>
        %mul3A_655 = arith.mulf %get3A_646, %get3A_646 : vector<16xf32>
        %add3A_656 = arith.addf %add3A_638, %mul3A_655 : vector<16xf32>
        %mul3A_657 = arith.mulf %get3A_652, %get3A_652 : vector<16xf32>
        %add3A_658 = arith.addf %add3A_640, %mul3A_657 : vector<16xf32>
        %get3A_659 = arith.constant 1 : i32
        %get3A_660 = arith.index_cast %get3A_659 : i32 to index
        %get3A_661 = arith.index_cast %scan3A_224 : i32 to index
        %get3A_662 = arith.constant 384 : index
        %get3A_663 = tpu.vector_load %arg5[%get3A_660, %get3A_661, %get3A_662] {strides = array<i32>} : memref<2x32x768xf32, #tpu.memory_space<vmem>>, vector<1x1x16xf32>,
        %get3A_664 = vector.shape_cast %get3A_663 : vector<1x1x16xf32> to vector<16xf32>
        %get3A_665 = arith.constant 1 : i32
        %get3A_666 = arith.index_cast %get3A_665 : i32 to index
        %get3A_667 = arith.index_cast %scan3A_224 : i32 to index
        %get3A_668 = arith.constant 384 : index
        %get3A_669 = tpu.vector_load %arg6[%get3A_666, %get3A_667, %get3A_668] {strides = array<i32>} : memref<2x32x768xf32, #tpu.memory_space<vmem>>, vector<1x1x16xf32>,
        %get3A_670 = vector.shape_cast %get3A_669 : vector<1x1x16xf32> to vector<16xf32>
        %mul3A_671 = arith.mulf %get3A_664, %get3A_670 : vector<16xf32>
        %add3A_672 = arith.addf %add3A_654, %mul3A_671 : vector<16xf32>
        %mul3A_673 = arith.mulf %get3A_664, %get3A_664 : vector<16xf32>
        %add3A_674 = arith.addf %add3A_656, %mul3A_673 : vector<16xf32>
        %mul3A_675 = arith.mulf %get3A_670, %get3A_670 : vector<16xf32>
        %add3A_676 = arith.addf %add3A_658, %mul3A_675 : vector<16xf32>
        %get3A_677 = arith.constant 1 : i32
        %get3A_678 = arith.index_cast %get3A_677 : i32 to index
        %get3A_679 = arith.index_cast %scan3A_224 : i32 to index
        %get3A_680 = arith.constant 400 : index
        %get3A_681 = tpu.vector_load %arg5[%get3A_678, %get3A_679, %get3A_680] {strides = array<i32>} : memref<2x32x768xf32, #tpu.memory_space<vmem>>, vector<1x1x16xf32>,
        %get3A_682 = vector.shape_cast %get3A_681 : vector<1x1x16xf32> to vector<16xf32>
        %get3A_683 = arith.constant 1 : i32
        %get3A_684 = arith.index_cast %get3A_683 : i32 to index
        %get3A_685 = arith.index_cast %scan3A_224 : i32 to index
        %get3A_686 = arith.constant 400 : index
        %get3A_687 = tpu.vector_load %arg6[%get3A_684, %get3A_685, %get3A_686] {strides = array<i32>} : memref<2x32x768xf32, #tpu.memory_space<vmem>>, vector<1x1x16xf32>,
        %get3A_688 = vector.shape_cast %get3A_687 : vector<1x1x16xf32> to vector<16xf32>
        %mul3A_689 = arith.mulf %get3A_682, %get3A_688 : vector<16xf32>
        %add3A_690 = arith.addf %add3A_672, %mul3A_689 : vector<16xf32>
        %mul3A_691 = arith.mulf %get3A_682, %get3A_682 : vector<16xf32>
        %add3A_692 = arith.addf %add3A_674, %mul3A_691 : vector<16xf32>
        %mul3A_693 = arith.mulf %get3A_688, %get3A_688 : vector<16xf32>
        %add3A_694 = arith.addf %add3A_676, %mul3A_693 : vector<16xf32>
        %get3A_695 = arith.constant 1 : i32
        %get3A_696 = arith.index_cast %get3A_695 : i32 to index
        %get3A_697 = arith.index_cast %scan3A_224 : i32 to index
        %get3A_698 = arith.constant 416 : index
        %get3A_699 = tpu.vector_load %arg5[%get3A_696, %get3A_697, %get3A_698] {strides = array<i32>} : memref<2x32x768xf32, #tpu.memory_space<vmem>>, vector<1x1x16xf32>,
        %get3A_700 = vector.shape_cast %get3A_699 : vector<1x1x16xf32> to vector<16xf32>
        %get3A_701 = arith.constant 1 : i32
        %get3A_702 = arith.index_cast %get3A_701 : i32 to index
        %get3A_703 = arith.index_cast %scan3A_224 : i32 to index
        %get3A_704 = arith.constant 416 : index
        %get3A_705 = tpu.vector_load %arg6[%get3A_702, %get3A_703, %get3A_704] {strides = array<i32>} : memref<2x32x768xf32, #tpu.memory_space<vmem>>, vector<1x1x16xf32>,
        %get3A_706 = vector.shape_cast %get3A_705 : vector<1x1x16xf32> to vector<16xf32>
        %mul3A_707 = arith.mulf %get3A_700, %get3A_706 : vector<16xf32>
        %add3A_708 = arith.addf %add3A_690, %mul3A_707 : vector<16xf32>
        %mul3A_709 = arith.mulf %get3A_700, %get3A_700 : vector<16xf32>
        %add3A_710 = arith.addf %add3A_692, %mul3A_709 : vector<16xf32>
        %mul3A_711 = arith.mulf %get3A_706, %get3A_706 : vector<16xf32>
        %add3A_712 = arith.addf %add3A_694, %mul3A_711 : vector<16xf32>
        %get3A_713 = arith.constant 1 : i32
        %get3A_714 = arith.index_cast %get3A_713 : i32 to index
        %get3A_715 = arith.index_cast %scan3A_224 : i32 to index
        %get3A_716 = arith.constant 432 : index
        %get3A_717 = tpu.vector_load %arg5[%get3A_714, %get3A_715, %get3A_716] {strides = array<i32>} : memref<2x32x768xf32, #tpu.memory_space<vmem>>, vector<1x1x16xf32>,
        %get3A_718 = vector.shape_cast %get3A_717 : vector<1x1x16xf32> to vector<16xf32>
        %get3A_719 = arith.constant 1 : i32
        %get3A_720 = arith.index_cast %get3A_719 : i32 to index
        %get3A_721 = arith.index_cast %scan3A_224 : i32 to index
        %get3A_722 = arith.constant 432 : index
        %get3A_723 = tpu.vector_load %arg6[%get3A_720, %get3A_721, %get3A_722] {strides = array<i32>} : memref<2x32x768xf32, #tpu.memory_space<vmem>>, vector<1x1x16xf32>,
        %get3A_724 = vector.shape_cast %get3A_723 : vector<1x1x16xf32> to vector<16xf32>
        %mul3A_725 = arith.mulf %get3A_718, %get3A_724 : vector<16xf32>
        %add3A_726 = arith.addf %add3A_708, %mul3A_725 : vector<16xf32>
        %mul3A_727 = arith.mulf %get3A_718, %get3A_718 : vector<16xf32>
        %add3A_728 = arith.addf %add3A_710, %mul3A_727 : vector<16xf32>
        %mul3A_729 = arith.mulf %get3A_724, %get3A_724 : vector<16xf32>
        %add3A_730 = arith.addf %add3A_712, %mul3A_729 : vector<16xf32>
        %get3A_731 = arith.constant 1 : i32
        %get3A_732 = arith.index_cast %get3A_731 : i32 to index
        %get3A_733 = arith.index_cast %scan3A_224 : i32 to index
        %get3A_734 = arith.constant 448 : index
        %get3A_735 = tpu.vector_load %arg5[%get3A_732, %get3A_733, %get3A_734] {strides = array<i32>} : memref<2x32x768xf32, #tpu.memory_space<vmem>>, vector<1x1x16xf32>,
        %get3A_736 = vector.shape_cast %get3A_735 : vector<1x1x16xf32> to vector<16xf32>
        %get3A_737 = arith.constant 1 : i32
        %get3A_738 = arith.index_cast %get3A_737 : i32 to index
        %get3A_739 = arith.index_cast %scan3A_224 : i32 to index
        %get3A_740 = arith.constant 448 : index
        %get3A_741 = tpu.vector_load %arg6[%get3A_738, %get3A_739, %get3A_740] {strides = array<i32>} : memref<2x32x768xf32, #tpu.memory_space<vmem>>, vector<1x1x16xf32>,
        %get3A_742 = vector.shape_cast %get3A_741 : vector<1x1x16xf32> to vector<16xf32>
        %mul3A_743 = arith.mulf %get3A_736, %get3A_742 : vector<16xf32>
        %add3A_744 = arith.addf %add3A_726, %mul3A_743 : vector<16xf32>
        %mul3A_745 = arith.mulf %get3A_736, %get3A_736 : vector<16xf32>
        %add3A_746 = arith.addf %add3A_728, %mul3A_745 : vector<16xf32>
        %mul3A_747 = arith.mulf %get3A_742, %get3A_742 : vector<16xf32>
        %add3A_748 = arith.addf %add3A_730, %mul3A_747 : vector<16xf32>
        %get3A_749 = arith.constant 1 : i32
        %get3A_750 = arith.index_cast %get3A_749 : i32 to index
        %get3A_751 = arith.index_cast %scan3A_224 : i32 to index
        %get3A_752 = arith.constant 464 : index
        %get3A_753 = tpu.vector_load %arg5[%get3A_750, %get3A_751, %get3A_752] {strides = array<i32>} : memref<2x32x768xf32, #tpu.memory_space<vmem>>, vector<1x1x16xf32>,
        %get3A_754 = vector.shape_cast %get3A_753 : vector<1x1x16xf32> to vector<16xf32>
        %get3A_755 = arith.constant 1 : i32
        %get3A_756 = arith.index_cast %get3A_755 : i32 to index
        %get3A_757 = arith.index_cast %scan3A_224 : i32 to index
        %get3A_758 = arith.constant 464 : index
        %get3A_759 = tpu.vector_load %arg6[%get3A_756, %get3A_757, %get3A_758] {strides = array<i32>} : memref<2x32x768xf32, #tpu.memory_space<vmem>>, vector<1x1x16xf32>,
        %get3A_760 = vector.shape_cast %get3A_759 : vector<1x1x16xf32> to vector<16xf32>
        %mul3A_761 = arith.mulf %get3A_754, %get3A_760 : vector<16xf32>
        %add3A_762 = arith.addf %add3A_744, %mul3A_761 : vector<16xf32>
        %mul3A_763 = arith.mulf %get3A_754, %get3A_754 : vector<16xf32>
        %add3A_764 = arith.addf %add3A_746, %mul3A_763 : vector<16xf32>
        %mul3A_765 = arith.mulf %get3A_760, %get3A_760 : vector<16xf32>
        %add3A_766 = arith.addf %add3A_748, %mul3A_765 : vector<16xf32>
        %get3A_767 = arith.constant 1 : i32
        %get3A_768 = arith.index_cast %get3A_767 : i32 to index
        %get3A_769 = arith.index_cast %scan3A_224 : i32 to index
        %get3A_770 = arith.constant 480 : index
        %get3A_771 = tpu.vector_load %arg5[%get3A_768, %get3A_769, %get3A_770] {strides = array<i32>} : memref<2x32x768xf32, #tpu.memory_space<vmem>>, vector<1x1x16xf32>,
        %get3A_772 = vector.shape_cast %get3A_771 : vector<1x1x16xf32> to vector<16xf32>
        %get3A_773 = arith.constant 1 : i32
        %get3A_774 = arith.index_cast %get3A_773 : i32 to index
        %get3A_775 = arith.index_cast %scan3A_224 : i32 to index
        %get3A_776 = arith.constant 480 : index
        %get3A_777 = tpu.vector_load %arg6[%get3A_774, %get3A_775, %get3A_776] {strides = array<i32>} : memref<2x32x768xf32, #tpu.memory_space<vmem>>, vector<1x1x16xf32>,
        %get3A_778 = vector.shape_cast %get3A_777 : vector<1x1x16xf32> to vector<16xf32>
        %mul3A_779 = arith.mulf %get3A_772, %get3A_778 : vector<16xf32>
        %add3A_780 = arith.addf %add3A_762, %mul3A_779 : vector<16xf32>
        %mul3A_781 = arith.mulf %get3A_772, %get3A_772 : vector<16xf32>
        %add3A_782 = arith.addf %add3A_764, %mul3A_781 : vector<16xf32>
        %mul3A_783 = arith.mulf %get3A_778, %get3A_778 : vector<16xf32>
        %add3A_784 = arith.addf %add3A_766, %mul3A_783 : vector<16xf32>
        %get3A_785 = arith.constant 1 : i32
        %get3A_786 = arith.index_cast %get3A_785 : i32 to index
        %get3A_787 = arith.index_cast %scan3A_224 : i32 to index
        %get3A_788 = arith.constant 496 : index
        %get3A_789 = tpu.vector_load %arg5[%get3A_786, %get3A_787, %get3A_788] {strides = array<i32>} : memref<2x32x768xf32, #tpu.memory_space<vmem>>, vector<1x1x16xf32>,
        %get3A_790 = vector.shape_cast %get3A_789 : vector<1x1x16xf32> to vector<16xf32>
        %get3A_791 = arith.constant 1 : i32
        %get3A_792 = arith.index_cast %get3A_791 : i32 to index
        %get3A_793 = arith.index_cast %scan3A_224 : i32 to index
        %get3A_794 = arith.constant 496 : index
        %get3A_795 = tpu.vector_load %arg6[%get3A_792, %get3A_793, %get3A_794] {strides = array<i32>} : memref<2x32x768xf32, #tpu.memory_space<vmem>>, vector<1x1x16xf32>,
        %get3A_796 = vector.shape_cast %get3A_795 : vector<1x1x16xf32> to vector<16xf32>
        %mul3A_797 = arith.mulf %get3A_790, %get3A_796 : vector<16xf32>
        %add3A_798 = arith.addf %add3A_780, %mul3A_797 : vector<16xf32>
        %mul3A_799 = arith.mulf %get3A_790, %get3A_790 : vector<16xf32>
        %add3A_800 = arith.addf %add3A_782, %mul3A_799 : vector<16xf32>
        %mul3A_801 = arith.mulf %get3A_796, %get3A_796 : vector<16xf32>
        %add3A_802 = arith.addf %add3A_784, %mul3A_801 : vector<16xf32>
        %get3A_803 = arith.constant 1 : i32
        %get3A_804 = arith.index_cast %get3A_803 : i32 to index
        %get3A_805 = arith.index_cast %scan3A_224 : i32 to index
        %get3A_806 = arith.constant 512 : index
        %get3A_807 = tpu.vector_load %arg5[%get3A_804, %get3A_805, %get3A_806] {strides = array<i32>} : memref<2x32x768xf32, #tpu.memory_space<vmem>>, vector<1x1x16xf32>,
        %get3A_808 = vector.shape_cast %get3A_807 : vector<1x1x16xf32> to vector<16xf32>
        %get3A_809 = arith.constant 1 : i32
        %get3A_810 = arith.index_cast %get3A_809 : i32 to index
        %get3A_811 = arith.index_cast %scan3A_224 : i32 to index
        %get3A_812 = arith.constant 512 : index
        %get3A_813 = tpu.vector_load %arg6[%get3A_810, %get3A_811, %get3A_812] {strides = array<i32>} : memref<2x32x768xf32, #tpu.memory_space<vmem>>, vector<1x1x16xf32>,
        %get3A_814 = vector.shape_cast %get3A_813 : vector<1x1x16xf32> to vector<16xf32>
        %mul3A_815 = arith.mulf %get3A_808, %get3A_814 : vector<16xf32>
        %add3A_816 = arith.addf %add3A_798, %mul3A_815 : vector<16xf32>
        %mul3A_817 = arith.mulf %get3A_808, %get3A_808 : vector<16xf32>
        %add3A_818 = arith.addf %add3A_800, %mul3A_817 : vector<16xf32>
        %mul3A_819 = arith.mulf %get3A_814, %get3A_814 : vector<16xf32>
        %add3A_820 = arith.addf %add3A_802, %mul3A_819 : vector<16xf32>
        %get3A_821 = arith.constant 1 : i32
        %get3A_822 = arith.index_cast %get3A_821 : i32 to index
        %get3A_823 = arith.index_cast %scan3A_224 : i32 to index
        %get3A_824 = arith.constant 528 : index
        %get3A_825 = tpu.vector_load %arg5[%get3A_822, %get3A_823, %get3A_824] {strides = array<i32>} : memref<2x32x768xf32, #tpu.memory_space<vmem>>, vector<1x1x16xf32>,
        %get3A_826 = vector.shape_cast %get3A_825 : vector<1x1x16xf32> to vector<16xf32>
        %get3A_827 = arith.constant 1 : i32
        %get3A_828 = arith.index_cast %get3A_827 : i32 to index
        %get3A_829 = arith.index_cast %scan3A_224 : i32 to index
        %get3A_830 = arith.constant 528 : index
        %get3A_831 = tpu.vector_load %arg6[%get3A_828, %get3A_829, %get3A_830] {strides = array<i32>} : memref<2x32x768xf32, #tpu.memory_space<vmem>>, vector<1x1x16xf32>,
        %get3A_832 = vector.shape_cast %get3A_831 : vector<1x1x16xf32> to vector<16xf32>
        %mul3A_833 = arith.mulf %get3A_826, %get3A_832 : vector<16xf32>
        %add3A_834 = arith.addf %add3A_816, %mul3A_833 : vector<16xf32>
        %mul3A_835 = arith.mulf %get3A_826, %get3A_826 : vector<16xf32>
        %add3A_836 = arith.addf %add3A_818, %mul3A_835 : vector<16xf32>
        %mul3A_837 = arith.mulf %get3A_832, %get3A_832 : vector<16xf32>
        %add3A_838 = arith.addf %add3A_820, %mul3A_837 : vector<16xf32>
        %get3A_839 = arith.constant 1 : i32
        %get3A_840 = arith.index_cast %get3A_839 : i32 to index
        %get3A_841 = arith.index_cast %scan3A_224 : i32 to index
        %get3A_842 = arith.constant 544 : index
        %get3A_843 = tpu.vector_load %arg5[%get3A_840, %get3A_841, %get3A_842] {strides = array<i32>} : memref<2x32x768xf32, #tpu.memory_space<vmem>>, vector<1x1x16xf32>,
        %get3A_844 = vector.shape_cast %get3A_843 : vector<1x1x16xf32> to vector<16xf32>
        %get3A_845 = arith.constant 1 : i32
        %get3A_846 = arith.index_cast %get3A_845 : i32 to index
        %get3A_847 = arith.index_cast %scan3A_224 : i32 to index
        %get3A_848 = arith.constant 544 : index
        %get3A_849 = tpu.vector_load %arg6[%get3A_846, %get3A_847, %get3A_848] {strides = array<i32>} : memref<2x32x768xf32, #tpu.memory_space<vmem>>, vector<1x1x16xf32>,
        %get3A_850 = vector.shape_cast %get3A_849 : vector<1x1x16xf32> to vector<16xf32>
        %mul3A_851 = arith.mulf %get3A_844, %get3A_850 : vector<16xf32>
        %add3A_852 = arith.addf %add3A_834, %mul3A_851 : vector<16xf32>
        %mul3A_853 = arith.mulf %get3A_844, %get3A_844 : vector<16xf32>
        %add3A_854 = arith.addf %add3A_836, %mul3A_853 : vector<16xf32>
        %mul3A_855 = arith.mulf %get3A_850, %get3A_850 : vector<16xf32>
        %add3A_856 = arith.addf %add3A_838, %mul3A_855 : vector<16xf32>
        %get3A_857 = arith.constant 1 : i32
        %get3A_858 = arith.index_cast %get3A_857 : i32 to index
        %get3A_859 = arith.index_cast %scan3A_224 : i32 to index
        %get3A_860 = arith.constant 560 : index
        %get3A_861 = tpu.vector_load %arg5[%get3A_858, %get3A_859, %get3A_860] {strides = array<i32>} : memref<2x32x768xf32, #tpu.memory_space<vmem>>, vector<1x1x16xf32>,
        %get3A_862 = vector.shape_cast %get3A_861 : vector<1x1x16xf32> to vector<16xf32>
        %get3A_863 = arith.constant 1 : i32
        %get3A_864 = arith.index_cast %get3A_863 : i32 to index
        %get3A_865 = arith.index_cast %scan3A_224 : i32 to index
        %get3A_866 = arith.constant 560 : index
        %get3A_867 = tpu.vector_load %arg6[%get3A_864, %get3A_865, %get3A_866] {strides = array<i32>} : memref<2x32x768xf32, #tpu.memory_space<vmem>>, vector<1x1x16xf32>,
        %get3A_868 = vector.shape_cast %get3A_867 : vector<1x1x16xf32> to vector<16xf32>
        %mul3A_869 = arith.mulf %get3A_862, %get3A_868 : vector<16xf32>
        %add3A_870 = arith.addf %add3A_852, %mul3A_869 : vector<16xf32>
        %mul3A_871 = arith.mulf %get3A_862, %get3A_862 : vector<16xf32>
        %add3A_872 = arith.addf %add3A_854, %mul3A_871 : vector<16xf32>
        %mul3A_873 = arith.mulf %get3A_868, %get3A_868 : vector<16xf32>
        %add3A_874 = arith.addf %add3A_856, %mul3A_873 : vector<16xf32>
        %get3A_875 = arith.constant 1 : i32
        %get3A_876 = arith.index_cast %get3A_875 : i32 to index
        %get3A_877 = arith.index_cast %scan3A_224 : i32 to index
        %get3A_878 = arith.constant 576 : index
        %get3A_879 = tpu.vector_load %arg5[%get3A_876, %get3A_877, %get3A_878] {strides = array<i32>} : memref<2x32x768xf32, #tpu.memory_space<vmem>>, vector<1x1x16xf32>,
        %get3A_880 = vector.shape_cast %get3A_879 : vector<1x1x16xf32> to vector<16xf32>
        %get3A_881 = arith.constant 1 : i32
        %get3A_882 = arith.index_cast %get3A_881 : i32 to index
        %get3A_883 = arith.index_cast %scan3A_224 : i32 to index
        %get3A_884 = arith.constant 576 : index
        %get3A_885 = tpu.vector_load %arg6[%get3A_882, %get3A_883, %get3A_884] {strides = array<i32>} : memref<2x32x768xf32, #tpu.memory_space<vmem>>, vector<1x1x16xf32>,
        %get3A_886 = vector.shape_cast %get3A_885 : vector<1x1x16xf32> to vector<16xf32>
        %mul3A_887 = arith.mulf %get3A_880, %get3A_886 : vector<16xf32>
        %add3A_888 = arith.addf %add3A_870, %mul3A_887 : vector<16xf32>
        %mul3A_889 = arith.mulf %get3A_880, %get3A_880 : vector<16xf32>
        %add3A_890 = arith.addf %add3A_872, %mul3A_889 : vector<16xf32>
        %mul3A_891 = arith.mulf %get3A_886, %get3A_886 : vector<16xf32>
        %add3A_892 = arith.addf %add3A_874, %mul3A_891 : vector<16xf32>
        %get3A_893 = arith.constant 1 : i32
        %get3A_894 = arith.index_cast %get3A_893 : i32 to index
        %get3A_895 = arith.index_cast %scan3A_224 : i32 to index
        %get3A_896 = arith.constant 592 : index
        %get3A_897 = tpu.vector_load %arg5[%get3A_894, %get3A_895, %get3A_896] {strides = array<i32>} : memref<2x32x768xf32, #tpu.memory_space<vmem>>, vector<1x1x16xf32>,
        %get3A_898 = vector.shape_cast %get3A_897 : vector<1x1x16xf32> to vector<16xf32>
        %get3A_899 = arith.constant 1 : i32
        %get3A_900 = arith.index_cast %get3A_899 : i32 to index
        %get3A_901 = arith.index_cast %scan3A_224 : i32 to index
        %get3A_902 = arith.constant 592 : index
        %get3A_903 = tpu.vector_load %arg6[%get3A_900, %get3A_901, %get3A_902] {strides = array<i32>} : memref<2x32x768xf32, #tpu.memory_space<vmem>>, vector<1x1x16xf32>,
        %get3A_904 = vector.shape_cast %get3A_903 : vector<1x1x16xf32> to vector<16xf32>
        %mul3A_905 = arith.mulf %get3A_898, %get3A_904 : vector<16xf32>
        %add3A_906 = arith.addf %add3A_888, %mul3A_905 : vector<16xf32>
        %mul3A_907 = arith.mulf %get3A_898, %get3A_898 : vector<16xf32>
        %add3A_908 = arith.addf %add3A_890, %mul3A_907 : vector<16xf32>
        %mul3A_909 = arith.mulf %get3A_904, %get3A_904 : vector<16xf32>
        %add3A_910 = arith.addf %add3A_892, %mul3A_909 : vector<16xf32>
        %get3A_911 = arith.constant 1 : i32
        %get3A_912 = arith.index_cast %get3A_911 : i32 to index
        %get3A_913 = arith.index_cast %scan3A_224 : i32 to index
        %get3A_914 = arith.constant 608 : index
        %get3A_915 = tpu.vector_load %arg5[%get3A_912, %get3A_913, %get3A_914] {strides = array<i32>} : memref<2x32x768xf32, #tpu.memory_space<vmem>>, vector<1x1x16xf32>,
        %get3A_916 = vector.shape_cast %get3A_915 : vector<1x1x16xf32> to vector<16xf32>
        %get3A_917 = arith.constant 1 : i32
        %get3A_918 = arith.index_cast %get3A_917 : i32 to index
        %get3A_919 = arith.index_cast %scan3A_224 : i32 to index
        %get3A_920 = arith.constant 608 : index
        %get3A_921 = tpu.vector_load %arg6[%get3A_918, %get3A_919, %get3A_920] {strides = array<i32>} : memref<2x32x768xf32, #tpu.memory_space<vmem>>, vector<1x1x16xf32>,
        %get3A_922 = vector.shape_cast %get3A_921 : vector<1x1x16xf32> to vector<16xf32>
        %mul3A_923 = arith.mulf %get3A_916, %get3A_922 : vector<16xf32>
        %add3A_924 = arith.addf %add3A_906, %mul3A_923 : vector<16xf32>
        %mul3A_925 = arith.mulf %get3A_916, %get3A_916 : vector<16xf32>
        %add3A_926 = arith.addf %add3A_908, %mul3A_925 : vector<16xf32>
        %mul3A_927 = arith.mulf %get3A_922, %get3A_922 : vector<16xf32>
        %add3A_928 = arith.addf %add3A_910, %mul3A_927 : vector<16xf32>
        %get3A_929 = arith.constant 1 : i32
        %get3A_930 = arith.index_cast %get3A_929 : i32 to index
        %get3A_931 = arith.index_cast %scan3A_224 : i32 to index
        %get3A_932 = arith.constant 624 : index
        %get3A_933 = tpu.vector_load %arg5[%get3A_930, %get3A_931, %get3A_932] {strides = array<i32>} : memref<2x32x768xf32, #tpu.memory_space<vmem>>, vector<1x1x16xf32>,
        %get3A_934 = vector.shape_cast %get3A_933 : vector<1x1x16xf32> to vector<16xf32>
        %get3A_935 = arith.constant 1 : i32
        %get3A_936 = arith.index_cast %get3A_935 : i32 to index
        %get3A_937 = arith.index_cast %scan3A_224 : i32 to index
        %get3A_938 = arith.constant 624 : index
        %get3A_939 = tpu.vector_load %arg6[%get3A_936, %get3A_937, %get3A_938] {strides = array<i32>} : memref<2x32x768xf32, #tpu.memory_space<vmem>>, vector<1x1x16xf32>,
        %get3A_940 = vector.shape_cast %get3A_939 : vector<1x1x16xf32> to vector<16xf32>
        %mul3A_941 = arith.mulf %get3A_934, %get3A_940 : vector<16xf32>
        %add3A_942 = arith.addf %add3A_924, %mul3A_941 : vector<16xf32>
        %mul3A_943 = arith.mulf %get3A_934, %get3A_934 : vector<16xf32>
        %add3A_944 = arith.addf %add3A_926, %mul3A_943 : vector<16xf32>
        %mul3A_945 = arith.mulf %get3A_940, %get3A_940 : vector<16xf32>
        %add3A_946 = arith.addf %add3A_928, %mul3A_945 : vector<16xf32>
        %get3A_947 = arith.constant 1 : i32
        %get3A_948 = arith.index_cast %get3A_947 : i32 to index
        %get3A_949 = arith.index_cast %scan3A_224 : i32 to index
        %get3A_950 = arith.constant 640 : index
        %get3A_951 = tpu.vector_load %arg5[%get3A_948, %get3A_949, %get3A_950] {strides = array<i32>} : memref<2x32x768xf32, #tpu.memory_space<vmem>>, vector<1x1x16xf32>,
        %get3A_952 = vector.shape_cast %get3A_951 : vector<1x1x16xf32> to vector<16xf32>
        %get3A_953 = arith.constant 1 : i32
        %get3A_954 = arith.index_cast %get3A_953 : i32 to index
        %get3A_955 = arith.index_cast %scan3A_224 : i32 to index
        %get3A_956 = arith.constant 640 : index
        %get3A_957 = tpu.vector_load %arg6[%get3A_954, %get3A_955, %get3A_956] {strides = array<i32>} : memref<2x32x768xf32, #tpu.memory_space<vmem>>, vector<1x1x16xf32>,
        %get3A_958 = vector.shape_cast %get3A_957 : vector<1x1x16xf32> to vector<16xf32>
        %mul3A_959 = arith.mulf %get3A_952, %get3A_958 : vector<16xf32>
        %add3A_960 = arith.addf %add3A_942, %mul3A_959 : vector<16xf32>
        %mul3A_961 = arith.mulf %get3A_952, %get3A_952 : vector<16xf32>
        %add3A_962 = arith.addf %add3A_944, %mul3A_961 : vector<16xf32>
        %mul3A_963 = arith.mulf %get3A_958, %get3A_958 : vector<16xf32>
        %add3A_964 = arith.addf %add3A_946, %mul3A_963 : vector<16xf32>
        %get3A_965 = arith.constant 1 : i32
        %get3A_966 = arith.index_cast %get3A_965 : i32 to index
        %get3A_967 = arith.index_cast %scan3A_224 : i32 to index
        %get3A_968 = arith.constant 656 : index
        %get3A_969 = tpu.vector_load %arg5[%get3A_966, %get3A_967, %get3A_968] {strides = array<i32>} : memref<2x32x768xf32, #tpu.memory_space<vmem>>, vector<1x1x16xf32>,
        %get3A_970 = vector.shape_cast %get3A_969 : vector<1x1x16xf32> to vector<16xf32>
        %get3A_971 = arith.constant 1 : i32
        %get3A_972 = arith.index_cast %get3A_971 : i32 to index
        %get3A_973 = arith.index_cast %scan3A_224 : i32 to index
        %get3A_974 = arith.constant 656 : index
        %get3A_975 = tpu.vector_load %arg6[%get3A_972, %get3A_973, %get3A_974] {strides = array<i32>} : memref<2x32x768xf32, #tpu.memory_space<vmem>>, vector<1x1x16xf32>,
        %get3A_976 = vector.shape_cast %get3A_975 : vector<1x1x16xf32> to vector<16xf32>
        %mul3A_977 = arith.mulf %get3A_970, %get3A_976 : vector<16xf32>
        %add3A_978 = arith.addf %add3A_960, %mul3A_977 : vector<16xf32>
        %mul3A_979 = arith.mulf %get3A_970, %get3A_970 : vector<16xf32>
        %add3A_980 = arith.addf %add3A_962, %mul3A_979 : vector<16xf32>
        %mul3A_981 = arith.mulf %get3A_976, %get3A_976 : vector<16xf32>
        %add3A_982 = arith.addf %add3A_964, %mul3A_981 : vector<16xf32>
        %get3A_983 = arith.constant 1 : i32
        %get3A_984 = arith.index_cast %get3A_983 : i32 to index
        %get3A_985 = arith.index_cast %scan3A_224 : i32 to index
        %get3A_986 = arith.constant 672 : index
        %get3A_987 = tpu.vector_load %arg5[%get3A_984, %get3A_985, %get3A_986] {strides = array<i32>} : memref<2x32x768xf32, #tpu.memory_space<vmem>>, vector<1x1x16xf32>,
        %get3A_988 = vector.shape_cast %get3A_987 : vector<1x1x16xf32> to vector<16xf32>
        %get3A_989 = arith.constant 1 : i32
        %get3A_990 = arith.index_cast %get3A_989 : i32 to index
        %get3A_991 = arith.index_cast %scan3A_224 : i32 to index
        %get3A_992 = arith.constant 672 : index
        %get3A_993 = tpu.vector_load %arg6[%get3A_990, %get3A_991, %get3A_992] {strides = array<i32>} : memref<2x32x768xf32, #tpu.memory_space<vmem>>, vector<1x1x16xf32>,
        %get3A_994 = vector.shape_cast %get3A_993 : vector<1x1x16xf32> to vector<16xf32>
        %mul3A_995 = arith.mulf %get3A_988, %get3A_994 : vector<16xf32>
        %add3A_996 = arith.addf %add3A_978, %mul3A_995 : vector<16xf32>
        %mul3A_997 = arith.mulf %get3A_988, %get3A_988 : vector<16xf32>
        %add3A_998 = arith.addf %add3A_980, %mul3A_997 : vector<16xf32>
        %mul3A_999 = arith.mulf %get3A_994, %get3A_994 : vector<16xf32>
        %add3A_1000 = arith.addf %add3A_982, %mul3A_999 : vector<16xf32>
        %get3A_1001 = arith.constant 1 : i32
        %get3A_1002 = arith.index_cast %get3A_1001 : i32 to index
        %get3A_1003 = arith.index_cast %scan3A_224 : i32 to index
        %get3A_1004 = arith.constant 688 : index
        %get3A_1005 = tpu.vector_load %arg5[%get3A_1002, %get3A_1003, %get3A_1004] {strides = array<i32>} : memref<2x32x768xf32, #tpu.memory_space<vmem>>, vector<1x1x16xf32>,
        %get3A_1006 = vector.shape_cast %get3A_1005 : vector<1x1x16xf32> to vector<16xf32>
        %get3A_1007 = arith.constant 1 : i32
        %get3A_1008 = arith.index_cast %get3A_1007 : i32 to index
        %get3A_1009 = arith.index_cast %scan3A_224 : i32 to index
        %get3A_1010 = arith.constant 688 : index
        %get3A_1011 = tpu.vector_load %arg6[%get3A_1008, %get3A_1009, %get3A_1010] {strides = array<i32>} : memref<2x32x768xf32, #tpu.memory_space<vmem>>, vector<1x1x16xf32>,
        %get3A_1012 = vector.shape_cast %get3A_1011 : vector<1x1x16xf32> to vector<16xf32>
        %mul3A_1013 = arith.mulf %get3A_1006, %get3A_1012 : vector<16xf32>
        %add3A_1014 = arith.addf %add3A_996, %mul3A_1013 : vector<16xf32>
        %mul3A_1015 = arith.mulf %get3A_1006, %get3A_1006 : vector<16xf32>
        %add3A_1016 = arith.addf %add3A_998, %mul3A_1015 : vector<16xf32>
        %mul3A_1017 = arith.mulf %get3A_1012, %get3A_1012 : vector<16xf32>
        %add3A_1018 = arith.addf %add3A_1000, %mul3A_1017 : vector<16xf32>
        %get3A_1019 = arith.constant 1 : i32
        %get3A_1020 = arith.index_cast %get3A_1019 : i32 to index
        %get3A_1021 = arith.index_cast %scan3A_224 : i32 to index
        %get3A_1022 = arith.constant 704 : index
        %get3A_1023 = tpu.vector_load %arg5[%get3A_1020, %get3A_1021, %get3A_1022] {strides = array<i32>} : memref<2x32x768xf32, #tpu.memory_space<vmem>>, vector<1x1x16xf32>,
        %get3A_1024 = vector.shape_cast %get3A_1023 : vector<1x1x16xf32> to vector<16xf32>
        %get3A_1025 = arith.constant 1 : i32
        %get3A_1026 = arith.index_cast %get3A_1025 : i32 to index
        %get3A_1027 = arith.index_cast %scan3A_224 : i32 to index
        %get3A_1028 = arith.constant 704 : index
        %get3A_1029 = tpu.vector_load %arg6[%get3A_1026, %get3A_1027, %get3A_1028] {strides = array<i32>} : memref<2x32x768xf32, #tpu.memory_space<vmem>>, vector<1x1x16xf32>,
        %get3A_1030 = vector.shape_cast %get3A_1029 : vector<1x1x16xf32> to vector<16xf32>
        %mul3A_1031 = arith.mulf %get3A_1024, %get3A_1030 : vector<16xf32>
        %add3A_1032 = arith.addf %add3A_1014, %mul3A_1031 : vector<16xf32>
        %mul3A_1033 = arith.mulf %get3A_1024, %get3A_1024 : vector<16xf32>
        %add3A_1034 = arith.addf %add3A_1016, %mul3A_1033 : vector<16xf32>
        %mul3A_1035 = arith.mulf %get3A_1030, %get3A_1030 : vector<16xf32>
        %add3A_1036 = arith.addf %add3A_1018, %mul3A_1035 : vector<16xf32>
        %get3A_1037 = arith.constant 1 : i32
        %get3A_1038 = arith.index_cast %get3A_1037 : i32 to index
        %get3A_1039 = arith.index_cast %scan3A_224 : i32 to index
        %get3A_1040 = arith.constant 720 : index
        %get3A_1041 = tpu.vector_load %arg5[%get3A_1038, %get3A_1039, %get3A_1040] {strides = array<i32>} : memref<2x32x768xf32, #tpu.memory_space<vmem>>, vector<1x1x16xf32>,
        %get3A_1042 = vector.shape_cast %get3A_1041 : vector<1x1x16xf32> to vector<16xf32>
        %get3A_1043 = arith.constant 1 : i32
        %get3A_1044 = arith.index_cast %get3A_1043 : i32 to index
        %get3A_1045 = arith.index_cast %scan3A_224 : i32 to index
        %get3A_1046 = arith.constant 720 : index
        %get3A_1047 = tpu.vector_load %arg6[%get3A_1044, %get3A_1045, %get3A_1046] {strides = array<i32>} : memref<2x32x768xf32, #tpu.memory_space<vmem>>, vector<1x1x16xf32>,
        %get3A_1048 = vector.shape_cast %get3A_1047 : vector<1x1x16xf32> to vector<16xf32>
        %mul3A_1049 = arith.mulf %get3A_1042, %get3A_1048 : vector<16xf32>
        %add3A_1050 = arith.addf %add3A_1032, %mul3A_1049 : vector<16xf32>
        %mul3A_1051 = arith.mulf %get3A_1042, %get3A_1042 : vector<16xf32>
        %add3A_1052 = arith.addf %add3A_1034, %mul3A_1051 : vector<16xf32>
        %mul3A_1053 = arith.mulf %get3A_1048, %get3A_1048 : vector<16xf32>
        %add3A_1054 = arith.addf %add3A_1036, %mul3A_1053 : vector<16xf32>
        %get3A_1055 = arith.constant 1 : i32
        %get3A_1056 = arith.index_cast %get3A_1055 : i32 to index
        %get3A_1057 = arith.index_cast %scan3A_224 : i32 to index
        %get3A_1058 = arith.constant 736 : index
        %get3A_1059 = tpu.vector_load %arg5[%get3A_1056, %get3A_1057, %get3A_1058] {strides = array<i32>} : memref<2x32x768xf32, #tpu.memory_space<vmem>>, vector<1x1x16xf32>,
        %get3A_1060 = vector.shape_cast %get3A_1059 : vector<1x1x16xf32> to vector<16xf32>
        %get3A_1061 = arith.constant 1 : i32
        %get3A_1062 = arith.index_cast %get3A_1061 : i32 to index
        %get3A_1063 = arith.index_cast %scan3A_224 : i32 to index
        %get3A_1064 = arith.constant 736 : index
        %get3A_1065 = tpu.vector_load %arg6[%get3A_1062, %get3A_1063, %get3A_1064] {strides = array<i32>} : memref<2x32x768xf32, #tpu.memory_space<vmem>>, vector<1x1x16xf32>,
        %get3A_1066 = vector.shape_cast %get3A_1065 : vector<1x1x16xf32> to vector<16xf32>
        %mul3A_1067 = arith.mulf %get3A_1060, %get3A_1066 : vector<16xf32>
        %add3A_1068 = arith.addf %add3A_1050, %mul3A_1067 : vector<16xf32>
        %mul3A_1069 = arith.mulf %get3A_1060, %get3A_1060 : vector<16xf32>
        %add3A_1070 = arith.addf %add3A_1052, %mul3A_1069 : vector<16xf32>
        %mul3A_1071 = arith.mulf %get3A_1066, %get3A_1066 : vector<16xf32>
        %add3A_1072 = arith.addf %add3A_1054, %mul3A_1071 : vector<16xf32>
        %get3A_1073 = arith.constant 1 : i32
        %get3A_1074 = arith.index_cast %get3A_1073 : i32 to index
        %get3A_1075 = arith.index_cast %scan3A_224 : i32 to index
        %get3A_1076 = arith.constant 752 : index
        %get3A_1077 = tpu.vector_load %arg5[%get3A_1074, %get3A_1075, %get3A_1076] {strides = array<i32>} : memref<2x32x768xf32, #tpu.memory_space<vmem>>, vector<1x1x16xf32>,
        %get3A_1078 = vector.shape_cast %get3A_1077 : vector<1x1x16xf32> to vector<16xf32>
        %get3A_1079 = arith.constant 1 : i32
        %get3A_1080 = arith.index_cast %get3A_1079 : i32 to index
        %get3A_1081 = arith.index_cast %scan3A_224 : i32 to index
        %get3A_1082 = arith.constant 752 : index
        %get3A_1083 = tpu.vector_load %arg6[%get3A_1080, %get3A_1081, %get3A_1082] {strides = array<i32>} : memref<2x32x768xf32, #tpu.memory_space<vmem>>, vector<1x1x16xf32>,
        %get3A_1084 = vector.shape_cast %get3A_1083 : vector<1x1x16xf32> to vector<16xf32>
        %mul3A_1085 = arith.mulf %get3A_1078, %get3A_1084 : vector<16xf32>
        %add3A_1086 = arith.addf %add3A_1068, %mul3A_1085 : vector<16xf32>
        %mul3A_1087 = arith.mulf %get3A_1078, %get3A_1078 : vector<16xf32>
        %add3A_1088 = arith.addf %add3A_1070, %mul3A_1087 : vector<16xf32>
        %mul3A_1089 = arith.mulf %get3A_1084, %get3A_1084 : vector<16xf32>
        %add3A_1090 = arith.addf %add3A_1072, %mul3A_1089 : vector<16xf32>
        scf.yield %add3A_1086, %add3A_1088, %add3A_1090 : vector<16xf32>, vector<16xf32>, vector<16xf32>
      }
      %scan3A_218 = arith.constant 32 : i32
      %lt3A_219 = arith.constant 1 : i32
      %lt3A_220 = arith.cmpi slt, %scan3A_133, %lt3A_219 : i32
      %convert_element_type3A_221 = arith.extui %lt3A_220 : i1 to i32
      %cond3A_222 = arith.constant 0 : i32
      %cond3A_223 = arith.cmpi ne, %convert_element_type3A_221, %cond3A_222 : i32
      scf.if %cond3A_223 {
        %mul3A_224 = arith.constant 2 : i32
        %mul3A_225 = arith.muli %mul3A_224, %scan3A_133 : i32
        %add3A_226 = arith.constant 3 : i32
        %add3A_227 = arith.addi %mul3A_225, %add3A_226 : i32
        %add3A_228 = arith.addi %add3A_34, %add3A_227 : i32
        %dma_start3A_229 = arith.constant 1 : i32
        %dma_start3A_230 = arith.constant 0 : i32
        %dma_start3A_231 = arith.constant 0 : i32
        %dma_start3A_232 = tpu.memref_slice %arg5[%dma_start3A_229, %dma_start3A_230, %dma_start3A_231] : memref<2x32x768xf32, #tpu.memory_space<vmem>> -> memref<1x32x768xf32, #tpu.memory_space<vmem>>
        %dma_start3A_233 = tpu.memref_squeeze %dma_start3A_232 : memref<1x32x768xf32, #tpu.memory_space<vmem>> -> memref<32x768xf32, #tpu.memory_space<vmem>>
        %dma_start3A_234 = arith.constant 0 : i32
        %dma_start3A_235 = arith.constant 0 : i32
        %dma_start3A_236 = tpu.memref_slice %arg2[%select_n3A, %add3A_228, %dma_start3A_234, %dma_start3A_235] : memref<16x32x32x768xf32, #tpu.memory_space<hbm>> -> memref<1x1x32x768xf32, #tpu.memory_space<hbm>>
        %dma_start3A_237 = tpu.memref_squeeze %dma_start3A_236 : memref<1x1x32x768xf32, #tpu.memory_space<hbm>> -> memref<32x768xf32, #tpu.memory_space<hbm>>
        %dma_start3A_238 = arith.constant 0 : i32
        %dma_start3A_239 = arith.constant 0 : i32
        %dma_start3A_240 = tpu.memref_slice %arg5[%dma_start3A_229, %dma_start3A_238, %dma_start3A_239] : memref<2x32x768xf32, #tpu.memory_space<vmem>> -> memref<1x32x768xf32, #tpu.memory_space<vmem>>
        %dma_start3A_241 = tpu.memref_squeeze %dma_start3A_240 : memref<1x32x768xf32, #tpu.memory_space<vmem>> -> memref<32x768xf32, #tpu.memory_space<vmem>>
        %dma_start3A_242 = arith.constant 0 : i32
        %dma_start3A_243 = arith.constant 0 : i32
        %dma_start3A_244 = tpu.memref_slice %arg2[%select_n3A, %add3A_228, %dma_start3A_242, %dma_start3A_243] : memref<16x32x32x768xf32, #tpu.memory_space<hbm>> -> memref<1x1x32x768xf32, #tpu.memory_space<hbm>>
        %dma_start3A_245 = tpu.memref_squeeze %dma_start3A_244 : memref<1x1x32x768xf32, #tpu.memory_space<hbm>> -> memref<32x768xf32, #tpu.memory_space<hbm>>
        tpu.enqueue_dma source(%dma_start3A_245 : memref<32x768xf32, #tpu.memory_space<hbm>>) target(%dma_start3A_241 : memref<32x768xf32, #tpu.memory_space<vmem>>) target_semaphore(%arg9 : memref<!tpu.dma_semaphore, #tpu.memory_space<semaphore_mem>>)
        %add3A_246 = arith.addi %add3A_34, %add3A_227 : i32
        %dma_start3A_247 = arith.constant 1 : i32
        %dma_start3A_248 = arith.constant 0 : i32
        %dma_start3A_249 = arith.constant 0 : i32
        %dma_start3A_250 = tpu.memref_slice %arg6[%dma_start3A_247, %dma_start3A_248, %dma_start3A_249] : memref<2x32x768xf32, #tpu.memory_space<vmem>> -> memref<1x32x768xf32, #tpu.memory_space<vmem>>
        %dma_start3A_251 = tpu.memref_squeeze %dma_start3A_250 : memref<1x32x768xf32, #tpu.memory_space<vmem>> -> memref<32x768xf32, #tpu.memory_space<vmem>>
        %dma_start3A_252 = arith.constant 0 : i32
        %dma_start3A_253 = arith.constant 0 : i32
        %dma_start3A_254 = tpu.memref_slice %arg3[%select_n3A, %add3A_246, %dma_start3A_252, %dma_start3A_253] : memref<16x32x32x768xf32, #tpu.memory_space<hbm>> -> memref<1x1x32x768xf32, #tpu.memory_space<hbm>>
        %dma_start3A_255 = tpu.memref_squeeze %dma_start3A_254 : memref<1x1x32x768xf32, #tpu.memory_space<hbm>> -> memref<32x768xf32, #tpu.memory_space<hbm>>
        %dma_start3A_256 = arith.constant 0 : i32
        %dma_start3A_257 = arith.constant 0 : i32
        %dma_start3A_258 = tpu.memref_slice %arg6[%dma_start3A_247, %dma_start3A_256, %dma_start3A_257] : memref<2x32x768xf32, #tpu.memory_space<vmem>> -> memref<1x32x768xf32, #tpu.memory_space<vmem>>
        %dma_start3A_259 = tpu.memref_squeeze %dma_start3A_258 : memref<1x32x768xf32, #tpu.memory_space<vmem>> -> memref<32x768xf32, #tpu.memory_space<vmem>>
        %dma_start3A_260 = arith.constant 0 : i32
        %dma_start3A_261 = arith.constant 0 : i32
        %dma_start3A_262 = tpu.memref_slice %arg3[%select_n3A, %add3A_246, %dma_start3A_260, %dma_start3A_261] : memref<16x32x32x768xf32, #tpu.memory_space<hbm>> -> memref<1x1x32x768xf32, #tpu.memory_space<hbm>>
        %dma_start3A_263 = tpu.memref_squeeze %dma_start3A_262 : memref<1x1x32x768xf32, #tpu.memory_space<hbm>> -> memref<32x768xf32, #tpu.memory_space<hbm>>
        tpu.enqueue_dma source(%dma_start3A_263 : memref<32x768xf32, #tpu.memory_space<hbm>>) target(%dma_start3A_259 : memref<32x768xf32, #tpu.memory_space<vmem>>) target_semaphore(%arg9 : memref<!tpu.dma_semaphore, #tpu.memory_space<semaphore_mem>>)
      } else {
      }
      scf.yield %scan3A_217#0, %scan3A_217#1, %scan3A_217#2 : vector<16xf32>, vector<16xf32>, vector<16xf32>
    }
    %scan3A_115 = arith.constant 2 : i32
    %swap3A = arith.constant 0 : i32
    %swap3A_116 = arith.index_cast %swap3A : i32 to index
    %swap3A_117 = arith.constant 0 : index
    %swap3A_118 = tpu.vector_load %arg7[%swap3A_116, %swap3A_117] {strides = array<i32>} : memref<3x16xf32, #tpu.memory_space<vmem>>, vector<1x16xf32>,
    %swap3A_119 = vector.shape_cast %swap3A_118 : vector<1x16xf32> to vector<16xf32>
    %swap3A_120 = vector.shape_cast %scan3A_114#0 : vector<16xf32> to vector<1x16xf32>
    tpu.vector_store %arg7[%swap3A_116, %swap3A_117], %swap3A_120 {strides = array<i32>} : memref<3x16xf32, #tpu.memory_space<vmem>>, vector<1x16xf32>,
    %swap3A_121 = arith.constant 1 : i32
    %swap3A_122 = arith.index_cast %swap3A_121 : i32 to index
    %swap3A_123 = arith.constant 0 : index
    %swap3A_124 = tpu.vector_load %arg7[%swap3A_122, %swap3A_123] {strides = array<i32>} : memref<3x16xf32, #tpu.memory_space<vmem>>, vector<1x16xf32>,
    %swap3A_125 = vector.shape_cast %swap3A_124 : vector<1x16xf32> to vector<16xf32>
    %swap3A_126 = vector.shape_cast %scan3A_114#1 : vector<16xf32> to vector<1x16xf32>
    tpu.vector_store %arg7[%swap3A_122, %swap3A_123], %swap3A_126 {strides = array<i32>} : memref<3x16xf32, #tpu.memory_space<vmem>>, vector<1x16xf32>,
    %swap3A_127 = arith.constant 2 : i32
    %swap3A_128 = arith.index_cast %swap3A_127 : i32 to index
    %swap3A_129 = arith.constant 0 : index
    %swap3A_130 = tpu.vector_load %arg7[%swap3A_128, %swap3A_129] {strides = array<i32>} : memref<3x16xf32, #tpu.memory_space<vmem>>, vector<1x16xf32>,
    %swap3A_131 = vector.shape_cast %swap3A_130 : vector<1x16xf32> to vector<16xf32>
    %swap3A_132 = vector.shape_cast %scan3A_114#2 : vector<16xf32> to vector<1x16xf32>
    tpu.vector_store %arg7[%swap3A_128, %swap3A_129], %swap3A_132 {strides = array<i32>} : memref<3x16xf32, #tpu.memory_space<vmem>>, vector<1x16xf32>,
    "tpu.region"() ({
      %run_scoped3A = tpu.sem_alloc : memref<!tpu.dma_semaphore, #tpu.memory_space<semaphore_mem>>
      %dma_start3A_133 = arith.constant 0 : i32
      %dma_start3A_134 = arith.constant 0 : i32
      %dma_start3A_135 = tpu.memref_slice %arg4[%add3A, %dma_start3A_133, %dma_start3A_134] : memref<32x3x16xf32, #tpu.memory_space<hbm>> -> memref<1x3x16xf32, #tpu.memory_space<hbm>>
      %dma_start3A_136 = tpu.memref_squeeze %dma_start3A_135 : memref<1x3x16xf32, #tpu.memory_space<hbm>> -> memref<3x16xf32, #tpu.memory_space<hbm>>
      %dma_start3A_137 = arith.constant 0 : i32
      %dma_start3A_138 = arith.constant 0 : i32
      %dma_start3A_139 = tpu.memref_slice %arg4[%add3A, %dma_start3A_137, %dma_start3A_138] : memref<32x3x16xf32, #tpu.memory_space<hbm>> -> memref<1x3x16xf32, #tpu.memory_space<hbm>>
      %dma_start3A_140 = tpu.memref_squeeze %dma_start3A_139 : memref<1x3x16xf32, #tpu.memory_space<hbm>> -> memref<3x16xf32, #tpu.memory_space<hbm>>
      tpu.enqueue_dma source(%arg7 : memref<3x16xf32, #tpu.memory_space<vmem>>) target(%dma_start3A_140 : memref<3x16xf32, #tpu.memory_space<hbm>>) target_semaphore(%run_scoped3A : memref<!tpu.dma_semaphore, #tpu.memory_space<semaphore_mem>>)
      %dma_wait3A = arith.constant 0 : i32
      %dma_wait3A_141 = arith.constant 0 : i32
      %dma_wait3A_142 = tpu.memref_slice %arg4[%add3A, %dma_wait3A, %dma_wait3A_141] : memref<32x3x16xf32, #tpu.memory_space<hbm>> -> memref<1x3x16xf32, #tpu.memory_space<hbm>>
      %dma_wait3A_143 = tpu.memref_squeeze %dma_wait3A_142 : memref<1x3x16xf32, #tpu.memory_space<hbm>> -> memref<3x16xf32, #tpu.memory_space<hbm>>
      %dma_wait3A_144 = arith.constant 0 : i32
      %dma_wait3A_145 = arith.constant 0 : i32
      %dma_wait3A_146 = tpu.memref_slice %arg4[%add3A, %dma_wait3A_144, %dma_wait3A_145] : memref<32x3x16xf32, #tpu.memory_space<hbm>> -> memref<1x3x16xf32, #tpu.memory_space<hbm>>
      %dma_wait3A_147 = tpu.memref_squeeze %dma_wait3A_146 : memref<1x3x16xf32, #tpu.memory_space<hbm>> -> memref<3x16xf32, #tpu.memory_space<hbm>>
      tpu.wait_dma2 semaphore(%run_scoped3A : memref<!tpu.dma_semaphore, #tpu.memory_space<semaphore_mem>>) src(%arg7 : memref<3x16xf32, #tpu.memory_space<vmem>>) dst(%dma_wait3A_147 : memref<3x16xf32, #tpu.memory_space<hbm>>)
      tpu.yield
    }) : () -> ()
    return
  }
}

module attributes {stable_mosaic.version = 14 : i64} {
  func.func @_tc_loss(%arg0: i32, %arg1: memref<1x24x32x768xf32, #tpu.memory_space<vmem>>, %arg2: memref<1x24x32x768xf32, #tpu.memory_space<vmem>>, %arg3: memref<1x1x3xf32, #tpu.memory_space<smem>>) attributes {dimension_semantics = [#tpu.dimension_semantics<arbitrary>], iteration_bounds = array<i64: 16>, scalar_prefetch = 0 : i64, scratch_operands = 0 : i64, tpu.core_type = #tpu.core_type<tc>, window_params = [{transform_indices = @transform_0, window_bounds = array<i64: 1, 24, 32, 768>}, {transform_indices = @transform_1, window_bounds = array<i64: 1, 24, 32, 768>}, {transform_indices = @transform_2, window_bounds = array<i64: 1, 1, 3>}]} {
    %get3A = arith.constant 0 : index
    %get3A_0 = arith.constant 0 : index
    %get3A_1 = arith.constant 0 : index
    %get3A_2 = arith.constant 0 : index
    %get3A_3 = vector.load %arg1[%get3A, %get3A_0, %get3A_1, %get3A_2] : memref<1x24x32x768xf32, #tpu.memory_space<vmem>>, vector<1x24x32x768xf32>
    %get3A_4 = vector.shape_cast %get3A_3 : vector<1x24x32x768xf32> to vector<24x32x768xf32>
    %get3A_5 = arith.constant 0 : index
    %get3A_6 = arith.constant 0 : index
    %get3A_7 = arith.constant 0 : index
    %get3A_8 = arith.constant 0 : index
    %get3A_9 = vector.load %arg2[%get3A_5, %get3A_6, %get3A_7, %get3A_8] : memref<1x24x32x768xf32, #tpu.memory_space<vmem>>, vector<1x24x32x768xf32>
    %get3A_10 = vector.shape_cast %get3A_9 : vector<1x24x32x768xf32> to vector<24x32x768xf32>
    %mul3A = arith.mulf %get3A_4, %get3A_10 : vector<24x32x768xf32>
    %reduce_sum3A = vector.shape_cast %mul3A : vector<24x32x768xf32> to vector<1x24x32x768xf32>
    %reduce_sum3A_11 = arith.constant dense<0.000000e+00> : vector<1xf32>
    %reduce_sum3A_12 = vector.multi_reduction <add>, %reduce_sum3A, %reduce_sum3A_11 [1, 2, 3] : vector<1x24x32x768xf32> to vector<1xf32>
    %reduce_sum3A_13 = vector.shape_cast %reduce_sum3A_12 : vector<1xf32> to vector<1x1x1x1xf32>
    %reduce_sum3A_14 = vector.extract %reduce_sum3A_13[0, 0, 0, 0] : f32 from vector<1x1x1x1xf32>
    %swap3A = arith.constant 0 : index
    %swap3A_15 = arith.constant 0 : index
    %swap3A_16 = arith.constant 0 : index
    %swap3A_17 = memref.load %arg3[%swap3A, %swap3A_15, %swap3A_16] : memref<1x1x3xf32, #tpu.memory_space<smem>>
    memref.store %reduce_sum3A_14, %arg3[%swap3A, %swap3A_15, %swap3A_16] : memref<1x1x3xf32, #tpu.memory_space<smem>>
    %mul3A_18 = arith.mulf %get3A_4, %get3A_4 : vector<24x32x768xf32>
    %reduce_sum3A_19 = vector.shape_cast %mul3A_18 : vector<24x32x768xf32> to vector<1x24x32x768xf32>
    %reduce_sum3A_20 = arith.constant dense<0.000000e+00> : vector<1xf32>
    %reduce_sum3A_21 = vector.multi_reduction <add>, %reduce_sum3A_19, %reduce_sum3A_20 [1, 2, 3] : vector<1x24x32x768xf32> to vector<1xf32>
    %reduce_sum3A_22 = vector.shape_cast %reduce_sum3A_21 : vector<1xf32> to vector<1x1x1x1xf32>
    %reduce_sum3A_23 = vector.extract %reduce_sum3A_22[0, 0, 0, 0] : f32 from vector<1x1x1x1xf32>
    %swap3A_24 = arith.constant 0 : index
    %swap3A_25 = arith.constant 0 : index
    %swap3A_26 = arith.constant 1 : index
    %swap3A_27 = memref.load %arg3[%swap3A_24, %swap3A_25, %swap3A_26] : memref<1x1x3xf32, #tpu.memory_space<smem>>
    memref.store %reduce_sum3A_23, %arg3[%swap3A_24, %swap3A_25, %swap3A_26] : memref<1x1x3xf32, #tpu.memory_space<smem>>
    %mul3A_28 = arith.mulf %get3A_10, %get3A_10 : vector<24x32x768xf32>
    %reduce_sum3A_29 = vector.shape_cast %mul3A_28 : vector<24x32x768xf32> to vector<1x24x32x768xf32>
    %reduce_sum3A_30 = arith.constant dense<0.000000e+00> : vector<1xf32>
    %reduce_sum3A_31 = vector.multi_reduction <add>, %reduce_sum3A_29, %reduce_sum3A_30 [1, 2, 3] : vector<1x24x32x768xf32> to vector<1xf32>
    %reduce_sum3A_32 = vector.shape_cast %reduce_sum3A_31 : vector<1xf32> to vector<1x1x1x1xf32>
    %reduce_sum3A_33 = vector.extract %reduce_sum3A_32[0, 0, 0, 0] : f32 from vector<1x1x1x1xf32>
    %swap3A_34 = arith.constant 0 : index
    %swap3A_35 = arith.constant 0 : index
    %swap3A_36 = arith.constant 2 : index
    %swap3A_37 = memref.load %arg3[%swap3A_34, %swap3A_35, %swap3A_36] : memref<1x1x3xf32, #tpu.memory_space<smem>>
    memref.store %reduce_sum3A_33, %arg3[%swap3A_34, %swap3A_35, %swap3A_36] : memref<1x1x3xf32, #tpu.memory_space<smem>>
    return
  }
  func.func @transform_0(%arg0: i32) -> (i32, i32, i32, i32) {
    %c0_i32 = arith.constant 0 : i32
    %c0_i32_0 = arith.constant 0 : i32
    %c0_i32_1 = arith.constant 0 : i32
    %c0_i32_2 = arith.constant 0 : i32
    return %arg0, %c0_i32, %c0_i32_0, %c0_i32_1 : i32, i32, i32, i32
  }
  func.func @transform_1(%arg0: i32) -> (i32, i32, i32, i32) {
    %c0_i32 = arith.constant 0 : i32
    %c0_i32_0 = arith.constant 0 : i32
    %c0_i32_1 = arith.constant 0 : i32
    %c0_i32_2 = arith.constant 0 : i32
    return %arg0, %c0_i32, %c0_i32_0, %c0_i32_1 : i32, i32, i32, i32
  }
  func.func @transform_2(%arg0: i32) -> (i32, i32, i32) {
    %c0_i32 = arith.constant 0 : i32
    %c0_i32_0 = arith.constant 0 : i32
    %c0_i32_1 = arith.constant 0 : i32
    return %arg0, %c0_i32, %c0_i32_0 : i32, i32, i32
  }
}

</mosaic_0001>

<sc_bundles>
// kernel: kernel.4.cloned.1.call-start
scs
__scs_entry_jumppad:
0x0: {  	(pc) =	sbr.rel $0x88, $3  }
0x1: {  	(tag) =	ssettag $0x0;
	lr =	simm.s32 $0x1  }
0x2: {  	[smem:$0x3F9F] =	sst lr;
	_ =	strace $0xD0000000  }
0x3: {  	_ = 	snop  }
0x4: {  	_ = 	snop  }
0x5: {  	_ = 	snop  }
0x6: {  	_ = 	snop  }
0x7: {  	_ = 	snop  }
__scs_overlays_trampoline_lowered:
0x8: {  	[smem:$0x3FAE] =	sst s0  }
0x9: {  	[smem:$0x3FAF] =	sst s1  }
0xa: {  	[smem:$0x3FB0] =	sst s2  }
0xb: {  	[smem:$0x3FB1] =	sst s3  }
0xc: {  	[smem:$0x3FB2] =	sst s4  }
0xd: {  	[smem:$0x3FB3] =	sst s5  }
0xe: {  	[smem:$0x3FB4] =	sst s6  }
0xf: {  	[smem:$0x3FB5] =	sst s7  }
0x10: {  	[smem:$0x3FB6] =	sst s8  }
0x11: {  	[smem:$0x3FB7] =	sst s9;
	s0 =	simm.s32 @!p0 $0x0  }
0x12: {  	s1 =	sld [smem:$0x3F9D];
	s0 =	simm.s32 @p0 $0x1  }
0x13: {  	[smem:$0x3FB8] =	sst s0;
	s0 =	simm.s32 @!p1 $0x0  }
0x14: {  	s2 =	sld [smem:$0x3F9C];
	s0 =	simm.s32 @p1 $0x1  }
0x15: {  	[smem:$0x3FB9] =	sst s0;
	s0 =	simm.s32 @!p2 $0x0  }
0x16: {  	s3 =	sld [smem:$0x3FDB];
	s0 =	simm.s32 @p2 $0x1  }
0x17: {  	s4 =	simm.s32 $0x1BF5;
	[smem:$0x3FBB] =	sst s0  }
0x18: {  	s0 =	sld [smem:$0x3F9E];
	_ =	swait.ge [sflag:s4], $0x0  }
0x19: {  	s7 =	sld [smem:$0x3F9F]  }
0x1a: {  	s8 =	sadd.s32 $0xFFFFE003, lr  }
0x1b: {  	s9 =	sadd.s32 $0xFFFFFEF7, lr;
	s5 =	simm.s32 $0xFFFFFFFF;
	p2 =	slt.u32 s8, $0xFFFFF086  }
0x1c: {  	p1 =	slt.u32 s9, $0xF7A;
	s5 =	simm.s32 @!p2 $0x0  }
0x1d: {  	s5 =	simm.s32 @p1 $0x1;
	p0 =	seq.s32 s7, s2  }
0x1e: {  	s7 =	smul.u32 @!p0 $0xF7A, s2;
	p2 =	seq.s32 @!p0 s5, $0x0  }
0x1f: {  	s9 =	smul.u32 $0xF7A, s1;
	s8 =	simm.s32 @!p0 $0x1BF5;
	p2 =	por !p2, p0  }
0x20: {  	[sflag:s8] =	ssyncset.s32 @!p0 $0xFFFFF086;
	s6 =	sadd.s32 @!p0 s3, s7;
	s7 =	simm.s32 @!p0 $0x108  }
0x21: {  	s3 =	sadd.s32 s3, s9;
	s6 =	sadd.s32 @!p0 $0x88, s6;
	s7 =	simm.s32 @p2 $0x1082  }
0x22: {  	[simem:s7], [sflag:s8] =	dma.local @!p0 [hbm:s6], $0xF7A  }
0x23: {  	s9 =	sor.u32 $0xD0000000, s2;
	s6 =	simm.s32 $0x108;
	_ =	swait.ge @!p0 [sflag:s8], $0x0  }
0x24: {  	s3 =	sadd.s32 $0x88, s3;
	s6 =	simm.s32 @!p1 $0x1082;
	[sflag:s4] =	ssyncset.s32 $0xFFFFF086  }
0x25: {  	[simem:s6], [sflag:s4] =	dma.local [hbm:s3], $0xF7A  }
0x26: {  	[smem:$0x3F9F] =	sst s1;
	(tag) =	ssettag s2;
	_ =	strace s9  }
0x27: {  	s1 =	sld [smem:$0x3FAF]  }
0x28: {  	s2 =	sld [smem:$0x3FB0]  }
0x29: {  	s4 =	sld [smem:$0x3FB2]  }
0x2a: {  	p0 =	seq.s32 s5, $0x0;
	s5 =	sld [smem:$0x3FB3]  }
0x2b: {  	s6 =	sld [smem:$0x3FB4]  }
0x2c: {  	s7 =	sld [smem:$0x3FB5]  }
0x2d: {  	s3 =	simm.s32 $0x108;
	s8 =	sld [smem:$0x3FB6]  }
0x2e: {  	s3 =	simm.s32 @!p0 $0x1082;
	s9 =	sld [smem:$0x3FB7]  }
0x2f: {  	lr =	sadd.s32 s0, s3;
	s0 =	sld [smem:$0x3FAE]  }
0x30: {  	s3 =	sld [smem:$0x3FB1]  }
0x31: {  	[smem:$0x3FBA] =	sst s10  }
0x32: {  	s10 =	sld [smem:$0x3FB8];
	_ =	sdelay $0x3  }
0x33: {  	p0 =	seq.s32 s10, $0x1;
	s10 =	sld [smem:$0x3FBA];
	_ =	sdelay $0x3  }
0x34: {  	[smem:$0x3FBA] =	sst s10  }
0x35: {  	s10 =	sld [smem:$0x3FB9];
	_ =	sdelay $0x3  }
0x36: {  	p1 =	seq.s32 s10, $0x1;
	s10 =	sld [smem:$0x3FBA];
	_ =	sdelay $0x3  }
0x37: {  	[smem:$0x3FBA] =	sst s10  }
0x38: {  	s10 =	sld [smem:$0x3FBB]  }
0x39: {  	_ = 	snop;
	(pc) =	sbr.ind lr, $3  }
0x3a: {  	_ = 	snop  }
0x3b: {  	_ = 	snop  }
0x3c: {  	p2 =	seq.s32 s10, $0x1;
	s10 =	sld [smem:$0x3FBA]  }
0x3d: {  	_ =	shalt  }
0x3e: {  	_ =	shalt  }
0x3f: {  	_ =	shalt  }
0x40: {  	_ =	shalt  }
0x41: {  	_ =	shalt  }
0x42: {  	_ =	shalt  }
0x43: {  	_ =	shalt  }
0x44: {  	_ =	shalt  }
0x45: {  	_ =	shalt  }
0x46: {  	_ =	shalt  }
0x47: {  	_ =	shalt  }
0x48: {  	_ =	shalt  }
0x49: {  	_ =	shalt  }
0x4a: {  	_ =	shalt  }
0x4b: {  	_ =	shalt  }
0x4c: {  	_ =	shalt  }
0x4d: {  	_ =	shalt  }
0x4e: {  	_ =	shalt  }
0x4f: {  	_ =	shalt  }
0x50: {  	_ =	shalt  }
0x51: {  	_ =	shalt  }
0x52: {  	_ =	shalt  }
0x53: {  	_ =	shalt  }
0x54: {  	_ =	shalt  }
0x55: {  	_ =	shalt  }
0x56: {  	_ =	shalt  }
0x57: {  	_ =	shalt  }
0x58: {  	_ =	shalt  }
0x59: {  	_ =	shalt  }
0x5a: {  	_ =	shalt  }
0x5b: {  	_ =	shalt  }
0x5c: {  	_ =	shalt  }
0x5d: {  	_ =	shalt  }
0x5e: {  	_ =	shalt  }
0x5f: {  	_ =	shalt  }
0x60: {  	_ =	shalt  }
0x61: {  	_ =	shalt  }
0x62: {  	_ =	shalt  }
0x63: {  	_ =	shalt  }
0x64: {  	_ =	shalt  }
0x65: {  	_ =	shalt  }
0x66: {  	_ =	shalt  }
0x67: {  	_ =	shalt  }
0x68: {  	_ =	shalt  }
0x69: {  	_ =	shalt  }
0x6a: {  	_ =	shalt  }
0x6b: {  	_ =	shalt  }
0x6c: {  	_ =	shalt  }
0x6d: {  	_ =	shalt  }
0x6e: {  	_ =	shalt  }
0x6f: {  	_ =	shalt  }
0x70: {  	_ =	shalt  }
0x71: {  	_ =	shalt  }
0x72: {  	_ =	shalt  }
0x73: {  	_ =	shalt  }
0x74: {  	_ =	shalt  }
0x75: {  	_ =	shalt  }
0x76: {  	_ =	shalt  }
0x77: {  	_ =	shalt  }
0x78: {  	_ =	shalt  }
0x79: {  	_ =	shalt  }
0x7a: {  	_ =	shalt  }
0x7b: {  	_ =	shalt  }
0x7c: {  	_ =	shalt  }
0x7d: {  	_ =	shalt  }
0x7e: {  	_ =	shalt  }
0x7f: {  	_ =	shalt  }
0x80: {  	_ =	shalt  }
0x81: {  	_ =	shalt  }
0x82: {  	_ =	shalt  }
0x83: {  	_ =	shalt  }
0x84: {  	_ =	shalt  }
0x85: {  	_ =	shalt  }
0x86: {  	_ =	shalt  }
0x87: {  	_ =	shalt  }
.Lfunc_end0:
.L_simem_size_0:
called_computation_lowered:
.L_overlay_start_0:
0x88: {  	s2 =	sld [smem:$0x3FD9]  }
0x89: {  	s3 =	sld [smem:$0x3FFE];
	_ =	sdelay $0x1  }
0x8a: {  	s1 =	srdreg.scid  }
0x8b: {  	s0 =	sand.u32 $0x1, s1  }
0x8c: {  	s17 =	sshll.u32 s0, $0xA;
	s2 =	sadd.s32 s3, s2  }
0x8d: {  	s2 =	sadd.s32 s2, s17  }
0x8e: {  	[smem:$0x3FC6] =	sst s2  }
0x8f: {  	_ = 	snop  }
0x90: {  	s2 =	sld [smem:$0x3FC9]  }
0x91: {  	s18 =	sld [smem:$0x3FC8];
	(tm) =	ssettm $0x1  }
0x92: {  	s4 =	sld [smem:$0x3FFB];
	_ =	sdelay $0x3  }
0x93: {  	_ =	strace s4  }
0x94: {  	s4 =	sld [smem:$0x3FFC];
	_ =	sdelay $0x3  }
0x95: {  	_ =	strace s4  }
0x96: {  	s4 =	sld [smem:$0x3FFD];
	_ =	sdelay $0x3  }
0x97: {  	_ =	strace s4  }
0x98: {  	_ =	strace $0x8FFFFFFF  }
0x99: {  	s19 =	sld [smem:$0x3FDB];
	_ =	sdelay $0x1  }
0x9a: {  	s5 =	simm.s32 $_scs_section_size  }
0x9b: {  	s6 =	simm.s32 $_size__tile_overlayer_lowered;
	s7 =	simm.s32 $_tile_overlayer_lowered  }
0x9c: {  	s22 =	simm.s32 $0x1BFF;
	s21 =	sshll.u32 s7, $0x1;
	s4 =	sadd.s32 s5, s19  }
0x9d: {  	s8 =	simm.s32 $0x0;
	s20 =	sshll.u32 s6, $0x1;
	s6 =	sadd.s32 s21, s4  }
0x9e: {  	[timem:s8], [sflag:s22] =	dma.local [hbm:s6], s20  }
0x9f: {  	_ =	swait.ge [sflag:s22], s20  }
0xa0: {  	s5 =	ssub.s32 $0x0, s20;
	[sflag:s22] =	ssyncset.done $0x0  }
0xa1: {  	[sflag:s22] =	ssyncadd.s32 s5;
	_ =	sdelay $0x1  }
0xa2: {  	s23 =	simm.s32 $0x1B8B  }
0xa3: {  	_ =	swait.ge [sflag:s23], $0x1  }
0xa4: {  	[sflag:s23] =	ssyncset.done $0x0  }
0xa5: {  	s25 =	simm.s32 $0x1B8E;
	s24 =	sld [smem:$0x3FFE];
	[sflag:s23] =	ssyncadd.s32 $0xFFFFFFFF  }
0xa6: {  	s26 =	simm.s32 $execute0_lowered;
	[smem:$0x3FD2] =	sst s25  }
0xa7: {  	s6 =	sshll.u32 s26, $0x1;
	_ =	strace $0x80000046;
	[dreg:$0x1] =	wrdreg $0xFFFFFFFF  }
0xa8: {  	s28 =	simm.s32 $_size_execute0_lowered;
	s4 =	sadd.s32 s4, s6;
	[dreg:$0x0] =	wrdreg $0x0  }
0xa9: {  	s6 =	sshll.u32 s28, $0x1;
	[dreg:$0x2] =	wrdreg s4  }
0xaa: {  	[dreg:$0x3] =	wrdreg s6  }
0xab: {  	[dreg:$0x4] =	wrdreg $0xC0  }
0xac: {  	_ =	task [dreg:s8], $0x5FFFF  }
0xad: {  	[dreg:$0x1] =	wrdreg $0xFFFFFFFF  }
0xae: {  	[dreg:$0x0] =	wrdreg $0x60  }
0xaf: {  	[dreg:$0x2] =	wrdreg s2  }
0xb0: {  	[dreg:$0x3] =	wrdreg s18  }
0xb1: {  	[dreg:$0x4] =	wrdreg s24  }
0xb2: {  	[dreg:$0x5] =	wrdreg $0x9  }
0xb3: {  	_ =	task.clear_ibuf [dreg:s8], $0x6FFFF;
	_ =	strace $0x90000046  }
0xb4: {  	s29 =	simm.s32 $0x9;
	_ =	strace $0x80000048  }
0xb5: {  	_ =	swait.ge [sflag:s29], $0x1  }
0xb6: {  	[sflag:s29] =	ssyncadd.s32 $0xFFFFFFFF  }
0xb7: {  	_ =	strace $0x90000048  }
0xb8: {  	_ =	sfence  }
0xb9: {  	s30 =	sld [smem:$0x0];
	_ =	sdelay $0x2  }
0xba: {  	s31 =	sshll.u32 s1, $0xD;
	s1 =	sshrl.u32 s1, $0x2  }
0xbb: {  	s3 =	sand.u32 $0x4000, s31;
	s1 =	sadd.s32 s1, s30  }
0xbc: {  	s0 =	sor.u32 s3, s0;
	s1 =	sshll.u32 s1, $0x11  }
0xbd: {  	s0 =	sor.u32 s1, s0  }
0xbe: {  	s0 =	sadd.s32 $0x8F2B, s0  }
0xbf: {  	[sflag:s0] =	ssyncadd.remote.s32 $0x1  }
0xc0: {  	_ =	sfence.sel $0xFFFF  }
0xc1: {  	[dreg:$0x0] =	wrdreg $0xFFFFFFFF;
	(pc) =	sbr.abs _section_cstart, $3  }
0xc2: {  	[dreg:$0x1] =	wrdreg $0xFFFFFFFF  }
0xc3: {  	_ =	task.clear_ibuf [dreg:s8], $0x2FFFF;
	_ =	strace $0x9FFFFFFF  }
0xc4: {  	(tm) =	ssettm $0x7FFFFFFF  }
0xc5: {  	_ =	shalt  }
tec
execute0_lowered:
.L_overlay_start_1:
0x0: {  	(tag) =	ssettag $0x1  }
0x1: {  	s10 =	rddreg [dreg:$0x0]  }
0x2: {  	s1 =	srdreg.scid;
	s11 =	rddreg [dreg:$0x1]  }
0x3: {  	s0 =	stileid.u32;
	s13 =	rddreg [dreg:$0x2]  }
0x4: {  	s2 =	simm.s32 $0x0;
	s3 =	sand.u32 $0x1, s1;
	s30 =	sshll.u32 s0, $0x1  }
0x5: {  	s16 =	simm.s32 $0x12000;
	s17 =	simm.s32 $0x2;
	s12 =	sor.u32 s3, s30  }
0x6: {  	s18 =	simm.s32 $0x18000;
	p1 =	seq.s32 s3, $0x1;
	p0 =	seq.s32 s12, $0x0  }
0x7: {  	s19 =	simm.s32 $0x3;
	s20 =	simm.s32 $0x0;
	p0 =	por !p0, !p1  }
0x8: {  	s1 =	simm.s32 $0x1;
	[smem:$0x7FF] =	sst s2;
	p0 =	por !p0, !p0  }
0x9: {  	s5 =	smul.u32 $0x18000, s3;
	s3 =	ssub.s32 $0x2, s3;
	s1 =	simm.s32 @!p0 $0x0  }
0xa: {  	s31 =	sshrl.u32 s3, $0x1;
	s12 =	sshll.u32 s12, $0x6;
	s1 =	ssub.s32 s0, s1  }
0xb: {  	s14 =	ssub.s32 s3, s31;
	s3 =	simm.s32 $0x1;
	s4 =	smul.u32 $0xC0000, s1  }
0xc: {  	s12 =	sadd.s32 s13, s12;
	s13 =	smax.u32 s14, $0x1;
	s14 =	simm.s32 $0xC000  }
0xd: {  	s1 =	rddreg [dreg:$0x3];
	_ =	strace $0x80000047;
	s8 =	sor.u32 s5, s4  }
0xe: {  	s5 =	sadd.s32 $0x90000, s8;
	s6 =	sadd.s32 $0x96000, s8;
	s9 =	sadd.s32 $0x9C000, s8  }
.Ltmp0:
0xf: {  	s15 =	sadd.s32 $0xA2000, s8;
	s5 =	sshrl.u32 s5, $0x3;
	(pc) =	sbr.rel .LBB2_1-.Ltmp0, $4  }
0x10: {  	s7 =	sshrl.u32 s6, $0x3;
	s9 =	sshrl.u32 s9, $0x3;
	s15 =	sshrl.u32 s15, $0x3  }
0x11: {  	s4 =	sadd.s32 s10, s5;
	s5 =	sadd.s32 s11, s5;
	s6 =	sadd.s32 s10, s7  }
0x12: {  	s7 =	sadd.s32 s11, s7;
	s8 =	sadd.s32 s10, s9;
	s9 =	sadd.s32 s11, s9  }
0x13: {  	s10 =	sadd.s32 s10, s15;
	s11 =	sadd.s32 s11, s15;
	s15 =	simm.s32 $0x6000  }
.LBB2_8:
0x14: {  	[tilespmem:$0x18000] =	vst v2;
	s20 =	sadd.s32 $0x1, s20  }
0x15: {  	[tilespmem:$0x18080] =	vst v1;
	p0 =	sne.s32 s20, s13  }
.Ltmp1:
0x16: {  	[tilespmem:$0x18100] =	vst v0;
	(pc) =	sbr.rel @!p0 .LBB2_9-.Ltmp1, $4  }
0x17: {  	[hbm4b:s12+s2] =	stream.linear.scatter [tilespmem:s18], [sflag:$0x3], $0x180, $0x38;
	[tilespmem:$0x18200] =	vst v63  }
0x18: {  	_ =	swait.ge [sflag:s19], $0x180  }
0x19: {  	[sflag:s19] =	ssyncset.done $0x0  }
0x1a: {  	[sflag:s19] =	ssyncadd.s32 $0xFFFFFE80  }
.LBB2_1:
0x1b: {  	[tilespmem:s2], [sflag:$0x1] =	stream.linear.gather [hbm4b:s4+s2], $0x6000, $0x38;
	[tilespmem:$0x18200] =	vst v63  }
0x1c: {  	_ = 	snop  }
0x1d: {  	[tilespmem:s14], [sflag:$0x1] =	stream.linear.gather [hbm4b:s5+s2], $0x6000, $0x38;
	[tilespmem:$0x18200] =	vst v63  }
0x1e: {  	p0 =	por $0x0, $0x0;
	s21 =	smov.u32 s7  }
0x1f: {  	v0 =	vimm.f32 $0.0e+00;
	v1 =	vimm.f32 $0.0e+00;
	v2 =	vimm.f32 $0.0e+00;
	[tilespmem:s15], [sflag:$0x2] =	stream.linear.gather [hbm4b:s6+s2], $0x6000, $0x38;
	[tilespmem:$0x18200] =	vst v63  }
.LBB2_2:
0x20: {  	s22 =	simm.s32 $0x0  }
0x21: {  	[tilespmem:s16], [sflag:$0x2] =	stream.linear.gather [hbm4b:s21+s22], $0x6000, $0x38;
	[tilespmem:$0x18200] =	vst v63  }
0x22: {  	_ =	swait.ge [sflag:s3], $0x6000  }
0x23: {  	[sflag:s3] =	ssyncset.done $0x0  }
0x24: {  	s31 =	simm.s32 $0x0;
	[sflag:s3] =	ssyncadd.s32 $0xFFFFA000  }
0x25: {  	s21 =	smul.u32 $0x1800, s31;
	_ =	swait.ge [sflag:s3], $0x6000  }
0x26: {  	s22 =	sand.u32 $0x380, s22;
	[sflag:s3] =	ssyncset.done $0x0  }
0x27: {  	s21 =	sor.u32 s22, s21;
	[sflag:s3] =	ssyncadd.s32 $0xFFFFA000  }
0x28: {  	v3 =	vld [tilespmem:s21+$0x0]  }
0x29: {  	v4 =	vld [tilespmem:s21+$0xC000]  }
0x2a: {  	v5 =	vld [tilespmem:s21+$0x10]  }
0x2b: {  	v6 =	vld [tilespmem:s21+$0xC010]  }
0x2c: {  	v7 =	vld [tilespmem:s21+$0x20]  }
0x2d: {  	v8 =	vld [tilespmem:s21+$0xC020]  }
0x2e: {  	v10 =	vld [tilespmem:s21+$0x30];
	v9 =	vmul.f32 v4, v3  }
0x2f: {  	v11 =	vld [tilespmem:s21+$0xC030];
	v3 =	vmul.f32 v3, v3;
	v4 =	vmul.f32 v4, v4  }
0x30: {  	v12 =	vld [tilespmem:s21+$0x40];
	v2 =	vadd.f32 v9, v2;
	v9 =	vmul.f32 v6, v5;
	v5 =	vmul.f32 v5, v5  }
0x31: {  	v1 =	vadd.f32 v3, v1;
	v0 =	vadd.f32 v4, v0;
	v3 =	vmul.f32 v6, v6;
	v4 =	vld [tilespmem:s21+$0xC040]  }
0x32: {  	v6 =	vmul.f32 v8, v7;
	v7 =	vmul.f32 v7, v7;
	v2 =	vadd.f32 v9, v2;
	v9 =	vld [tilespmem:s21+$0x50]  }
0x33: {  	v1 =	vadd.f32 v5, v1;
	v0 =	vadd.f32 v3, v0;
	v3 =	vmul.f32 v8, v8;
	v5 =	vld [tilespmem:s21+$0xC050]  }
0x34: {  	v8 =	vmul.f32 v10, v10;
	v2 =	vadd.f32 v6, v2;
	v6 =	vmul.f32 v11, v10;
	v10 =	vld [tilespmem:s21+$0x60]  }
0x35: {  	v1 =	vadd.f32 v7, v1;
	v0 =	vadd.f32 v3, v0;
	v3 =	vmul.f32 v11, v11;
	v7 =	vld [tilespmem:s21+$0xC060]  }
0x36: {  	v11 =	vmul.f32 v12, v12;
	v2 =	vadd.f32 v6, v2;
	v6 =	vmul.f32 v4, v12;
	v12 =	vld [tilespmem:s21+$0x70]  }
0x37: {  	v1 =	vadd.f32 v8, v1;
	v0 =	vadd.f32 v3, v0;
	v3 =	vmul.f32 v4, v4;
	v4 =	vld [tilespmem:s21+$0xC070]  }
0x38: {  	v8 =	vmul.f32 v9, v9;
	v2 =	vadd.f32 v6, v2;
	v6 =	vmul.f32 v5, v9;
	v9 =	vld [tilespmem:s21+$0x400]  }
0x39: {  	v1 =	vadd.f32 v11, v1;
	v0 =	vadd.f32 v3, v0;
	v3 =	vmul.f32 v5, v5;
	v5 =	vld [tilespmem:s21+$0xC400]  }
0x3a: {  	v11 =	vld [tilespmem:s21+$0x410];
	v2 =	vadd.f32 v6, v2;
	v6 =	vmul.f32 v7, v10;
	v10 =	vmul.f32 v10, v10  }
0x3b: {  	v1 =	vadd.f32 v8, v1;
	v0 =	vadd.f32 v3, v0;
	v3 =	vmul.f32 v7, v7;
	v7 =	vld [tilespmem:s21+$0xC410]  }
0x3c: {  	v8 =	vmul.f32 v12, v12;
	v2 =	vadd.f32 v6, v2;
	v6 =	vmul.f32 v4, v12;
	v12 =	vld [tilespmem:s21+$0x420]  }
0x3d: {  	v1 =	vadd.f32 v10, v1;
	v0 =	vadd.f32 v3, v0;
	v3 =	vmul.f32 v4, v4;
	v4 =	vld [tilespmem:s21+$0xC420]  }
0x3e: {  	v10 =	vld [tilespmem:s21+$0x430];
	v2 =	vadd.f32 v6, v2;
	v6 =	vmul.f32 v5, v9;
	v9 =	vmul.f32 v9, v9  }
0x3f: {  	v1 =	vadd.f32 v8, v1;
	v0 =	vadd.f32 v3, v0;
	v3 =	vmul.f32 v5, v5;
	v5 =	vld [tilespmem:s21+$0xC430]  }
0x40: {  	v8 =	vmul.f32 v11, v11;
	v2 =	vadd.f32 v6, v2;
	v6 =	vmul.f32 v7, v11;
	v11 =	vld [tilespmem:s21+$0x440]  }
0x41: {  	v1 =	vadd.f32 v9, v1;
	v0 =	vadd.f32 v3, v0;
	v3 =	vmul.f32 v7, v7;
	v7 =	vld [tilespmem:s21+$0xC440]  }
0x42: {  	v9 =	vmul.f32 v12, v12;
	v2 =	vadd.f32 v6, v2;
	v6 =	vmul.f32 v4, v12;
	v12 =	vld [tilespmem:s21+$0x450]  }
0x43: {  	v1 =	vadd.f32 v8, v1;
	v0 =	vadd.f32 v3, v0;
	v3 =	vmul.f32 v4, v4;
	v4 =	vld [tilespmem:s21+$0xC450]  }
0x44: {  	v8 =	vmul.f32 v10, v10;
	v2 =	vadd.f32 v6, v2;
	v6 =	vmul.f32 v5, v10;
	v10 =	vld [tilespmem:s21+$0x460]  }
0x45: {  	v1 =	vadd.f32 v9, v1;
	v0 =	vadd.f32 v3, v0;
	v3 =	vmul.f32 v5, v5;
	v5 =	vld [tilespmem:s21+$0xC460]  }
0x46: {  	v9 =	vmul.f32 v11, v11;
	v2 =	vadd.f32 v6, v2;
	v6 =	vmul.f32 v7, v11;
	v11 =	vld [tilespmem:s21+$0x470]  }
0x47: {  	v1 =	vadd.f32 v8, v1;
	v0 =	vadd.f32 v3, v0;
	v3 =	vmul.f32 v7, v7;
	v7 =	vld [tilespmem:s21+$0xC470]  }
0x48: {  	v8 =	vmul.f32 v12, v12;
	v2 =	vadd.f32 v6, v2;
	v6 =	vmul.f32 v4, v12;
	v12 =	vld [tilespmem:s21+$0x800]  }
0x49: {  	v1 =	vadd.f32 v9, v1;
	v0 =	vadd.f32 v3, v0;
	v3 =	vmul.f32 v4, v4;
	v4 =	vld [tilespmem:s21+$0xC800]  }
0x4a: {  	v9 =	vmul.f32 v10, v10;
	v2 =	vadd.f32 v6, v2;
	v6 =	vmul.f32 v5, v10;
	v10 =	vld [tilespmem:s21+$0x810]  }
0x4b: {  	v1 =	vadd.f32 v8, v1;
	v0 =	vadd.f32 v3, v0;
	v3 =	vmul.f32 v5, v5;
	v5 =	vld [tilespmem:s21+$0xC810]  }
0x4c: {  	v8 =	vmul.f32 v11, v11;
	v2 =	vadd.f32 v6, v2;
	v6 =	vmul.f32 v7, v11;
	v11 =	vld [tilespmem:s21+$0x820]  }
0x4d: {  	v1 =	vadd.f32 v9, v1;
	v0 =	vadd.f32 v3, v0;
	v3 =	vmul.f32 v7, v7;
	v7 =	vld [tilespmem:s21+$0xC820]  }
0x4e: {  	v9 =	vmul.f32 v12, v12;
	v2 =	vadd.f32 v6, v2;
	v6 =	vmul.f32 v4, v12;
	v12 =	vld [tilespmem:s21+$0x830]  }
0x4f: {  	v1 =	vadd.f32 v8, v1;
	v0 =	vadd.f32 v3, v0;
	v3 =	vmul.f32 v4, v4;
	v4 =	vld [tilespmem:s21+$0xC830]  }
0x50: {  	v8 =	vmul.f32 v10, v10;
	v2 =	vadd.f32 v6, v2;
	v6 =	vmul.f32 v5, v10;
	v10 =	vld [tilespmem:s21+$0x840]  }
0x51: {  	v1 =	vadd.f32 v9, v1;
	v0 =	vadd.f32 v3, v0;
	v3 =	vmul.f32 v5, v5;
	v5 =	vld [tilespmem:s21+$0xC840]  }
0x52: {  	v9 =	vmul.f32 v11, v11;
	v2 =	vadd.f32 v6, v2;
	v6 =	vmul.f32 v7, v11;
	v11 =	vld [tilespmem:s21+$0x850]  }
0x53: {  	v1 =	vadd.f32 v8, v1;
	v0 =	vadd.f32 v3, v0;
	v3 =	vmul.f32 v7, v7;
	v7 =	vld [tilespmem:s21+$0xC850]  }
0x54: {  	v8 =	vmul.f32 v12, v12;
	v2 =	vadd.f32 v6, v2;
	v6 =	vmul.f32 v4, v12;
	v12 =	vld [tilespmem:s21+$0x860]  }
0x55: {  	v1 =	vadd.f32 v9, v1;
	v0 =	vadd.f32 v3, v0;
	v3 =	vmul.f32 v4, v4;
	v4 =	vld [tilespmem:s21+$0xC860]  }
0x56: {  	v9 =	vmul.f32 v10, v10;
	v2 =	vadd.f32 v6, v2;
	v6 =	vmul.f32 v5, v10;
	v10 =	vld [tilespmem:s21+$0x870]  }
0x57: {  	v1 =	vadd.f32 v8, v1;
	v0 =	vadd.f32 v3, v0;
	v3 =	vmul.f32 v5, v5;
	v5 =	vld [tilespmem:s21+$0xC870]  }
0x58: {  	v8 =	vmul.f32 v11, v11;
	v2 =	vadd.f32 v6, v2;
	v6 =	vmul.f32 v7, v11;
	v11 =	vld [tilespmem:s21+$0xC00]  }
0x59: {  	v1 =	vadd.f32 v9, v1;
	v0 =	vadd.f32 v3, v0;
	v3 =	vmul.f32 v7, v7;
	v7 =	vld [tilespmem:s21+$0xCC00]  }
0x5a: {  	v9 =	vmul.f32 v12, v12;
	v2 =	vadd.f32 v6, v2;
	v6 =	vmul.f32 v4, v12;
	v12 =	vld [tilespmem:s21+$0xC10]  }
0x5b: {  	v1 =	vadd.f32 v8, v1;
	v0 =	vadd.f32 v3, v0;
	v3 =	vmul.f32 v4, v4;
	v4 =	vld [tilespmem:s21+$0xCC10]  }
0x5c: {  	v8 =	vmul.f32 v10, v10;
	v2 =	vadd.f32 v6, v2;
	v6 =	vmul.f32 v5, v10;
	v10 =	vld [tilespmem:s21+$0xC20]  }
0x5d: {  	v1 =	vadd.f32 v9, v1;
	v0 =	vadd.f32 v3, v0;
	v3 =	vmul.f32 v5, v5;
	v5 =	vld [tilespmem:s21+$0xCC20]  }
0x5e: {  	v9 =	vmul.f32 v11, v11;
	v2 =	vadd.f32 v6, v2;
	v6 =	vmul.f32 v7, v11;
	v11 =	vld [tilespmem:s21+$0xC30]  }
0x5f: {  	v1 =	vadd.f32 v8, v1;
	v0 =	vadd.f32 v3, v0;
	v3 =	vmul.f32 v7, v7;
	v7 =	vld [tilespmem:s21+$0xCC30]  }
0x60: {  	v8 =	vmul.f32 v12, v12;
	v2 =	vadd.f32 v6, v2;
	v6 =	vmul.f32 v4, v12;
	v12 =	vld [tilespmem:s21+$0xC40]  }
0x61: {  	v1 =	vadd.f32 v9, v1;
	v0 =	vadd.f32 v3, v0;
	v3 =	vmul.f32 v4, v4;
	v4 =	vld [tilespmem:s21+$0xCC40]  }
0x62: {  	v9 =	vmul.f32 v10, v10;
	v2 =	vadd.f32 v6, v2;
	v6 =	vmul.f32 v5, v10;
	v10 =	vld [tilespmem:s21+$0xC50]  }
0x63: {  	v1 =	vadd.f32 v8, v1;
	v0 =	vadd.f32 v3, v0;
	v3 =	vmul.f32 v5, v5;
	v5 =	vld [tilespmem:s21+$0xCC50]  }
0x64: {  	v8 =	vmul.f32 v11, v11;
	v2 =	vadd.f32 v6, v2;
	v6 =	vmul.f32 v7, v11;
	v11 =	vld [tilespmem:s21+$0xC60]  }
0x65: {  	v1 =	vadd.f32 v9, v1;
	v0 =	vadd.f32 v3, v0;
	v3 =	vmul.f32 v7, v7;
	v7 =	vld [tilespmem:s21+$0xCC60]  }
0x66: {  	v9 =	vmul.f32 v12, v12;
	v2 =	vadd.f32 v6, v2;
	v6 =	vmul.f32 v4, v12;
	v12 =	vld [tilespmem:s21+$0xC70]  }
0x67: {  	v1 =	vadd.f32 v8, v1;
	v0 =	vadd.f32 v3, v0;
	v3 =	vmul.f32 v4, v4;
	v4 =	vld [tilespmem:s21+$0xCC70]  }
0x68: {  	v8 =	vmul.f32 v10, v10;
	v2 =	vadd.f32 v6, v2;
	v6 =	vmul.f32 v5, v10;
	v10 =	vld [tilespmem:s21+$0x1000]  }
0x69: {  	v1 =	vadd.f32 v9, v1;
	v0 =	vadd.f32 v3, v0;
	v3 =	vmul.f32 v5, v5;
	v5 =	vld [tilespmem:s21+$0xD000]  }
0x6a: {  	v9 =	vmul.f32 v11, v11;
	v2 =	vadd.f32 v6, v2;
	v6 =	vmul.f32 v7, v11;
	v11 =	vld [tilespmem:s21+$0x1010]  }
0x6b: {  	v1 =	vadd.f32 v8, v1;
	v0 =	vadd.f32 v3, v0;
	v3 =	vmul.f32 v7, v7;
	v7 =	vld [tilespmem:s21+$0xD010]  }
0x6c: {  	v8 =	vmul.f32 v12, v12;
	v2 =	vadd.f32 v6, v2;
	v6 =	vmul.f32 v4, v12;
	v12 =	vld [tilespmem:s21+$0x1020]  }
0x6d: {  	v1 =	vadd.f32 v9, v1;
	v0 =	vadd.f32 v3, v0;
	v3 =	vmul.f32 v4, v4;
	v4 =	vld [tilespmem:s21+$0xD020]  }
0x6e: {  	v9 =	vmul.f32 v10, v10;
	v2 =	vadd.f32 v6, v2;
	v6 =	vmul.f32 v5, v10;
	v10 =	vld [tilespmem:s21+$0x1030]  }
0x6f: {  	v1 =	vadd.f32 v8, v1;
	v0 =	vadd.f32 v3, v0;
	v3 =	vmul.f32 v5, v5;
	v5 =	vld [tilespmem:s21+$0xD030]  }
0x70: {  	v8 =	vmul.f32 v11, v11;
	v2 =	vadd.f32 v6, v2;
	v6 =	vmul.f32 v7, v11;
	v11 =	vld [tilespmem:s21+$0x1040]  }
0x71: {  	v1 =	vadd.f32 v9, v1;
	v0 =	vadd.f32 v3, v0;
	v3 =	vmul.f32 v7, v7;
	v7 =	vld [tilespmem:s21+$0xD040]  }
0x72: {  	v9 =	vmul.f32 v12, v12;
	v2 =	vadd.f32 v6, v2;
	v6 =	vmul.f32 v4, v12;
	v12 =	vld [tilespmem:s21+$0x1050]  }
0x73: {  	v1 =	vadd.f32 v8, v1;
	v0 =	vadd.f32 v3, v0;
	v3 =	vmul.f32 v4, v4;
	v4 =	vld [tilespmem:s21+$0xD050]  }
0x74: {  	v8 =	vmul.f32 v10, v10;
	v2 =	vadd.f32 v6, v2;
	v6 =	vmul.f32 v5, v10;
	v10 =	vld [tilespmem:s21+$0x1060]  }
0x75: {  	v1 =	vadd.f32 v9, v1;
	v0 =	vadd.f32 v3, v0;
	v3 =	vmul.f32 v5, v5;
	v5 =	vld [tilespmem:s21+$0xD060]  }
0x76: {  	v9 =	vmul.f32 v11, v11;
	v2 =	vadd.f32 v6, v2;
	v6 =	vmul.f32 v7, v11;
	v11 =	vld [tilespmem:s21+$0x1070]  }
0x77: {  	v1 =	vadd.f32 v8, v1;
	v0 =	vadd.f32 v3, v0;
	v3 =	vmul.f32 v7, v7;
	v7 =	vld [tilespmem:s21+$0xD070]  }
0x78: {  	v8 =	vmul.f32 v12, v12;
	v2 =	vadd.f32 v6, v2;
	v6 =	vmul.f32 v4, v12;
	v12 =	vld [tilespmem:s21+$0x1400]  }
0x79: {  	v1 =	vadd.f32 v9, v1;
	v0 =	vadd.f32 v3, v0;
	v3 =	vmul.f32 v4, v4;
	v4 =	vld [tilespmem:s21+$0xD400]  }
0x7a: {  	v9 =	vmul.f32 v10, v10;
	v2 =	vadd.f32 v6, v2;
	v6 =	vmul.f32 v5, v10;
	v10 =	vld [tilespmem:s21+$0x1410]  }
0x7b: {  	v1 =	vadd.f32 v8, v1;
	v0 =	vadd.f32 v3, v0;
	v3 =	vmul.f32 v5, v5;
	v5 =	vld [tilespmem:s21+$0xD410]  }
0x7c: {  	v8 =	vmul.f32 v11, v11;
	v2 =	vadd.f32 v6, v2;
	v6 =	vmul.f32 v7, v11;
	v11 =	vld [tilespmem:s21+$0x1420]  }
0x7d: {  	v1 =	vadd.f32 v9, v1;
	v0 =	vadd.f32 v3, v0;
	v3 =	vmul.f32 v7, v7;
	v7 =	vld [tilespmem:s21+$0xD420]  }
0x7e: {  	v9 =	vmul.f32 v12, v12;
	v2 =	vadd.f32 v6, v2;
	v6 =	vmul.f32 v4, v12;
	v12 =	vld [tilespmem:s21+$0x1430]  }
0x7f: {  	v1 =	vadd.f32 v8, v1;
	v0 =	vadd.f32 v3, v0;
	v3 =	vmul.f32 v4, v4;
	v4 =	vld [tilespmem:s21+$0xD430]  }
0x80: {  	v13 =	vld [tilespmem:s21+$0x1440];
	v8 =	vmul.f32 v10, v10;
	v2 =	vadd.f32 v6, v2;
	v6 =	vmul.f32 v5, v10  }
0x81: {  	v1 =	vadd.f32 v9, v1;
	v9 =	vadd.f32 v3, v0;
	v5 =	vmul.f32 v5, v5;
	v3 =	vld [tilespmem:s21+$0xD440]  }
0x82: {  	v0 =	vld [tilespmem:s21+$0x1450];
	v10 =	vmul.f32 v11, v11;
	v2 =	vadd.f32 v6, v2;
	v6 =	vmul.f32 v7, v11  }
0x83: {  	v8 =	vadd.f32 v8, v1;
	v5 =	vadd.f32 v5, v9;
	v9 =	vmul.f32 v7, v7;
	v1 =	vld [tilespmem:s21+$0xD450]  }
0x84: {  	s23 =	simm.s32 $0x0;
	v14 =	vmul.f32 v4, v12;
	v11 =	vadd.f32 v6, v2;
	v6 =	vmul.f32 v12, v12;
	v2 =	vld [tilespmem:s21+$0x1460]  }
0x85: {  	s24 =	smul.u32 $0x1800, s23;
	s22 =	simm.s32 $0x80;
	v7 =	vadd.f32 v10, v8;
	v8 =	vadd.f32 v9, v5;
	v10 =	vmul.f32 v4, v4;
	v4 =	vld [tilespmem:s21+$0xD460]  }
0x86: {  	s23 =	simm.s32 $0x2;
	s25 =	sand.u32 $0x380, s22;
	v9 =	vmul.f32 v13, v13;
	v5 =	vld [tilespmem:s21+$0x1470];
	v12 =	vmul.f32 v3, v13;
	v11 =	vadd.f32 v14, v11  }
.LBB2_3:
0x87: {  	p1 =	sne.s32 s23, $0x1F;
	v6 =	vadd.f32 v6, v7;
	v7 =	vadd.f32 v10, v8;
	v3 =	vmul.f32 v3, v3;
	v8 =	vld [tilespmem:s21+$0xD470];
	s21 =	sor.u32 s25, s24  }
0x88: {  	v10 =	vld [tilespmem:s21+$0x0];
	v11 =	vadd.f32 v12, v11;
	v12 =	vmul.f32 v1, v0;
	v0 =	vmul.f32 v0, v0  }
0x89: {  	v1 =	vmul.f32 v1, v1;
	v13 =	vld [tilespmem:s21+$0xC000];
	v6 =	vadd.f32 v9, v6;
	v3 =	vadd.f32 v3, v7  }
0x8a: {  	v7 =	vld [tilespmem:s21+$0x10];
	v9 =	vadd.f32 v12, v11;
	v11 =	vmul.f32 v4, v2;
	v2 =	vmul.f32 v2, v2  }
0x8b: {  	v12 =	vld [tilespmem:s21+$0xC010];
	v0 =	vadd.f32 v0, v6;
	v1 =	vadd.f32 v1, v3;
	v3 =	vmul.f32 v4, v4  }
0x8c: {  	v4 =	vld [tilespmem:s21+$0x20];
	v6 =	vadd.f32 v11, v9;
	v9 =	vmul.f32 v8, v5;
	v5 =	vmul.f32 v5, v5  }
0x8d: {  	v11 =	vld [tilespmem:s21+$0xC020];
	v0 =	vadd.f32 v2, v0;
	v1 =	vadd.f32 v3, v1;
	v2 =	vmul.f32 v8, v8  }
0x8e: {  	v8 =	vmul.f32 v10, v10;
	v3 =	vmul.f32 v13, v10;
	v10 =	vld [tilespmem:s21+$0x30];
	v6 =	vadd.f32 v9, v6  }
0x8f: {  	v9 =	vmul.f32 v13, v13;
	v13 =	vld [tilespmem:s21+$0xC030];
	v0 =	vadd.f32 v5, v0;
	v1 =	vadd.f32 v2, v1  }
0x90: {  	v5 =	vmul.f32 v7, v7;
	v2 =	vadd.f32 v3, v6;
	v3 =	vmul.f32 v12, v7;
	v6 =	vld [tilespmem:s21+$0x40]  }
0x91: {  	v7 =	vmul.f32 v12, v12;
	v0 =	vadd.f32 v8, v0;
	v1 =	vadd.f32 v9, v1;
	v8 =	vld [tilespmem:s21+$0xC040]  }
0x92: {  	v2 =	vadd.f32 v3, v2;
	v3 =	vmul.f32 v11, v4;
	v4 =	vmul.f32 v4, v4;
	v9 =	vld [tilespmem:s21+$0x50]  }
0x93: {  	v0 =	vadd.f32 v5, v0;
	v1 =	vadd.f32 v7, v1;
	v5 =	vmul.f32 v11, v11;
	v7 =	vld [tilespmem:s21+$0xC050]  }
0x94: {  	v2 =	vadd.f32 v3, v2;
	v3 =	vmul.f32 v13, v10;
	v10 =	vmul.f32 v10, v10;
	v11 =	vld [tilespmem:s21+$0x60]  }
0x95: {  	v0 =	vadd.f32 v4, v0;
	v1 =	vadd.f32 v5, v1;
	v4 =	vmul.f32 v13, v13;
	v5 =	vld [tilespmem:s21+$0xC060]  }
0x96: {  	v2 =	vadd.f32 v3, v2;
	v3 =	vmul.f32 v8, v6;
	v6 =	vmul.f32 v6, v6;
	v12 =	vld [tilespmem:s21+$0x70]  }
0x97: {  	v0 =	vadd.f32 v10, v0;
	v1 =	vadd.f32 v4, v1;
	v4 =	vmul.f32 v8, v8;
	v8 =	vld [tilespmem:s21+$0xC070]  }
0x98: {  	v2 =	vadd.f32 v3, v2;
	v3 =	vmul.f32 v7, v9;
	v9 =	vmul.f32 v9, v9;
	v10 =	vld [tilespmem:s21+$0x400]  }
0x99: {  	v0 =	vadd.f32 v6, v0;
	v1 =	vadd.f32 v4, v1;
	v4 =	vmul.f32 v7, v7;
	v6 =	vld [tilespmem:s21+$0xC400]  }
0x9a: {  	v7 =	vmul.f32 v11, v11;
	v2 =	vadd.f32 v3, v2;
	v3 =	vmul.f32 v5, v11;
	v11 =	vld [tilespmem:s21+$0x410]  }
0x9b: {  	v0 =	vadd.f32 v9, v0;
	v1 =	vadd.f32 v4, v1;
	v4 =	vmul.f32 v5, v5;
	v5 =	vld [tilespmem:s21+$0xC410]  }
0x9c: {  	v9 =	vmul.f32 v12, v12;
	v2 =	vadd.f32 v3, v2;
	v3 =	vmul.f32 v8, v12;
	v12 =	vld [tilespmem:s21+$0x420]  }
0x9d: {  	v0 =	vadd.f32 v7, v0;
	v1 =	vadd.f32 v4, v1;
	v4 =	vmul.f32 v8, v8;
	v7 =	vld [tilespmem:s21+$0xC420]  }
0x9e: {  	v8 =	vmul.f32 v10, v10;
	v2 =	vadd.f32 v3, v2;
	v3 =	vmul.f32 v6, v10;
	v10 =	vld [tilespmem:s21+$0x430]  }
0x9f: {  	v0 =	vadd.f32 v9, v0;
	v1 =	vadd.f32 v4, v1;
	v4 =	vmul.f32 v6, v6;
	v6 =	vld [tilespmem:s21+$0xC430]  }
0xa0: {  	v9 =	vmul.f32 v11, v11;
	v2 =	vadd.f32 v3, v2;
	v3 =	vmul.f32 v5, v11;
	v11 =	vld [tilespmem:s21+$0x440]  }
0xa1: {  	v0 =	vadd.f32 v8, v0;
	v1 =	vadd.f32 v4, v1;
	v4 =	vmul.f32 v5, v5;
	v5 =	vld [tilespmem:s21+$0xC440]  }
0xa2: {  	v8 =	vmul.f32 v12, v12;
	v2 =	vadd.f32 v3, v2;
	v3 =	vmul.f32 v7, v12;
	v12 =	vld [tilespmem:s21+$0x450]  }
0xa3: {  	v0 =	vadd.f32 v9, v0;
	v1 =	vadd.f32 v4, v1;
	v4 =	vmul.f32 v7, v7;
	v7 =	vld [tilespmem:s21+$0xC450]  }
0xa4: {  	v9 =	vmul.f32 v10, v10;
	v2 =	vadd.f32 v3, v2;
	v3 =	vmul.f32 v6, v10;
	v10 =	vld [tilespmem:s21+$0x460]  }
0xa5: {  	v0 =	vadd.f32 v8, v0;
	v1 =	vadd.f32 v4, v1;
	v4 =	vmul.f32 v6, v6;
	v6 =	vld [tilespmem:s21+$0xC460]  }
0xa6: {  	v8 =	vmul.f32 v11, v11;
	v2 =	vadd.f32 v3, v2;
	v3 =	vmul.f32 v5, v11;
	v11 =	vld [tilespmem:s21+$0x470]  }
0xa7: {  	v0 =	vadd.f32 v9, v0;
	v1 =	vadd.f32 v4, v1;
	v4 =	vmul.f32 v5, v5;
	v5 =	vld [tilespmem:s21+$0xC470]  }
0xa8: {  	v9 =	vmul.f32 v12, v12;
	v2 =	vadd.f32 v3, v2;
	v3 =	vmul.f32 v7, v12;
	v12 =	vld [tilespmem:s21+$0x800]  }
0xa9: {  	v0 =	vadd.f32 v8, v0;
	v1 =	vadd.f32 v4, v1;
	v4 =	vmul.f32 v7, v7;
	v7 =	vld [tilespmem:s21+$0xC800]  }
0xaa: {  	v8 =	vmul.f32 v10, v10;
	v2 =	vadd.f32 v3, v2;
	v3 =	vmul.f32 v6, v10;
	v10 =	vld [tilespmem:s21+$0x810]  }
0xab: {  	v0 =	vadd.f32 v9, v0;
	v1 =	vadd.f32 v4, v1;
	v4 =	vmul.f32 v6, v6;
	v6 =	vld [tilespmem:s21+$0xC810]  }
0xac: {  	v9 =	vmul.f32 v11, v11;
	v2 =	vadd.f32 v3, v2;
	v3 =	vmul.f32 v5, v11;
	v11 =	vld [tilespmem:s21+$0x820]  }
0xad: {  	v0 =	vadd.f32 v8, v0;
	v1 =	vadd.f32 v4, v1;
	v4 =	vmul.f32 v5, v5;
	v5 =	vld [tilespmem:s21+$0xC820]  }
0xae: {  	v8 =	vmul.f32 v12, v12;
	v2 =	vadd.f32 v3, v2;
	v3 =	vmul.f32 v7, v12;
	v12 =	vld [tilespmem:s21+$0x830]  }
0xaf: {  	v0 =	vadd.f32 v9, v0;
	v1 =	vadd.f32 v4, v1;
	v4 =	vmul.f32 v7, v7;
	v7 =	vld [tilespmem:s21+$0xC830]  }
0xb0: {  	v9 =	vmul.f32 v10, v10;
	v2 =	vadd.f32 v3, v2;
	v3 =	vmul.f32 v6, v10;
	v10 =	vld [tilespmem:s21+$0x840]  }
0xb1: {  	v0 =	vadd.f32 v8, v0;
	v1 =	vadd.f32 v4, v1;
	v4 =	vmul.f32 v6, v6;
	v6 =	vld [tilespmem:s21+$0xC840]  }
0xb2: {  	v8 =	vmul.f32 v11, v11;
	v2 =	vadd.f32 v3, v2;
	v3 =	vmul.f32 v5, v11;
	v11 =	vld [tilespmem:s21+$0x850]  }
0xb3: {  	v0 =	vadd.f32 v9, v0;
	v1 =	vadd.f32 v4, v1;
	v4 =	vmul.f32 v5, v5;
	v5 =	vld [tilespmem:s21+$0xC850]  }
0xb4: {  	v9 =	vmul.f32 v12, v12;
	v2 =	vadd.f32 v3, v2;
	v3 =	vmul.f32 v7, v12;
	v12 =	vld [tilespmem:s21+$0x860]  }
0xb5: {  	v0 =	vadd.f32 v8, v0;
	v1 =	vadd.f32 v4, v1;
	v4 =	vmul.f32 v7, v7;
	v7 =	vld [tilespmem:s21+$0xC860]  }
0xb6: {  	v8 =	vmul.f32 v10, v10;
	v2 =	vadd.f32 v3, v2;
	v3 =	vmul.f32 v6, v10;
	v10 =	vld [tilespmem:s21+$0x870]  }
0xb7: {  	v0 =	vadd.f32 v9, v0;
	v1 =	vadd.f32 v4, v1;
	v4 =	vmul.f32 v6, v6;
	v6 =	vld [tilespmem:s21+$0xC870]  }
0xb8: {  	v9 =	vmul.f32 v11, v11;
	v2 =	vadd.f32 v3, v2;
	v3 =	vmul.f32 v5, v11;
	v11 =	vld [tilespmem:s21+$0xC00]  }
0xb9: {  	v0 =	vadd.f32 v8, v0;
	v1 =	vadd.f32 v4, v1;
	v4 =	vmul.f32 v5, v5;
	v5 =	vld [tilespmem:s21+$0xCC00]  }
0xba: {  	v8 =	vmul.f32 v12, v12;
	v2 =	vadd.f32 v3, v2;
	v3 =	vmul.f32 v7, v12;
	v12 =	vld [tilespmem:s21+$0xC10]  }
0xbb: {  	v0 =	vadd.f32 v9, v0;
	v1 =	vadd.f32 v4, v1;
	v4 =	vmul.f32 v7, v7;
	v7 =	vld [tilespmem:s21+$0xCC10]  }
0xbc: {  	v9 =	vmul.f32 v10, v10;
	v2 =	vadd.f32 v3, v2;
	v3 =	vmul.f32 v6, v10;
	v10 =	vld [tilespmem:s21+$0xC20]  }
0xbd: {  	v0 =	vadd.f32 v8, v0;
	v1 =	vadd.f32 v4, v1;
	v4 =	vmul.f32 v6, v6;
	v6 =	vld [tilespmem:s21+$0xCC20]  }
0xbe: {  	v8 =	vmul.f32 v11, v11;
	v2 =	vadd.f32 v3, v2;
	v3 =	vmul.f32 v5, v11;
	v11 =	vld [tilespmem:s21+$0xC30]  }
0xbf: {  	v0 =	vadd.f32 v9, v0;
	v1 =	vadd.f32 v4, v1;
	v4 =	vmul.f32 v5, v5;
	v5 =	vld [tilespmem:s21+$0xCC30]  }
0xc0: {  	v9 =	vmul.f32 v12, v12;
	v2 =	vadd.f32 v3, v2;
	v3 =	vmul.f32 v7, v12;
	v12 =	vld [tilespmem:s21+$0xC40]  }
0xc1: {  	v0 =	vadd.f32 v8, v0;
	v1 =	vadd.f32 v4, v1;
	v4 =	vmul.f32 v7, v7;
	v7 =	vld [tilespmem:s21+$0xCC40]  }
0xc2: {  	v8 =	vmul.f32 v10, v10;
	v2 =	vadd.f32 v3, v2;
	v3 =	vmul.f32 v6, v10;
	v10 =	vld [tilespmem:s21+$0xC50]  }
0xc3: {  	v0 =	vadd.f32 v9, v0;
	v1 =	vadd.f32 v4, v1;
	v4 =	vmul.f32 v6, v6;
	v6 =	vld [tilespmem:s21+$0xCC50]  }
0xc4: {  	v9 =	vmul.f32 v11, v11;
	v2 =	vadd.f32 v3, v2;
	v3 =	vmul.f32 v5, v11;
	v11 =	vld [tilespmem:s21+$0xC60]  }
0xc5: {  	v0 =	vadd.f32 v8, v0;
	v1 =	vadd.f32 v4, v1;
	v4 =	vmul.f32 v5, v5;
	v5 =	vld [tilespmem:s21+$0xCC60]  }
0xc6: {  	v8 =	vmul.f32 v12, v12;
	v2 =	vadd.f32 v3, v2;
	v3 =	vmul.f32 v7, v12;
	v12 =	vld [tilespmem:s21+$0xC70]  }
0xc7: {  	v0 =	vadd.f32 v9, v0;
	v1 =	vadd.f32 v4, v1;
	v4 =	vmul.f32 v7, v7;
	v7 =	vld [tilespmem:s21+$0xCC70]  }
0xc8: {  	v9 =	vmul.f32 v10, v10;
	v2 =	vadd.f32 v3, v2;
	v3 =	vmul.f32 v6, v10;
	v10 =	vld [tilespmem:s21+$0x1000]  }
0xc9: {  	v0 =	vadd.f32 v8, v0;
	v1 =	vadd.f32 v4, v1;
	v4 =	vmul.f32 v6, v6;
	v6 =	vld [tilespmem:s21+$0xD000]  }
0xca: {  	v8 =	vmul.f32 v11, v11;
	v2 =	vadd.f32 v3, v2;
	v3 =	vmul.f32 v5, v11;
	v11 =	vld [tilespmem:s21+$0x1010]  }
0xcb: {  	v0 =	vadd.f32 v9, v0;
	v1 =	vadd.f32 v4, v1;
	v4 =	vmul.f32 v5, v5;
	v5 =	vld [tilespmem:s21+$0xD010]  }
0xcc: {  	v9 =	vmul.f32 v12, v12;
	v2 =	vadd.f32 v3, v2;
	v3 =	vmul.f32 v7, v12;
	v12 =	vld [tilespmem:s21+$0x1020]  }
0xcd: {  	v0 =	vadd.f32 v8, v0;
	v1 =	vadd.f32 v4, v1;
	v4 =	vmul.f32 v7, v7;
	v7 =	vld [tilespmem:s21+$0xD020]  }
0xce: {  	v8 =	vmul.f32 v10, v10;
	v2 =	vadd.f32 v3, v2;
	v3 =	vmul.f32 v6, v10;
	v10 =	vld [tilespmem:s21+$0x1030]  }
0xcf: {  	v0 =	vadd.f32 v9, v0;
	v1 =	vadd.f32 v4, v1;
	v4 =	vmul.f32 v6, v6;
	v6 =	vld [tilespmem:s21+$0xD030]  }
0xd0: {  	v9 =	vmul.f32 v11, v11;
	v2 =	vadd.f32 v3, v2;
	v3 =	vmul.f32 v5, v11;
	v11 =	vld [tilespmem:s21+$0x1040]  }
0xd1: {  	v0 =	vadd.f32 v8, v0;
	v1 =	vadd.f32 v4, v1;
	v4 =	vmul.f32 v5, v5;
	v5 =	vld [tilespmem:s21+$0xD040]  }
0xd2: {  	v8 =	vmul.f32 v12, v12;
	v2 =	vadd.f32 v3, v2;
	v3 =	vmul.f32 v7, v12;
	v12 =	vld [tilespmem:s21+$0x1050]  }
0xd3: {  	v0 =	vadd.f32 v9, v0;
	v1 =	vadd.f32 v4, v1;
	v4 =	vmul.f32 v7, v7;
	v7 =	vld [tilespmem:s21+$0xD050]  }
0xd4: {  	v9 =	vmul.f32 v10, v10;
	v2 =	vadd.f32 v3, v2;
	v3 =	vmul.f32 v6, v10;
	v10 =	vld [tilespmem:s21+$0x1060]  }
0xd5: {  	v0 =	vadd.f32 v8, v0;
	v1 =	vadd.f32 v4, v1;
	v4 =	vmul.f32 v6, v6;
	v6 =	vld [tilespmem:s21+$0xD060]  }
0xd6: {  	v8 =	vmul.f32 v11, v11;
	v2 =	vadd.f32 v3, v2;
	v3 =	vmul.f32 v5, v11;
	v11 =	vld [tilespmem:s21+$0x1070]  }
0xd7: {  	v0 =	vadd.f32 v9, v0;
	v1 =	vadd.f32 v4, v1;
	v4 =	vmul.f32 v5, v5;
	v5 =	vld [tilespmem:s21+$0xD070]  }
0xd8: {  	v9 =	vmul.f32 v12, v12;
	v2 =	vadd.f32 v3, v2;
	v3 =	vmul.f32 v7, v12;
	v12 =	vld [tilespmem:s21+$0x1400]  }
0xd9: {  	v0 =	vadd.f32 v8, v0;
	v1 =	vadd.f32 v4, v1;
	v4 =	vmul.f32 v7, v7;
	v7 =	vld [tilespmem:s21+$0xD400]  }
0xda: {  	v8 =	vmul.f32 v10, v10;
	v2 =	vadd.f32 v3, v2;
	v3 =	vmul.f32 v6, v10;
	v10 =	vld [tilespmem:s21+$0x1410]  }
0xdb: {  	v0 =	vadd.f32 v9, v0;
	v1 =	vadd.f32 v4, v1;
	v4 =	vmul.f32 v6, v6;
	v6 =	vld [tilespmem:s21+$0xD410]  }
0xdc: {  	v9 =	vmul.f32 v11, v11;
	v2 =	vadd.f32 v3, v2;
	v3 =	vmul.f32 v5, v11;
	v11 =	vld [tilespmem:s21+$0x1420]  }
0xdd: {  	v0 =	vadd.f32 v8, v0;
	v1 =	vadd.f32 v4, v1;
	v4 =	vmul.f32 v5, v5;
	v5 =	vld [tilespmem:s21+$0xD420]  }
0xde: {  	v8 =	vmul.f32 v12, v12;
	v2 =	vadd.f32 v3, v2;
	v3 =	vmul.f32 v7, v12;
	v12 =	vld [tilespmem:s21+$0x1430]  }
0xdf: {  	v0 =	vadd.f32 v9, v0;
	v1 =	vadd.f32 v4, v1;
	v4 =	vmul.f32 v7, v7;
	v9 =	vld [tilespmem:s21+$0xD430]  }
0xe0: {  	v2 =	vadd.f32 v3, v2;
	v7 =	vmul.f32 v6, v10;
	v10 =	vmul.f32 v10, v10;
	v13 =	vld [tilespmem:s21+$0x1440]  }
0xe1: {  	v8 =	vadd.f32 v8, v0;
	v1 =	vadd.f32 v4, v1;
	v4 =	vmul.f32 v6, v6;
	v3 =	vld [tilespmem:s21+$0xD440]  }
.Ltmp2:
0xe2: {  	v2 =	vadd.f32 v7, v2;
	v6 =	vmul.f32 v5, v11;
	v7 =	vmul.f32 v11, v11;
	v0 =	vld [tilespmem:s21+$0x1450];
	(pc) =	sbr.rel @p1 .LBB2_3-.Ltmp2, $4  }
0xe3: {  	v5 =	vmul.f32 v5, v5;
	v8 =	vadd.f32 v10, v8;
	v4 =	vadd.f32 v4, v1;
	v1 =	vld [tilespmem:s21+$0xD450]  }
0xe4: {  	s24 =	sshrl.u32 s23, $0x3;
	v11 =	vadd.f32 v6, v2;
	v14 =	vmul.f32 v9, v12;
	v6 =	vmul.f32 v12, v12;
	v2 =	vld [tilespmem:s21+$0x1460]  }
0xe5: {  	s22 =	sadd.s32 $0x80, s22;
	s24 =	smul.u32 $0x1800, s24;
	v10 =	vmul.f32 v9, v9;
	v7 =	vadd.f32 v7, v8;
	v8 =	vadd.f32 v5, v4;
	v4 =	vld [tilespmem:s21+$0xD460]  }
0xe6: {  	s23 =	sadd.s32 $0x1, s23;
	s25 =	sand.u32 $0x380, s22;
	v9 =	vmul.f32 v13, v13;
	v11 =	vadd.f32 v14, v11;
	v12 =	vmul.f32 v3, v13;
	v5 =	vld [tilespmem:s21+$0x1470]  }
0xe7: {  	s22 =	sor.u32 s25, s24;
	v13 =	vld [tilespmem:s21+$0xD470]  }
0xe8: {  	v14 =	vld [tilespmem:s22+$0x0]  }
0xe9: {  	v15 =	vld [tilespmem:s22+$0xC000]  }
0xea: {  	v16 =	vld [tilespmem:s22+$0x10]  }
0xeb: {  	v17 =	vld [tilespmem:s22+$0xC010]  }
0xec: {  	v18 =	vld [tilespmem:s22+$0x20]  }
0xed: {  	v6 =	vadd.f32 v6, v7;
	v7 =	vadd.f32 v10, v8;
	v3 =	vmul.f32 v3, v3;
	v19 =	vld [tilespmem:s22+$0xC020]  }
0xee: {  	v8 =	vld [tilespmem:s22+$0x30];
	v10 =	vadd.f32 v12, v11;
	v11 =	vmul.f32 v1, v0;
	v0 =	vmul.f32 v0, v0  }
0xef: {  	v40 =	vld [tilespmem:s22+$0xC030];
	v1 =	vmul.f32 v1, v1;
	v6 =	vadd.f32 v9, v6;
	v3 =	vadd.f32 v3, v7  }
0xf0: {  	v43 =	vld [tilespmem:s22+$0xC070];
	v9 =	vadd.f32 v11, v10;
	v10 =	vmul.f32 v4, v2;
	v2 =	vmul.f32 v2, v2  }
0xf1: {  	v45 =	vld [tilespmem:s22+$0x400];
	v0 =	vadd.f32 v0, v6;
	v1 =	vadd.f32 v1, v3;
	v3 =	vmul.f32 v4, v4  }
0xf2: {  	v47 =	vld [tilespmem:s22+$0xC400];
	v6 =	vadd.f32 v10, v9;
	v9 =	vmul.f32 v13, v5;
	v5 =	vmul.f32 v5, v5  }
0xf3: {  	v49 =	vld [tilespmem:s22+$0x410];
	v0 =	vadd.f32 v2, v0;
	v1 =	vadd.f32 v3, v1;
	v2 =	vmul.f32 v13, v13  }
0xf4: {  	v50 =	vld [tilespmem:s22+$0xC410];
	v41 =	vmul.f32 v15, v14;
	v14 =	vmul.f32 v14, v14;
	v6 =	vadd.f32 v9, v6  }
0xf5: {  	v51 =	vld [tilespmem:s22+$0x420];
	v15 =	vmul.f32 v15, v15;
	v0 =	vadd.f32 v5, v0;
	v1 =	vadd.f32 v2, v1  }
0xf6: {  	v7 =	vld [tilespmem:s22+$0x40];
	v42 =	vmul.f32 v16, v16;
	v5 =	vadd.f32 v41, v6;
	v6 =	vmul.f32 v17, v16  }
0xf7: {  	v11 =	vld [tilespmem:s22+$0xC040];
	v44 =	vmul.f32 v17, v17;
	v0 =	vadd.f32 v14, v0;
	v1 =	vadd.f32 v15, v1  }
0xf8: {  	v4 =	vld [tilespmem:s22+$0x50];
	v46 =	vmul.f32 v18, v18;
	v5 =	vadd.f32 v6, v5;
	v6 =	vmul.f32 v19, v18  }
0xf9: {  	v10 =	vld [tilespmem:s22+$0xC050];
	v48 =	vmul.f32 v19, v19;
	v0 =	vadd.f32 v42, v0;
	v1 =	vadd.f32 v44, v1  }
0xfa: {  	v3 =	vld [tilespmem:s22+$0x60];
	v12 =	vmul.f32 v40, v40;
	v5 =	vadd.f32 v6, v5;
	v6 =	vmul.f32 v40, v8  }
0xfb: {  	v9 =	vld [tilespmem:s22+$0xC060];
	v8 =	vmul.f32 v8, v8;
	v0 =	vadd.f32 v46, v0;
	v1 =	vadd.f32 v48, v1  }
0xfc: {  	v52 =	vld [tilespmem:s22+$0xC420];
	v5 =	vadd.f32 v6, v5;
	v6 =	vmul.f32 v11, v7;
	v7 =	vmul.f32 v7, v7  }
0xfd: {  	v2 =	vld [tilespmem:s22+$0x70];
	v0 =	vadd.f32 v8, v0;
	v1 =	vadd.f32 v12, v1;
	v8 =	vmul.f32 v11, v11  }
0xfe: {  	v53 =	vld [tilespmem:s22+$0xC430];
	v5 =	vadd.f32 v6, v5;
	v6 =	vmul.f32 v10, v4;
	v4 =	vmul.f32 v4, v4  }
0xff: {  	v54 =	vld [tilespmem:s22+$0xC460];
	v0 =	vadd.f32 v7, v0;
	v1 =	vadd.f32 v8, v1;
	v7 =	vmul.f32 v10, v10  }
0x100: {  	v55 =	vld [tilespmem:s22+$0xC470];
	v5 =	vadd.f32 v6, v5;
	v6 =	vmul.f32 v9, v3;
	v3 =	vmul.f32 v3, v3  }
0x101: {  	v56 =	vld [tilespmem:s22+$0x800];
	v0 =	vadd.f32 v4, v0;
	v1 =	vadd.f32 v7, v1;
	v4 =	vmul.f32 v9, v9  }
0x102: {  	v57 =	vld [tilespmem:s22+$0xC800];
	v5 =	vadd.f32 v6, v5;
	v6 =	vmul.f32 v43, v2;
	v2 =	vmul.f32 v2, v2  }
0x103: {  	v58 =	vld [tilespmem:s22+$0x810];
	v0 =	vadd.f32 v3, v0;
	v1 =	vadd.f32 v4, v1;
	v3 =	vmul.f32 v43, v43  }
0x104: {  	v59 =	vld [tilespmem:s22+$0xC810];
	v15 =	vmul.f32 v45, v45;
	v5 =	vadd.f32 v6, v5;
	v6 =	vmul.f32 v47, v45  }
0x105: {  	v11 =	vld [tilespmem:s22+$0x430];
	v0 =	vadd.f32 v2, v0;
	v1 =	vadd.f32 v3, v1;
	v2 =	vmul.f32 v47, v47  }
0x106: {  	v14 =	vmul.f32 v49, v49;
	v8 =	vld [tilespmem:s22+$0x440];
	v5 =	vadd.f32 v6, v5;
	v6 =	vmul.f32 v50, v49  }
0x107: {  	v10 =	vld [tilespmem:s22+$0xC440];
	v0 =	vadd.f32 v15, v0;
	v1 =	vadd.f32 v2, v1;
	v2 =	vmul.f32 v50, v50  }
0x108: {  	v13 =	vmul.f32 v51, v51;
	v7 =	vld [tilespmem:s22+$0x450];
	v5 =	vadd.f32 v6, v5;
	v6 =	vmul.f32 v52, v51  }
0x109: {  	v9 =	vld [tilespmem:s22+$0xC450];
	v0 =	vadd.f32 v14, v0;
	v1 =	vadd.f32 v2, v1;
	v2 =	vmul.f32 v52, v52  }
0x10a: {  	v60 =	vld [tilespmem:s22+$0x820];
	v5 =	vadd.f32 v6, v5;
	v6 =	vmul.f32 v53, v11;
	v11 =	vmul.f32 v11, v11  }
0x10b: {  	v4 =	vld [tilespmem:s22+$0x460];
	v0 =	vadd.f32 v13, v0;
	v1 =	vadd.f32 v2, v1;
	v2 =	vmul.f32 v53, v53  }
0x10c: {  	v61 =	vld [tilespmem:s22+$0xC820];
	v5 =	vadd.f32 v6, v5;
	v6 =	vmul.f32 v10, v8;
	v8 =	vmul.f32 v8, v8  }
0x10d: {  	v3 =	vld [tilespmem:s22+$0x470];
	v0 =	vadd.f32 v11, v0;
	v1 =	vadd.f32 v2, v1;
	v2 =	vmul.f32 v10, v10  }
0x10e: {  	v62 =	vld [tilespmem:s22+$0xC850];
	v5 =	vadd.f32 v6, v5;
	v6 =	vmul.f32 v9, v7;
	v7 =	vmul.f32 v7, v7  }
0x10f: {  	v63 =	vld [tilespmem:s22+$0xC860];
	v0 =	vadd.f32 v8, v0;
	v1 =	vadd.f32 v2, v1;
	v2 =	vmul.f32 v9, v9  }
0x110: {  	v21 =	vld [tilespmem:s22+$0xC870];
	v5 =	vadd.f32 v6, v5;
	v6 =	vmul.f32 v54, v4;
	v4 =	vmul.f32 v4, v4  }
0x111: {  	v22 =	vld [tilespmem:s22+$0xC00];
	v0 =	vadd.f32 v7, v0;
	v1 =	vadd.f32 v2, v1;
	v2 =	vmul.f32 v54, v54  }
0x112: {  	v23 =	vld [tilespmem:s22+$0xCC00];
	v5 =	vadd.f32 v6, v5;
	v6 =	vmul.f32 v55, v3;
	v3 =	vmul.f32 v3, v3  }
0x113: {  	v24 =	vld [tilespmem:s22+$0xC10];
	v0 =	vadd.f32 v4, v0;
	v1 =	vadd.f32 v2, v1;
	v2 =	vmul.f32 v55, v55  }
0x114: {  	v15 =	vmul.f32 v56, v56;
	v10 =	vld [tilespmem:s22+$0x830];
	v5 =	vadd.f32 v6, v5;
	v6 =	vmul.f32 v57, v56  }
0x115: {  	v11 =	vld [tilespmem:s22+$0xC830];
	v0 =	vadd.f32 v3, v0;
	v1 =	vadd.f32 v2, v1;
	v2 =	vmul.f32 v57, v57  }
0x116: {  	v14 =	vmul.f32 v58, v58;
	v8 =	vld [tilespmem:s22+$0x840];
	v5 =	vadd.f32 v6, v5;
	v6 =	vmul.f32 v59, v58  }
0x117: {  	v9 =	vld [tilespmem:s22+$0xC840];
	v0 =	vadd.f32 v15, v0;
	v1 =	vadd.f32 v2, v1;
	v2 =	vmul.f32 v59, v59  }
0x118: {  	v25 =	vld [tilespmem:s22+$0xCC10];
	v12 =	vmul.f32 v60, v60;
	v5 =	vadd.f32 v6, v5;
	v6 =	vmul.f32 v61, v60  }
0x119: {  	v7 =	vld [tilespmem:s22+$0x850];
	v0 =	vadd.f32 v14, v0;
	v1 =	vadd.f32 v2, v1;
	v2 =	vmul.f32 v61, v61  }
0x11a: {  	v26 =	vld [tilespmem:s22+$0xCC20];
	v5 =	vadd.f32 v6, v5;
	v6 =	vmul.f32 v11, v10;
	v10 =	vmul.f32 v10, v10  }
0x11b: {  	v4 =	vld [tilespmem:s22+$0x860];
	v0 =	vadd.f32 v12, v0;
	v1 =	vadd.f32 v2, v1;
	v2 =	vmul.f32 v11, v11  }
0x11c: {  	v27 =	vld [tilespmem:s22+$0xCC40];
	v5 =	vadd.f32 v6, v5;
	v6 =	vmul.f32 v9, v8;
	v8 =	vmul.f32 v8, v8  }
0x11d: {  	v3 =	vld [tilespmem:s22+$0x870];
	v0 =	vadd.f32 v10, v0;
	v1 =	vadd.f32 v2, v1;
	v2 =	vmul.f32 v9, v9  }
0x11e: {  	v28 =	vld [tilespmem:s22+$0xCC50];
	v5 =	vadd.f32 v6, v5;
	v6 =	vmul.f32 v62, v7;
	v7 =	vmul.f32 v7, v7  }
0x11f: {  	v29 =	vld [tilespmem:s22+$0xCC60];
	v0 =	vadd.f32 v8, v0;
	v1 =	vadd.f32 v2, v1;
	v2 =	vmul.f32 v62, v62  }
0x120: {  	v30 =	vld [tilespmem:s22+$0xCC70];
	v5 =	vadd.f32 v6, v5;
	v6 =	vmul.f32 v63, v4;
	v4 =	vmul.f32 v4, v4  }
0x121: {  	v31 =	vld [tilespmem:s22+$0x1000];
	v0 =	vadd.f32 v7, v0;
	v1 =	vadd.f32 v2, v1;
	v2 =	vmul.f32 v63, v63  }
0x122: {  	v32 =	vld [tilespmem:s22+$0xD000];
	v5 =	vadd.f32 v6, v5;
	v6 =	vmul.f32 v21, v3;
	v3 =	vmul.f32 v3, v3  }
0x123: {  	v11 =	vld [tilespmem:s22+$0xC20];
	v0 =	vadd.f32 v4, v0;
	v1 =	vadd.f32 v2, v1;
	v2 =	vmul.f32 v21, v21  }
0x124: {  	v15 =	vmul.f32 v22, v22;
	v9 =	vld [tilespmem:s22+$0xC30];
	v5 =	vadd.f32 v6, v5;
	v6 =	vmul.f32 v23, v22  }
0x125: {  	v10 =	vld [tilespmem:s22+$0xCC30];
	v0 =	vadd.f32 v3, v0;
	v1 =	vadd.f32 v2, v1;
	v2 =	vmul.f32 v23, v23  }
0x126: {  	v33 =	vld [tilespmem:s22+$0x1010];
	v13 =	vmul.f32 v24, v24;
	v5 =	vadd.f32 v6, v5;
	v6 =	vmul.f32 v25, v24  }
0x127: {  	v8 =	vld [tilespmem:s22+$0xC40];
	v0 =	vadd.f32 v15, v0;
	v1 =	vadd.f32 v2, v1;
	v2 =	vmul.f32 v25, v25  }
0x128: {  	v34 =	vld [tilespmem:s22+$0xD010];
	v5 =	vadd.f32 v6, v5;
	v6 =	vmul.f32 v26, v11;
	v11 =	vmul.f32 v11, v11  }
0x129: {  	v7 =	vld [tilespmem:s22+$0xC50];
	v0 =	vadd.f32 v13, v0;
	v1 =	vadd.f32 v2, v1;
	v2 =	vmul.f32 v26, v26  }
0x12a: {  	v35 =	vld [tilespmem:s22+$0xD030];
	v5 =	vadd.f32 v6, v5;
	v6 =	vmul.f32 v10, v9;
	v9 =	vmul.f32 v9, v9  }
0x12b: {  	v4 =	vld [tilespmem:s22+$0xC60];
	v0 =	vadd.f32 v11, v0;
	v1 =	vadd.f32 v2, v1;
	v2 =	vmul.f32 v10, v10  }
0x12c: {  	v36 =	vld [tilespmem:s22+$0xD040];
	v5 =	vadd.f32 v6, v5;
	v6 =	vmul.f32 v27, v8;
	v8 =	vmul.f32 v8, v8  }
0x12d: {  	v3 =	vld [tilespmem:s22+$0xC70];
	v0 =	vadd.f32 v9, v0;
	v1 =	vadd.f32 v2, v1;
	v2 =	vmul.f32 v27, v27  }
0x12e: {  	v37 =	vld [tilespmem:s22+$0xD050];
	v5 =	vadd.f32 v6, v5;
	v6 =	vmul.f32 v28, v7;
	v7 =	vmul.f32 v7, v7  }
0x12f: {  	v38 =	vld [tilespmem:s22+$0xD060];
	v0 =	vadd.f32 v8, v0;
	v1 =	vadd.f32 v2, v1;
	v2 =	vmul.f32 v28, v28  }
0x130: {  	v39 =	vld [tilespmem:s22+$0xD070];
	v5 =	vadd.f32 v6, v5;
	v6 =	vmul.f32 v29, v4;
	v4 =	vmul.f32 v4, v4  }
0x131: {  	v41 =	vld [tilespmem:s22+$0xD400];
	v0 =	vadd.f32 v7, v0;
	v1 =	vadd.f32 v2, v1;
	v2 =	vmul.f32 v29, v29  }
0x132: {  	v10 =	vld [tilespmem:s22+$0x1020];
	v5 =	vadd.f32 v6, v5;
	v6 =	vmul.f32 v30, v3;
	v3 =	vmul.f32 v3, v3  }
0x133: {  	v11 =	vld [tilespmem:s22+$0xD020];
	v0 =	vadd.f32 v4, v0;
	v1 =	vadd.f32 v2, v1;
	v2 =	vmul.f32 v30, v30  }
0x134: {  	v42 =	vld [tilespmem:s22+$0xD410];
	v14 =	vmul.f32 v31, v31;
	v5 =	vadd.f32 v6, v5;
	v6 =	vmul.f32 v32, v31  }
0x135: {  	v9 =	vld [tilespmem:s22+$0x1030];
	v0 =	vadd.f32 v3, v0;
	v1 =	vadd.f32 v2, v1;
	v2 =	vmul.f32 v32, v32  }
0x136: {  	v44 =	vld [tilespmem:s22+$0xD430];
	v12 =	vmul.f32 v33, v33;
	v5 =	vadd.f32 v6, v5;
	v6 =	vmul.f32 v34, v33  }
0x137: {  	v8 =	vld [tilespmem:s22+$0x1040];
	v0 =	vadd.f32 v14, v0;
	v1 =	vadd.f32 v2, v1;
	v2 =	vmul.f32 v34, v34  }
0x138: {  	v40 =	vld [tilespmem:s22+$0x1400];
	v5 =	vadd.f32 v6, v5;
	v6 =	vmul.f32 v11, v10;
	v10 =	vmul.f32 v10, v10  }
0x139: {  	v7 =	vld [tilespmem:s22+$0x1050];
	v0 =	vadd.f32 v12, v0;
	v1 =	vadd.f32 v2, v1;
	v2 =	vmul.f32 v11, v11  }
0x13a: {  	v46 =	vld [tilespmem:s22+$0xD450];
	v5 =	vadd.f32 v6, v5;
	v6 =	vmul.f32 v35, v9;
	v9 =	vmul.f32 v9, v9  }
0x13b: {  	v4 =	vld [tilespmem:s22+$0x1060];
	v0 =	vadd.f32 v10, v0;
	v1 =	vadd.f32 v2, v1;
	v2 =	vmul.f32 v35, v35  }
0x13c: {  	v48 =	vld [tilespmem:s22+$0xD470];
	v5 =	vadd.f32 v6, v5;
	v6 =	vmul.f32 v36, v8;
	v8 =	vmul.f32 v8, v8  }
0x13d: {  	v3 =	vld [tilespmem:s22+$0x1070];
	v0 =	vadd.f32 v9, v0;
	v1 =	vadd.f32 v2, v1;
	v2 =	vmul.f32 v36, v36  }
0x13e: {  	v43 =	vld [tilespmem:s22+$0xD420];
	v5 =	vadd.f32 v6, v5;
	v6 =	vmul.f32 v37, v7;
	v7 =	vmul.f32 v7, v7  }
0x13f: {  	v45 =	vld [tilespmem:s22+$0xD440];
	v0 =	vadd.f32 v8, v0;
	v1 =	vadd.f32 v2, v1;
	v2 =	vmul.f32 v37, v37  }
0x140: {  	v47 =	vld [tilespmem:s22+$0xD460];
	v5 =	vadd.f32 v6, v5;
	v6 =	vmul.f32 v38, v4;
	v4 =	vmul.f32 v4, v4  }
0x141: {  	v11 =	vld [tilespmem:s22+$0x1410];
	v0 =	vadd.f32 v7, v0;
	v1 =	vadd.f32 v2, v1;
	v2 =	vmul.f32 v38, v38  }
0x142: {  	v10 =	vld [tilespmem:s22+$0x1420];
	v5 =	vadd.f32 v6, v5;
	v6 =	vmul.f32 v39, v3;
	v3 =	vmul.f32 v3, v3  }
0x143: {  	v9 =	vld [tilespmem:s22+$0x1430];
	v0 =	vadd.f32 v4, v0;
	v1 =	vadd.f32 v2, v1;
	v2 =	vmul.f32 v39, v39  }
0x144: {  	v8 =	vld [tilespmem:s22+$0x1440];
	v5 =	vadd.f32 v6, v5;
	v6 =	vmul.f32 v41, v40  }
0x145: {  	v13 =	vmul.f32 v40, v40;
	v7 =	vld [tilespmem:s22+$0x1450];
	v0 =	vadd.f32 v3, v0;
	v1 =	vadd.f32 v2, v1  }
0x146: {  	s21 =	simm.s32 @!p0 $0x0;
	v4 =	vld [tilespmem:s22+$0x1460];
	v3 =	vmul.f32 v41, v41;
	v5 =	vadd.f32 v6, v5;
	v6 =	vmul.f32 v42, v11  }
0x147: {  	v2 =	vld [tilespmem:s22+$0x1470];
	[tilespmem:s21], [sflag:$0x1] =	stream.linear.gather @!p0 [hbm4b:s8+s21], $0x6000, $0x38;
	v11 =	vmul.f32 v11, v11;
	v0 =	vadd.f32 v13, v0  }
0x148: {  	s22 =	simm.s32 @!p0 $0xC000;
	v1 =	vadd.f32 v3, v1;
	v3 =	vadd.f32 v6, v5;
	v5 =	vmul.f32 v42, v42  }
0x149: {  	[tilespmem:s22], [sflag:$0x1] =	stream.linear.gather @!p0 [hbm4b:s9+s21], $0x6000, $0x38;
	v6 =	vmul.f32 v43, v10;
	v10 =	vmul.f32 v10, v10;
	v0 =	vadd.f32 v11, v0;
	[tilespmem:$0x18200] =	vst v63  }
0x14a: {  	_ =	swait.ge [sflag:s17], $0x6000;
	v1 =	vadd.f32 v5, v1;
	v5 =	vmul.f32 v43, v43  }
0x14b: {  	s24 =	simm.s32 $0x0;
	[sflag:s17] =	ssyncset.done $0x0;
	v3 =	vadd.f32 v6, v3;
	v6 =	vmul.f32 v44, v9;
	v0 =	vadd.f32 v10, v0  }
0x14c: {  	s25 =	simm.s32 $0x0;
	s21 =	smul.u32 $0x1800, s24;
	[sflag:s17] =	ssyncadd.s32 $0xFFFFA000;
	v1 =	vadd.f32 v5, v1;
	v5 =	vmul.f32 v9, v9;
	v9 =	vmul.f32 v44, v44  }
0x14d: {  	s22 =	sand.u32 $0x380, s25;
	_ =	swait.ge [sflag:s17], $0x6000;
	v3 =	vadd.f32 v6, v3;
	v6 =	vmul.f32 v45, v8;
	v8 =	vmul.f32 v8, v8  }
0x14e: {  	s21 =	sor.u32 s22, s21;
	[sflag:s17] =	ssyncset.done $0x0;
	v0 =	vadd.f32 v5, v0;
	v1 =	vadd.f32 v9, v1;
	v5 =	vmul.f32 v45, v45  }
0x14f: {  	s22 =	sadd.s32 $0x6000, s21;
	[sflag:s17] =	ssyncadd.s32 $0xFFFFA000;
	v3 =	vadd.f32 v6, v3;
	v6 =	vmul.f32 v46, v7  }
0x150: {  	v7 =	vmul.f32 v7, v7;
	v9 =	vld [tilespmem:s22+$0xC000];
	v0 =	vadd.f32 v8, v0;
	v1 =	vadd.f32 v5, v1  }
0x151: {  	v5 =	vld [tilespmem:s21+$0x6000];
	v8 =	vmul.f32 v46, v46;
	v3 =	vadd.f32 v6, v3;
	v6 =	vmul.f32 v47, v4  }
0x152: {  	v4 =	vmul.f32 v4, v4;
	v0 =	vadd.f32 v7, v0;
	v7 =	vld [tilespmem:s21+$0x6010]  }
0x153: {  	v1 =	vadd.f32 v8, v1;
	v8 =	vmul.f32 v47, v47;
	v3 =	vadd.f32 v6, v3;
	v6 =	vld [tilespmem:s22+$0xC010]  }
0x154: {  	v10 =	vmul.f32 v48, v2;
	v2 =	vmul.f32 v2, v2;
	v11 =	vld [tilespmem:s22+$0xC020];
	v0 =	vadd.f32 v4, v0  }
0x155: {  	v4 =	vld [tilespmem:s21+$0x6020];
	v1 =	vadd.f32 v8, v1;
	v8 =	vmul.f32 v48, v48  }
0x156: {  	v3 =	vadd.f32 v10, v3;
	v10 =	vld [tilespmem:s21+$0x6030];
	v0 =	vadd.f32 v2, v0;
	v2 =	vmul.f32 v9, v5  }
0x157: {  	v1 =	vadd.f32 v8, v1;
	v5 =	vmul.f32 v5, v5;
	v8 =	vmul.f32 v9, v9;
	v9 =	vld [tilespmem:s22+$0xC030]  }
0x158: {  	v49 =	vld [tilespmem:s21+$0x6040];
	v2 =	vadd.f32 v2, v3;
	v3 =	vmul.f32 v6, v7;
	v7 =	vmul.f32 v7, v7  }
0x159: {  	v0 =	vadd.f32 v5, v0;
	v1 =	vadd.f32 v8, v1;
	v5 =	vmul.f32 v6, v6;
	v6 =	vld [tilespmem:s22+$0xC040]  }
0x15a: {  	v8 =	vld [tilespmem:s21+$0x6050];
	v2 =	vadd.f32 v3, v2;
	v3 =	vmul.f32 v11, v4;
	v4 =	vmul.f32 v4, v4  }
0x15b: {  	v0 =	vadd.f32 v7, v0;
	v1 =	vadd.f32 v5, v1;
	v5 =	vmul.f32 v11, v11;
	v7 =	vld [tilespmem:s22+$0xC050]  }
0x15c: {  	v11 =	vld [tilespmem:s21+$0x6060];
	v2 =	vadd.f32 v3, v2;
	v3 =	vmul.f32 v9, v10;
	v10 =	vmul.f32 v10, v10  }
0x15d: {  	v0 =	vadd.f32 v4, v0;
	v1 =	vadd.f32 v5, v1;
	v4 =	vmul.f32 v9, v9;
	v5 =	vld [tilespmem:s22+$0xC060]  }
0x15e: {  	v50 =	vld [tilespmem:s21+$0x6070];
	v9 =	vmul.f32 v49, v49;
	v2 =	vadd.f32 v3, v2;
	v3 =	vmul.f32 v6, v49  }
0x15f: {  	v0 =	vadd.f32 v10, v0;
	v1 =	vadd.f32 v4, v1;
	v4 =	vmul.f32 v6, v6;
	v6 =	vld [tilespmem:s22+$0xC070]  }
0x160: {  	s26 =	sadd.s32 $0x6400, s21;
	v10 =	vld [tilespmem:s21+$0x6400];
	v2 =	vadd.f32 v3, v2;
	v3 =	vmul.f32 v7, v8;
	v8 =	vmul.f32 v8, v8  }
0x161: {  	v0 =	vadd.f32 v9, v0;
	v1 =	vadd.f32 v4, v1;
	v4 =	vmul.f32 v7, v7;
	v7 =	vld [tilespmem:s26+$0xC000]  }
0x162: {  	v9 =	vmul.f32 v11, v11;
	v2 =	vadd.f32 v3, v2;
	v3 =	vmul.f32 v5, v11;
	v11 =	vld [tilespmem:s21+$0x6410]  }
0x163: {  	v0 =	vadd.f32 v8, v0;
	v1 =	vadd.f32 v4, v1;
	v4 =	vmul.f32 v5, v5;
	v5 =	vld [tilespmem:s26+$0xC010]  }
0x164: {  	v51 =	vld [tilespmem:s21+$0x6420];
	v8 =	vmul.f32 v50, v50;
	v2 =	vadd.f32 v3, v2;
	v3 =	vmul.f32 v6, v50  }
0x165: {  	v0 =	vadd.f32 v9, v0;
	v1 =	vadd.f32 v4, v1;
	v4 =	vmul.f32 v6, v6;
	v6 =	vld [tilespmem:s26+$0xC020]  }
0x166: {  	v9 =	vmul.f32 v10, v10;
	v2 =	vadd.f32 v3, v2;
	v3 =	vmul.f32 v7, v10;
	v10 =	vld [tilespmem:s21+$0x6430]  }
0x167: {  	v0 =	vadd.f32 v8, v0;
	v1 =	vadd.f32 v4, v1;
	v4 =	vmul.f32 v7, v7;
	v7 =	vld [tilespmem:s26+$0xC030]  }
0x168: {  	v8 =	vmul.f32 v11, v11;
	v2 =	vadd.f32 v3, v2;
	v3 =	vmul.f32 v5, v11;
	v11 =	vld [tilespmem:s21+$0x6440]  }
0x169: {  	v0 =	vadd.f32 v9, v0;
	v1 =	vadd.f32 v4, v1;
	v4 =	vmul.f32 v5, v5;
	v5 =	vld [tilespmem:s26+$0xC040]  }
0x16a: {  	v52 =	vld [tilespmem:s21+$0x6450];
	v9 =	vmul.f32 v51, v51;
	v2 =	vadd.f32 v3, v2;
	v3 =	vmul.f32 v6, v51  }
0x16b: {  	v0 =	vadd.f32 v8, v0;
	v1 =	vadd.f32 v4, v1;
	v4 =	vmul.f32 v6, v6;
	v6 =	vld [tilespmem:s26+$0xC050]  }
0x16c: {  	v8 =	vmul.f32 v10, v10;
	v2 =	vadd.f32 v3, v2;
	v3 =	vmul.f32 v7, v10;
	v10 =	vld [tilespmem:s21+$0x6460]  }
0x16d: {  	v0 =	vadd.f32 v9, v0;
	v1 =	vadd.f32 v4, v1;
	v4 =	vmul.f32 v7, v7;
	v7 =	vld [tilespmem:s26+$0xC060]  }
0x16e: {  	v9 =	vmul.f32 v11, v11;
	v2 =	vadd.f32 v3, v2;
	v3 =	vmul.f32 v5, v11;
	v11 =	vld [tilespmem:s21+$0x6470]  }
0x16f: {  	v0 =	vadd.f32 v8, v0;
	v1 =	vadd.f32 v4, v1;
	v4 =	vmul.f32 v5, v5;
	v5 =	vld [tilespmem:s26+$0xC070]  }
0x170: {  	s28 =	sadd.s32 $0x6800, s21;
	v53 =	vld [tilespmem:s21+$0x6800];
	v8 =	vmul.f32 v52, v52;
	v2 =	vadd.f32 v3, v2;
	v3 =	vmul.f32 v6, v52  }
0x171: {  	v0 =	vadd.f32 v9, v0;
	v1 =	vadd.f32 v4, v1;
	v4 =	vmul.f32 v6, v6;
	v6 =	vld [tilespmem:s28+$0xC000]  }
0x172: {  	v9 =	vmul.f32 v10, v10;
	v2 =	vadd.f32 v3, v2;
	v3 =	vmul.f32 v7, v10;
	v10 =	vld [tilespmem:s21+$0x6810]  }
0x173: {  	v0 =	vadd.f32 v8, v0;
	v1 =	vadd.f32 v4, v1;
	v4 =	vmul.f32 v7, v7;
	v7 =	vld [tilespmem:s28+$0xC010]  }
0x174: {  	v8 =	vmul.f32 v11, v11;
	v2 =	vadd.f32 v3, v2;
	v3 =	vmul.f32 v5, v11;
	v11 =	vld [tilespmem:s21+$0x6820]  }
0x175: {  	v0 =	vadd.f32 v9, v0;
	v1 =	vadd.f32 v4, v1;
	v4 =	vmul.f32 v5, v5;
	v5 =	vld [tilespmem:s28+$0xC020]  }
0x176: {  	v54 =	vld [tilespmem:s21+$0x6830];
	v9 =	vmul.f32 v53, v53;
	v2 =	vadd.f32 v3, v2;
	v3 =	vmul.f32 v6, v53  }
0x177: {  	v0 =	vadd.f32 v8, v0;
	v1 =	vadd.f32 v4, v1;
	v4 =	vmul.f32 v6, v6;
	v6 =	vld [tilespmem:s28+$0xC030]  }
0x178: {  	v8 =	vmul.f32 v10, v10;
	v2 =	vadd.f32 v3, v2;
	v3 =	vmul.f32 v7, v10;
	v10 =	vld [tilespmem:s21+$0x6840]  }
0x179: {  	v0 =	vadd.f32 v9, v0;
	v1 =	vadd.f32 v4, v1;
	v4 =	vmul.f32 v7, v7;
	v7 =	vld [tilespmem:s28+$0xC040]  }
0x17a: {  	v9 =	vmul.f32 v11, v11;
	v2 =	vadd.f32 v3, v2;
	v3 =	vmul.f32 v5, v11;
	v11 =	vld [tilespmem:s21+$0x6850]  }
0x17b: {  	v0 =	vadd.f32 v8, v0;
	v1 =	vadd.f32 v4, v1;
	v4 =	vmul.f32 v5, v5;
	v5 =	vld [tilespmem:s28+$0xC050]  }
0x17c: {  	v55 =	vld [tilespmem:s21+$0x6860];
	v8 =	vmul.f32 v54, v54;
	v2 =	vadd.f32 v3, v2;
	v3 =	vmul.f32 v6, v54  }
0x17d: {  	v0 =	vadd.f32 v9, v0;
	v1 =	vadd.f32 v4, v1;
	v4 =	vmul.f32 v6, v6;
	v6 =	vld [tilespmem:s28+$0xC060]  }
0x17e: {  	v9 =	vmul.f32 v10, v10;
	v2 =	vadd.f32 v3, v2;
	v3 =	vmul.f32 v7, v10;
	v10 =	vld [tilespmem:s21+$0x6870]  }
0x17f: {  	v0 =	vadd.f32 v8, v0;
	v1 =	vadd.f32 v4, v1;
	v4 =	vmul.f32 v7, v7;
	v7 =	vld [tilespmem:s28+$0xC070]  }
0x180: {  	s29 =	sadd.s32 $0x6C00, s21;
	v8 =	vmul.f32 v11, v11;
	v2 =	vadd.f32 v3, v2;
	v3 =	vmul.f32 v5, v11;
	v11 =	vld [tilespmem:s21+$0x6C00]  }
0x181: {  	v0 =	vadd.f32 v9, v0;
	v1 =	vadd.f32 v4, v1;
	v4 =	vmul.f32 v5, v5;
	v5 =	vld [tilespmem:s29+$0xC000]  }
0x182: {  	v56 =	vld [tilespmem:s21+$0x6C10];
	v9 =	vmul.f32 v55, v55;
	v2 =	vadd.f32 v3, v2;
	v3 =	vmul.f32 v6, v55  }
0x183: {  	v0 =	vadd.f32 v8, v0;
	v1 =	vadd.f32 v4, v1;
	v4 =	vmul.f32 v6, v6;
	v6 =	vld [tilespmem:s29+$0xC010]  }
0x184: {  	v8 =	vmul.f32 v10, v10;
	v2 =	vadd.f32 v3, v2;
	v3 =	vmul.f32 v7, v10;
	v10 =	vld [tilespmem:s21+$0x6C20]  }
0x185: {  	v0 =	vadd.f32 v9, v0;
	v1 =	vadd.f32 v4, v1;
	v4 =	vmul.f32 v7, v7;
	v7 =	vld [tilespmem:s29+$0xC020]  }
0x186: {  	v9 =	vmul.f32 v11, v11;
	v2 =	vadd.f32 v3, v2;
	v3 =	vmul.f32 v5, v11;
	v11 =	vld [tilespmem:s21+$0x6C30]  }
0x187: {  	v0 =	vadd.f32 v8, v0;
	v1 =	vadd.f32 v4, v1;
	v4 =	vmul.f32 v5, v5;
	v5 =	vld [tilespmem:s29+$0xC030]  }
0x188: {  	v57 =	vld [tilespmem:s21+$0x6C40];
	v8 =	vmul.f32 v56, v56;
	v2 =	vadd.f32 v3, v2;
	v3 =	vmul.f32 v6, v56  }
0x189: {  	v0 =	vadd.f32 v9, v0;
	v1 =	vadd.f32 v4, v1;
	v4 =	vmul.f32 v6, v6;
	v6 =	vld [tilespmem:s29+$0xC040]  }
0x18a: {  	v9 =	vmul.f32 v10, v10;
	v2 =	vadd.f32 v3, v2;
	v3 =	vmul.f32 v7, v10;
	v10 =	vld [tilespmem:s21+$0x6C50]  }
0x18b: {  	v0 =	vadd.f32 v8, v0;
	v1 =	vadd.f32 v4, v1;
	v4 =	vmul.f32 v7, v7;
	v7 =	vld [tilespmem:s29+$0xC050]  }
0x18c: {  	v8 =	vmul.f32 v11, v11;
	v2 =	vadd.f32 v3, v2;
	v3 =	vmul.f32 v5, v11;
	v11 =	vld [tilespmem:s21+$0x6C60]  }
0x18d: {  	v0 =	vadd.f32 v9, v0;
	v1 =	vadd.f32 v4, v1;
	v4 =	vmul.f32 v5, v5;
	v5 =	vld [tilespmem:s29+$0xC060]  }
0x18e: {  	v58 =	vld [tilespmem:s21+$0x6C70];
	v9 =	vmul.f32 v57, v57;
	v2 =	vadd.f32 v3, v2;
	v3 =	vmul.f32 v6, v57  }
0x18f: {  	v0 =	vadd.f32 v8, v0;
	v1 =	vadd.f32 v4, v1;
	v4 =	vmul.f32 v6, v6;
	v6 =	vld [tilespmem:s29+$0xC070]  }
0x190: {  	s30 =	sadd.s32 $0x7000, s21;
	v8 =	vmul.f32 v10, v10;
	v2 =	vadd.f32 v3, v2;
	v3 =	vmul.f32 v7, v10;
	v10 =	vld [tilespmem:s21+$0x7000]  }
0x191: {  	v0 =	vadd.f32 v9, v0;
	v1 =	vadd.f32 v4, v1;
	v4 =	vmul.f32 v7, v7;
	v7 =	vld [tilespmem:s30+$0xC000]  }
0x192: {  	v9 =	vmul.f32 v11, v11;
	v2 =	vadd.f32 v3, v2;
	v3 =	vmul.f32 v5, v11;
	v11 =	vld [tilespmem:s21+$0x7010]  }
0x193: {  	v0 =	vadd.f32 v8, v0;
	v1 =	vadd.f32 v4, v1;
	v4 =	vmul.f32 v5, v5;
	v5 =	vld [tilespmem:s30+$0xC010]  }
0x194: {  	v59 =	vld [tilespmem:s21+$0x7020];
	v8 =	vmul.f32 v58, v58;
	v2 =	vadd.f32 v3, v2;
	v3 =	vmul.f32 v6, v58  }
0x195: {  	v0 =	vadd.f32 v9, v0;
	v1 =	vadd.f32 v4, v1;
	v4 =	vmul.f32 v6, v6;
	v6 =	vld [tilespmem:s30+$0xC020]  }
0x196: {  	v9 =	vmul.f32 v10, v10;
	v2 =	vadd.f32 v3, v2;
	v3 =	vmul.f32 v7, v10;
	v10 =	vld [tilespmem:s21+$0x7030]  }
0x197: {  	v0 =	vadd.f32 v8, v0;
	v1 =	vadd.f32 v4, v1;
	v4 =	vmul.f32 v7, v7;
	v7 =	vld [tilespmem:s30+$0xC030]  }
0x198: {  	v8 =	vmul.f32 v11, v11;
	v2 =	vadd.f32 v3, v2;
	v3 =	vmul.f32 v5, v11;
	v11 =	vld [tilespmem:s21+$0x7040]  }
0x199: {  	v0 =	vadd.f32 v9, v0;
	v1 =	vadd.f32 v4, v1;
	v4 =	vmul.f32 v5, v5;
	v5 =	vld [tilespmem:s30+$0xC040]  }
0x19a: {  	v60 =	vld [tilespmem:s21+$0x7050];
	v9 =	vmul.f32 v59, v59;
	v2 =	vadd.f32 v3, v2;
	v3 =	vmul.f32 v6, v59  }
0x19b: {  	v0 =	vadd.f32 v8, v0;
	v1 =	vadd.f32 v4, v1;
	v4 =	vmul.f32 v6, v6;
	v6 =	vld [tilespmem:s30+$0xC050]  }
0x19c: {  	v8 =	vmul.f32 v10, v10;
	v2 =	vadd.f32 v3, v2;
	v3 =	vmul.f32 v7, v10;
	v10 =	vld [tilespmem:s21+$0x7060]  }
0x19d: {  	v0 =	vadd.f32 v9, v0;
	v1 =	vadd.f32 v4, v1;
	v4 =	vmul.f32 v7, v7;
	v7 =	vld [tilespmem:s30+$0xC060]  }
0x19e: {  	v9 =	vmul.f32 v11, v11;
	v2 =	vadd.f32 v3, v2;
	v3 =	vmul.f32 v5, v11;
	v11 =	vld [tilespmem:s21+$0x7070]  }
0x19f: {  	v0 =	vadd.f32 v8, v0;
	v1 =	vadd.f32 v4, v1;
	v4 =	vmul.f32 v5, v5;
	v5 =	vld [tilespmem:s30+$0xC070]  }
0x1a0: {  	s24 =	sadd.s32 $0x7400, s21;
	v61 =	vld [tilespmem:s21+$0x7400];
	v8 =	vmul.f32 v60, v60;
	v2 =	vadd.f32 v3, v2;
	v3 =	vmul.f32 v6, v60  }
0x1a1: {  	v0 =	vadd.f32 v9, v0;
	v1 =	vadd.f32 v4, v1;
	v4 =	vmul.f32 v6, v6;
	v6 =	vld [tilespmem:s24+$0xC000]  }
0x1a2: {  	v9 =	vmul.f32 v10, v10;
	v2 =	vadd.f32 v3, v2;
	v3 =	vmul.f32 v7, v10;
	v10 =	vld [tilespmem:s21+$0x7410]  }
0x1a3: {  	v0 =	vadd.f32 v8, v0;
	v1 =	vadd.f32 v4, v1;
	v4 =	vmul.f32 v7, v7;
	v7 =	vld [tilespmem:s24+$0xC010]  }
0x1a4: {  	v8 =	vmul.f32 v11, v11;
	v2 =	vadd.f32 v3, v2;
	v3 =	vmul.f32 v5, v11;
	v11 =	vld [tilespmem:s21+$0x7420]  }
0x1a5: {  	v0 =	vadd.f32 v9, v0;
	v1 =	vadd.f32 v4, v1;
	v4 =	vmul.f32 v5, v5;
	v5 =	vld [tilespmem:s24+$0xC020]  }
0x1a6: {  	v62 =	vld [tilespmem:s21+$0x7430];
	v9 =	vmul.f32 v61, v61;
	v2 =	vadd.f32 v3, v2;
	v3 =	vmul.f32 v6, v61  }
0x1a7: {  	v63 =	vld [tilespmem:s24+$0xC030];
	v0 =	vadd.f32 v8, v0;
	v1 =	vadd.f32 v4, v1;
	v6 =	vmul.f32 v6, v6  }
0x1a8: {  	v4 =	vld [tilespmem:s21+$0x7440];
	v8 =	vmul.f32 v7, v10;
	v10 =	vmul.f32 v10, v10;
	v2 =	vadd.f32 v3, v2  }
0x1a9: {  	v9 =	vadd.f32 v9, v0;
	v1 =	vadd.f32 v6, v1;
	v6 =	vmul.f32 v7, v7;
	v3 =	vld [tilespmem:s24+$0xC040]  }
0x1aa: {  	v0 =	vld [tilespmem:s21+$0x7450];
	v7 =	vmul.f32 v5, v11;
	v11 =	vmul.f32 v11, v11;
	v2 =	vadd.f32 v8, v2  }
0x1ab: {  	v5 =	vmul.f32 v5, v5;
	v9 =	vadd.f32 v10, v9;
	v10 =	vadd.f32 v6, v1;
	v1 =	vld [tilespmem:s24+$0xC050]  }
0x1ac: {  	s31 =	simm.s32 $0x0;
	v8 =	vmul.f32 v63, v62;
	v6 =	vmul.f32 v62, v62;
	v7 =	vadd.f32 v7, v2;
	v2 =	vld [tilespmem:s21+$0x7460]  }
0x1ad: {  	s23 =	simm.s32 $0x80;
	s25 =	smul.u32 $0x1800, s31;
	s22 =	simm.s32 $0x2;
	v9 =	vadd.f32 v11, v9;
	v10 =	vadd.f32 v5, v10;
	v11 =	vmul.f32 v63, v63;
	v5 =	vld [tilespmem:s24+$0xC060]  }
.LBB2_5:
0x1ae: {  	p1 =	sne.s32 s22, $0x1F;
	s26 =	sand.u32 $0x380, s23;
	v7 =	vadd.f32 v8, v7;
	v8 =	vmul.f32 v3, v4;
	v4 =	vmul.f32 v4, v4;
	v12 =	vld [tilespmem:s21+$0x7470]  }
0x1af: {  	v3 =	vmul.f32 v3, v3;
	s21 =	sor.u32 s26, s25;
	v6 =	vadd.f32 v6, v9;
	v9 =	vadd.f32 v11, v10;
	v10 =	vld [tilespmem:s24+$0xC070]  }
0x1b0: {  	s24 =	sadd.s32 $0x6000, s21;
	v11 =	vld [tilespmem:s21+$0x6000];
	v7 =	vadd.f32 v8, v7;
	v8 =	vmul.f32 v1, v0;
	v0 =	vmul.f32 v0, v0  }
0x1b1: {  	v1 =	vmul.f32 v1, v1;
	v13 =	vld [tilespmem:s24+$0xC000];
	v4 =	vadd.f32 v4, v6;
	v3 =	vadd.f32 v3, v9  }
0x1b2: {  	v6 =	vld [tilespmem:s21+$0x6010];
	v7 =	vadd.f32 v8, v7;
	v8 =	vmul.f32 v5, v2;
	v2 =	vmul.f32 v2, v2  }
0x1b3: {  	v9 =	vld [tilespmem:s24+$0xC010];
	v0 =	vadd.f32 v0, v4;
	v1 =	vadd.f32 v1, v3;
	v3 =	vmul.f32 v5, v5  }
0x1b4: {  	v4 =	vld [tilespmem:s21+$0x6020];
	v5 =	vadd.f32 v8, v7;
	v7 =	vmul.f32 v10, v12;
	v8 =	vmul.f32 v12, v12  }
0x1b5: {  	v12 =	vld [tilespmem:s24+$0xC020];
	v0 =	vadd.f32 v2, v0;
	v1 =	vadd.f32 v3, v1;
	v2 =	vmul.f32 v10, v10  }
0x1b6: {  	v10 =	vmul.f32 v11, v11;
	v3 =	vmul.f32 v13, v11;
	v11 =	vld [tilespmem:s21+$0x6030];
	v5 =	vadd.f32 v7, v5  }
0x1b7: {  	v7 =	vmul.f32 v13, v13;
	v13 =	vld [tilespmem:s24+$0xC030];
	v0 =	vadd.f32 v8, v0;
	v1 =	vadd.f32 v2, v1  }
0x1b8: {  	v2 =	vadd.f32 v3, v5;
	v3 =	vmul.f32 v9, v6;
	v5 =	vmul.f32 v6, v6;
	v6 =	vld [tilespmem:s21+$0x6040]  }
0x1b9: {  	v0 =	vadd.f32 v10, v0;
	v1 =	vadd.f32 v7, v1;
	v7 =	vmul.f32 v9, v9;
	v8 =	vld [tilespmem:s24+$0xC040]  }
0x1ba: {  	v2 =	vadd.f32 v3, v2;
	v3 =	vmul.f32 v12, v4;
	v4 =	vmul.f32 v4, v4;
	v9 =	vld [tilespmem:s21+$0x6050]  }
0x1bb: {  	v0 =	vadd.f32 v5, v0;
	v1 =	vadd.f32 v7, v1;
	v5 =	vmul.f32 v12, v12;
	v7 =	vld [tilespmem:s24+$0xC050]  }
0x1bc: {  	v10 =	vmul.f32 v11, v11;
	v2 =	vadd.f32 v3, v2;
	v3 =	vmul.f32 v13, v11;
	v11 =	vld [tilespmem:s21+$0x6060]  }
0x1bd: {  	v0 =	vadd.f32 v4, v0;
	v1 =	vadd.f32 v5, v1;
	v4 =	vmul.f32 v13, v13;
	v5 =	vld [tilespmem:s24+$0xC060]  }
0x1be: {  	v2 =	vadd.f32 v3, v2;
	v3 =	vmul.f32 v8, v6;
	v6 =	vmul.f32 v6, v6;
	v12 =	vld [tilespmem:s21+$0x6070]  }
0x1bf: {  	v0 =	vadd.f32 v10, v0;
	v1 =	vadd.f32 v4, v1;
	v4 =	vmul.f32 v8, v8;
	v8 =	vld [tilespmem:s24+$0xC070]  }
0x1c0: {  	s24 =	sadd.s32 $0x6400, s21;
	v2 =	vadd.f32 v3, v2;
	v3 =	vmul.f32 v7, v9;
	v9 =	vmul.f32 v9, v9;
	v10 =	vld [tilespmem:s21+$0x6400]  }
0x1c1: {  	v0 =	vadd.f32 v6, v0;
	v1 =	vadd.f32 v4, v1;
	v4 =	vmul.f32 v7, v7;
	v6 =	vld [tilespmem:s24+$0xC000]  }
0x1c2: {  	v7 =	vmul.f32 v11, v11;
	v2 =	vadd.f32 v3, v2;
	v3 =	vmul.f32 v5, v11;
	v11 =	vld [tilespmem:s21+$0x6410]  }
0x1c3: {  	v0 =	vadd.f32 v9, v0;
	v1 =	vadd.f32 v4, v1;
	v4 =	vmul.f32 v5, v5;
	v5 =	vld [tilespmem:s24+$0xC010]  }
0x1c4: {  	v9 =	vmul.f32 v12, v12;
	v2 =	vadd.f32 v3, v2;
	v3 =	vmul.f32 v8, v12;
	v12 =	vld [tilespmem:s21+$0x6420]  }
0x1c5: {  	v0 =	vadd.f32 v7, v0;
	v1 =	vadd.f32 v4, v1;
	v4 =	vmul.f32 v8, v8;
	v7 =	vld [tilespmem:s24+$0xC020]  }
0x1c6: {  	v8 =	vmul.f32 v10, v10;
	v2 =	vadd.f32 v3, v2;
	v3 =	vmul.f32 v6, v10;
	v10 =	vld [tilespmem:s21+$0x6430]  }
0x1c7: {  	v0 =	vadd.f32 v9, v0;
	v1 =	vadd.f32 v4, v1;
	v4 =	vmul.f32 v6, v6;
	v6 =	vld [tilespmem:s24+$0xC030]  }
0x1c8: {  	v9 =	vmul.f32 v11, v11;
	v2 =	vadd.f32 v3, v2;
	v3 =	vmul.f32 v5, v11;
	v11 =	vld [tilespmem:s21+$0x6440]  }
0x1c9: {  	v0 =	vadd.f32 v8, v0;
	v1 =	vadd.f32 v4, v1;
	v4 =	vmul.f32 v5, v5;
	v5 =	vld [tilespmem:s24+$0xC040]  }
0x1ca: {  	v8 =	vmul.f32 v12, v12;
	v2 =	vadd.f32 v3, v2;
	v3 =	vmul.f32 v7, v12;
	v12 =	vld [tilespmem:s21+$0x6450]  }
0x1cb: {  	v0 =	vadd.f32 v9, v0;
	v1 =	vadd.f32 v4, v1;
	v4 =	vmul.f32 v7, v7;
	v7 =	vld [tilespmem:s24+$0xC050]  }
0x1cc: {  	v9 =	vmul.f32 v10, v10;
	v2 =	vadd.f32 v3, v2;
	v3 =	vmul.f32 v6, v10;
	v10 =	vld [tilespmem:s21+$0x6460]  }
0x1cd: {  	v0 =	vadd.f32 v8, v0;
	v1 =	vadd.f32 v4, v1;
	v4 =	vmul.f32 v6, v6;
	v6 =	vld [tilespmem:s24+$0xC060]  }
0x1ce: {  	v8 =	vmul.f32 v11, v11;
	v2 =	vadd.f32 v3, v2;
	v3 =	vmul.f32 v5, v11;
	v11 =	vld [tilespmem:s21+$0x6470]  }
0x1cf: {  	v0 =	vadd.f32 v9, v0;
	v1 =	vadd.f32 v4, v1;
	v4 =	vmul.f32 v5, v5;
	v5 =	vld [tilespmem:s24+$0xC070]  }
0x1d0: {  	v9 =	vmul.f32 v12, v12;
	s24 =	sadd.s32 $0x6800, s21;
	v2 =	vadd.f32 v3, v2;
	v3 =	vmul.f32 v7, v12;
	v12 =	vld [tilespmem:s21+$0x6800]  }
0x1d1: {  	v0 =	vadd.f32 v8, v0;
	v1 =	vadd.f32 v4, v1;
	v4 =	vmul.f32 v7, v7;
	v7 =	vld [tilespmem:s24+$0xC000]  }
0x1d2: {  	v8 =	vmul.f32 v10, v10;
	v2 =	vadd.f32 v3, v2;
	v3 =	vmul.f32 v6, v10;
	v10 =	vld [tilespmem:s21+$0x6810]  }
0x1d3: {  	v0 =	vadd.f32 v9, v0;
	v1 =	vadd.f32 v4, v1;
	v4 =	vmul.f32 v6, v6;
	v6 =	vld [tilespmem:s24+$0xC010]  }
0x1d4: {  	v9 =	vmul.f32 v11, v11;
	v2 =	vadd.f32 v3, v2;
	v3 =	vmul.f32 v5, v11;
	v11 =	vld [tilespmem:s21+$0x6820]  }
0x1d5: {  	v0 =	vadd.f32 v8, v0;
	v1 =	vadd.f32 v4, v1;
	v4 =	vmul.f32 v5, v5;
	v5 =	vld [tilespmem:s24+$0xC020]  }
0x1d6: {  	v8 =	vmul.f32 v12, v12;
	v2 =	vadd.f32 v3, v2;
	v3 =	vmul.f32 v7, v12;
	v12 =	vld [tilespmem:s21+$0x6830]  }
0x1d7: {  	v0 =	vadd.f32 v9, v0;
	v1 =	vadd.f32 v4, v1;
	v4 =	vmul.f32 v7, v7;
	v7 =	vld [tilespmem:s24+$0xC030]  }
0x1d8: {  	v9 =	vmul.f32 v10, v10;
	v2 =	vadd.f32 v3, v2;
	v3 =	vmul.f32 v6, v10;
	v10 =	vld [tilespmem:s21+$0x6840]  }
0x1d9: {  	v0 =	vadd.f32 v8, v0;
	v1 =	vadd.f32 v4, v1;
	v4 =	vmul.f32 v6, v6;
	v6 =	vld [tilespmem:s24+$0xC040]  }
0x1da: {  	v8 =	vmul.f32 v11, v11;
	v2 =	vadd.f32 v3, v2;
	v3 =	vmul.f32 v5, v11;
	v11 =	vld [tilespmem:s21+$0x6850]  }
0x1db: {  	v0 =	vadd.f32 v9, v0;
	v1 =	vadd.f32 v4, v1;
	v4 =	vmul.f32 v5, v5;
	v5 =	vld [tilespmem:s24+$0xC050]  }
0x1dc: {  	v9 =	vmul.f32 v12, v12;
	v2 =	vadd.f32 v3, v2;
	v3 =	vmul.f32 v7, v12;
	v12 =	vld [tilespmem:s21+$0x6860]  }
0x1dd: {  	v0 =	vadd.f32 v8, v0;
	v1 =	vadd.f32 v4, v1;
	v4 =	vmul.f32 v7, v7;
	v7 =	vld [tilespmem:s24+$0xC060]  }
0x1de: {  	v8 =	vmul.f32 v10, v10;
	v2 =	vadd.f32 v3, v2;
	v3 =	vmul.f32 v6, v10;
	v10 =	vld [tilespmem:s21+$0x6870]  }
0x1df: {  	v0 =	vadd.f32 v9, v0;
	v1 =	vadd.f32 v4, v1;
	v4 =	vmul.f32 v6, v6;
	v6 =	vld [tilespmem:s24+$0xC070]  }
0x1e0: {  	v9 =	vmul.f32 v11, v11;
	s24 =	sadd.s32 $0x6C00, s21;
	v2 =	vadd.f32 v3, v2;
	v3 =	vmul.f32 v5, v11;
	v11 =	vld [tilespmem:s21+$0x6C00]  }
0x1e1: {  	v0 =	vadd.f32 v8, v0;
	v1 =	vadd.f32 v4, v1;
	v4 =	vmul.f32 v5, v5;
	v5 =	vld [tilespmem:s24+$0xC000]  }
0x1e2: {  	v8 =	vmul.f32 v12, v12;
	v2 =	vadd.f32 v3, v2;
	v3 =	vmul.f32 v7, v12;
	v12 =	vld [tilespmem:s21+$0x6C10]  }
0x1e3: {  	v0 =	vadd.f32 v9, v0;
	v1 =	vadd.f32 v4, v1;
	v4 =	vmul.f32 v7, v7;
	v7 =	vld [tilespmem:s24+$0xC010]  }
0x1e4: {  	v9 =	vmul.f32 v10, v10;
	v2 =	vadd.f32 v3, v2;
	v3 =	vmul.f32 v6, v10;
	v10 =	vld [tilespmem:s21+$0x6C20]  }
0x1e5: {  	v0 =	vadd.f32 v8, v0;
	v1 =	vadd.f32 v4, v1;
	v4 =	vmul.f32 v6, v6;
	v6 =	vld [tilespmem:s24+$0xC020]  }
0x1e6: {  	v8 =	vmul.f32 v11, v11;
	v2 =	vadd.f32 v3, v2;
	v3 =	vmul.f32 v5, v11;
	v11 =	vld [tilespmem:s21+$0x6C30]  }
0x1e7: {  	v0 =	vadd.f32 v9, v0;
	v1 =	vadd.f32 v4, v1;
	v4 =	vmul.f32 v5, v5;
	v5 =	vld [tilespmem:s24+$0xC030]  }
0x1e8: {  	v9 =	vmul.f32 v12, v12;
	v2 =	vadd.f32 v3, v2;
	v3 =	vmul.f32 v7, v12;
	v12 =	vld [tilespmem:s21+$0x6C40]  }
0x1e9: {  	v0 =	vadd.f32 v8, v0;
	v1 =	vadd.f32 v4, v1;
	v4 =	vmul.f32 v7, v7;
	v7 =	vld [tilespmem:s24+$0xC040]  }
0x1ea: {  	v8 =	vmul.f32 v10, v10;
	v2 =	vadd.f32 v3, v2;
	v3 =	vmul.f32 v6, v10;
	v10 =	vld [tilespmem:s21+$0x6C50]  }
0x1eb: {  	v0 =	vadd.f32 v9, v0;
	v1 =	vadd.f32 v4, v1;
	v4 =	vmul.f32 v6, v6;
	v6 =	vld [tilespmem:s24+$0xC050]  }
0x1ec: {  	v9 =	vmul.f32 v11, v11;
	v2 =	vadd.f32 v3, v2;
	v3 =	vmul.f32 v5, v11;
	v11 =	vld [tilespmem:s21+$0x6C60]  }
0x1ed: {  	v0 =	vadd.f32 v8, v0;
	v1 =	vadd.f32 v4, v1;
	v4 =	vmul.f32 v5, v5;
	v5 =	vld [tilespmem:s24+$0xC060]  }
0x1ee: {  	v8 =	vmul.f32 v12, v12;
	v2 =	vadd.f32 v3, v2;
	v3 =	vmul.f32 v7, v12;
	v12 =	vld [tilespmem:s21+$0x6C70]  }
0x1ef: {  	v0 =	vadd.f32 v9, v0;
	v1 =	vadd.f32 v4, v1;
	v4 =	vmul.f32 v7, v7;
	v7 =	vld [tilespmem:s24+$0xC070]  }
0x1f0: {  	v9 =	vmul.f32 v10, v10;
	s24 =	sadd.s32 $0x7000, s21;
	v2 =	vadd.f32 v3, v2;
	v3 =	vmul.f32 v6, v10;
	v10 =	vld [tilespmem:s21+$0x7000]  }
0x1f1: {  	v0 =	vadd.f32 v8, v0;
	v1 =	vadd.f32 v4, v1;
	v4 =	vmul.f32 v6, v6;
	v6 =	vld [tilespmem:s24+$0xC000]  }
0x1f2: {  	v8 =	vmul.f32 v11, v11;
	v2 =	vadd.f32 v3, v2;
	v3 =	vmul.f32 v5, v11;
	v11 =	vld [tilespmem:s21+$0x7010]  }
0x1f3: {  	v0 =	vadd.f32 v9, v0;
	v1 =	vadd.f32 v4, v1;
	v4 =	vmul.f32 v5, v5;
	v5 =	vld [tilespmem:s24+$0xC010]  }
0x1f4: {  	v9 =	vmul.f32 v12, v12;
	v2 =	vadd.f32 v3, v2;
	v3 =	vmul.f32 v7, v12;
	v12 =	vld [tilespmem:s21+$0x7020]  }
0x1f5: {  	v0 =	vadd.f32 v8, v0;
	v1 =	vadd.f32 v4, v1;
	v4 =	vmul.f32 v7, v7;
	v7 =	vld [tilespmem:s24+$0xC020]  }
0x1f6: {  	v8 =	vmul.f32 v10, v10;
	v2 =	vadd.f32 v3, v2;
	v3 =	vmul.f32 v6, v10;
	v10 =	vld [tilespmem:s21+$0x7030]  }
0x1f7: {  	v0 =	vadd.f32 v9, v0;
	v1 =	vadd.f32 v4, v1;
	v4 =	vmul.f32 v6, v6;
	v6 =	vld [tilespmem:s24+$0xC030]  }
0x1f8: {  	v9 =	vmul.f32 v11, v11;
	v2 =	vadd.f32 v3, v2;
	v3 =	vmul.f32 v5, v11;
	v11 =	vld [tilespmem:s21+$0x7040]  }
0x1f9: {  	v0 =	vadd.f32 v8, v0;
	v1 =	vadd.f32 v4, v1;
	v4 =	vmul.f32 v5, v5;
	v5 =	vld [tilespmem:s24+$0xC040]  }
0x1fa: {  	v8 =	vmul.f32 v12, v12;
	v2 =	vadd.f32 v3, v2;
	v3 =	vmul.f32 v7, v12;
	v12 =	vld [tilespmem:s21+$0x7050]  }
0x1fb: {  	v0 =	vadd.f32 v9, v0;
	v1 =	vadd.f32 v4, v1;
	v4 =	vmul.f32 v7, v7;
	v7 =	vld [tilespmem:s24+$0xC050]  }
0x1fc: {  	v9 =	vmul.f32 v10, v10;
	v2 =	vadd.f32 v3, v2;
	v3 =	vmul.f32 v6, v10;
	v10 =	vld [tilespmem:s21+$0x7060]  }
0x1fd: {  	v0 =	vadd.f32 v8, v0;
	v1 =	vadd.f32 v4, v1;
	v4 =	vmul.f32 v6, v6;
	v6 =	vld [tilespmem:s24+$0xC060]  }
0x1fe: {  	v8 =	vmul.f32 v11, v11;
	v2 =	vadd.f32 v3, v2;
	v3 =	vmul.f32 v5, v11;
	v11 =	vld [tilespmem:s21+$0x7070]  }
0x1ff: {  	v0 =	vadd.f32 v9, v0;
	v1 =	vadd.f32 v4, v1;
	v4 =	vmul.f32 v5, v5;
	v5 =	vld [tilespmem:s24+$0xC070]  }
0x200: {  	v9 =	vmul.f32 v12, v12;
	s24 =	sadd.s32 $0x7400, s21;
	v2 =	vadd.f32 v3, v2;
	v3 =	vmul.f32 v7, v12;
	v12 =	vld [tilespmem:s21+$0x7400]  }
0x201: {  	v0 =	vadd.f32 v8, v0;
	v1 =	vadd.f32 v4, v1;
	v4 =	vmul.f32 v7, v7;
	v7 =	vld [tilespmem:s24+$0xC000]  }
0x202: {  	v8 =	vmul.f32 v10, v10;
	v2 =	vadd.f32 v3, v2;
	v3 =	vmul.f32 v6, v10;
	v10 =	vld [tilespmem:s21+$0x7410]  }
0x203: {  	v0 =	vadd.f32 v9, v0;
	v1 =	vadd.f32 v4, v1;
	v4 =	vmul.f32 v6, v6;
	v6 =	vld [tilespmem:s24+$0xC010]  }
0x204: {  	v9 =	vmul.f32 v11, v11;
	v2 =	vadd.f32 v3, v2;
	v3 =	vmul.f32 v5, v11;
	v11 =	vld [tilespmem:s21+$0x7420]  }
0x205: {  	v0 =	vadd.f32 v8, v0;
	v1 =	vadd.f32 v4, v1;
	v4 =	vmul.f32 v5, v5;
	v5 =	vld [tilespmem:s24+$0xC020]  }
0x206: {  	v8 =	vmul.f32 v12, v12;
	v2 =	vadd.f32 v3, v2;
	v3 =	vmul.f32 v7, v12;
	v12 =	vld [tilespmem:s21+$0x7430]  }
0x207: {  	v7 =	vmul.f32 v7, v7;
	v0 =	vadd.f32 v9, v0;
	v1 =	vadd.f32 v4, v1;
	v13 =	vld [tilespmem:s24+$0xC030]  }
0x208: {  	v2 =	vadd.f32 v3, v2;
	v9 =	vmul.f32 v6, v10;
	v10 =	vmul.f32 v10, v10;
	v4 =	vld [tilespmem:s21+$0x7440]  }
.Ltmp3:
0x209: {  	v6 =	vmul.f32 v6, v6;
	v8 =	vadd.f32 v8, v0;
	v1 =	vadd.f32 v7, v1;
	v3 =	vld [tilespmem:s24+$0xC040];
	(pc) =	sbr.rel @p1 .LBB2_5-.Ltmp3, $4  }
0x20a: {  	v2 =	vadd.f32 v9, v2;
	v7 =	vmul.f32 v5, v11;
	v9 =	vmul.f32 v11, v11;
	v0 =	vld [tilespmem:s21+$0x7450]  }
0x20b: {  	v5 =	vmul.f32 v5, v5;
	v10 =	vadd.f32 v10, v8;
	v11 =	vadd.f32 v6, v1;
	v1 =	vld [tilespmem:s24+$0xC050]  }
0x20c: {  	s25 =	sshrl.u32 s22, $0x3;
	v6 =	vmul.f32 v12, v12;
	v7 =	vadd.f32 v7, v2;
	v8 =	vmul.f32 v13, v12;
	v2 =	vld [tilespmem:s21+$0x7460]  }
0x20d: {  	s23 =	sadd.s32 $0x80, s23;
	s22 =	sadd.s32 $0x1, s22;
	s25 =	smul.u32 $0x1800, s25;
	v9 =	vadd.f32 v9, v10;
	v10 =	vadd.f32 v5, v11;
	v11 =	vmul.f32 v13, v13;
	v5 =	vld [tilespmem:s24+$0xC060]  }
0x20e: {  	s22 =	sand.u32 $0x380, s23;
	v7 =	vadd.f32 v8, v7;
	v59 =	vmul.f32 v3, v4;
	v60 =	vmul.f32 v4, v4;
	v12 =	vld [tilespmem:s21+$0x7470]  }
0x20f: {  	v3 =	vmul.f32 v3, v3;
	v62 =	vld [tilespmem:s24+$0xC070];
	s25 =	sor.u32 s22, s25;
	v6 =	vadd.f32 v6, v9;
	v61 =	vadd.f32 v11, v10  }
0x210: {  	s22 =	sadd.s32 $0x6000, s25;
	v63 =	vld [tilespmem:s25+$0x6000];
	v7 =	vadd.f32 v59, v7;
	v16 =	vmul.f32 v1, v0;
	v0 =	vmul.f32 v0, v0  }
0x211: {  	v1 =	vmul.f32 v1, v1;
	v13 =	vld [tilespmem:s22+$0xC000];
	v4 =	vadd.f32 v60, v6;
	v3 =	vadd.f32 v3, v61  }
0x212: {  	v17 =	vld [tilespmem:s25+$0x6010];
	v7 =	vadd.f32 v16, v7;
	v18 =	vmul.f32 v5, v2;
	v2 =	vmul.f32 v2, v2  }
0x213: {  	v19 =	vld [tilespmem:s22+$0xC010];
	v0 =	vadd.f32 v0, v4;
	v1 =	vadd.f32 v1, v3;
	v3 =	vmul.f32 v5, v5  }
0x214: {  	v20 =	vld [tilespmem:s25+$0x6020];
	v22 =	vmul.f32 v62, v12;
	v23 =	vmul.f32 v12, v12;
	v21 =	vadd.f32 v18, v7  }
0x215: {  	v24 =	vld [tilespmem:s22+$0xC020];
	v0 =	vadd.f32 v2, v0;
	v1 =	vadd.f32 v3, v1;
	v2 =	vmul.f32 v62, v62  }
0x216: {  	v26 =	vld [tilespmem:s25+$0x6030];
	v25 =	vmul.f32 v63, v63;
	v3 =	vmul.f32 v13, v63;
	v5 =	vadd.f32 v22, v21  }
0x217: {  	v28 =	vld [tilespmem:s22+$0xC030];
	v27 =	vmul.f32 v13, v13;
	v0 =	vadd.f32 v23, v0;
	v1 =	vadd.f32 v2, v1  }
0x218: {  	v30 =	vld [tilespmem:s25+$0x6040];
	v29 =	vmul.f32 v17, v17;
	v2 =	vadd.f32 v3, v5;
	v3 =	vmul.f32 v19, v17  }
0x219: {  	v32 =	vld [tilespmem:s22+$0xC040];
	v31 =	vmul.f32 v19, v19;
	v0 =	vadd.f32 v25, v0;
	v1 =	vadd.f32 v27, v1  }
0x21a: {  	v33 =	vld [tilespmem:s25+$0x6050];
	v4 =	vmul.f32 v20, v20;
	v2 =	vadd.f32 v3, v2;
	v3 =	vmul.f32 v24, v20  }
0x21b: {  	v35 =	vld [tilespmem:s22+$0xC050];
	v34 =	vmul.f32 v24, v24;
	v0 =	vadd.f32 v29, v0;
	v1 =	vadd.f32 v31, v1  }
0x21c: {  	v37 =	vld [tilespmem:s25+$0x6060];
	v36 =	vmul.f32 v26, v26;
	v2 =	vadd.f32 v3, v2;
	v3 =	vmul.f32 v28, v26  }
0x21d: {  	v39 =	vld [tilespmem:s22+$0xC060];
	v38 =	vmul.f32 v28, v28;
	v0 =	vadd.f32 v4, v0;
	v1 =	vadd.f32 v34, v1  }
0x21e: {  	v40 =	vld [tilespmem:s25+$0x6070];
	v6 =	vmul.f32 v30, v30;
	v2 =	vadd.f32 v3, v2;
	v3 =	vmul.f32 v32, v30  }
0x21f: {  	v42 =	vld [tilespmem:s22+$0xC070];
	v41 =	vmul.f32 v32, v32;
	v0 =	vadd.f32 v36, v0;
	v1 =	vadd.f32 v38, v1  }
0x220: {  	s26 =	sadd.s32 $0x6400, s25;
	v43 =	vld [tilespmem:s25+$0x6400];
	v9 =	vmul.f32 v33, v33;
	v2 =	vadd.f32 v3, v2;
	v3 =	vmul.f32 v35, v33  }
0x221: {  	v45 =	vld [tilespmem:s26+$0xC000];
	v44 =	vmul.f32 v35, v35;
	v0 =	vadd.f32 v6, v0;
	v1 =	vadd.f32 v41, v1  }
0x222: {  	v47 =	vld [tilespmem:s25+$0x6410];
	v46 =	vmul.f32 v37, v37;
	v2 =	vadd.f32 v3, v2;
	v3 =	vmul.f32 v39, v37  }
0x223: {  	v49 =	vld [tilespmem:s26+$0xC010];
	v48 =	vmul.f32 v39, v39;
	v0 =	vadd.f32 v9, v0;
	v1 =	vadd.f32 v44, v1  }
0x224: {  	v51 =	vld [tilespmem:s25+$0x6420];
	v50 =	vmul.f32 v40, v40;
	v2 =	vadd.f32 v3, v2;
	v3 =	vmul.f32 v42, v40  }
0x225: {  	v53 =	vld [tilespmem:s26+$0xC020];
	v52 =	vmul.f32 v42, v42;
	v0 =	vadd.f32 v46, v0;
	v1 =	vadd.f32 v48, v1  }
0x226: {  	v55 =	vld [tilespmem:s25+$0x6430];
	v54 =	vmul.f32 v43, v43;
	v2 =	vadd.f32 v3, v2;
	v3 =	vmul.f32 v45, v43  }
0x227: {  	v57 =	vld [tilespmem:s26+$0xC030];
	v56 =	vmul.f32 v45, v45;
	v0 =	vadd.f32 v50, v0;
	v1 =	vadd.f32 v52, v1  }
0x228: {  	v59 =	vld [tilespmem:s25+$0x6440];
	v58 =	vmul.f32 v47, v47;
	v2 =	vadd.f32 v3, v2;
	v3 =	vmul.f32 v49, v47  }
0x229: {  	v61 =	vld [tilespmem:s26+$0xC040];
	v60 =	vmul.f32 v49, v49;
	v0 =	vadd.f32 v54, v0;
	v1 =	vadd.f32 v56, v1  }
0x22a: {  	v62 =	vmul.f32 v51, v51;
	v63 =	vld [tilespmem:s25+$0x6450];
	v2 =	vadd.f32 v3, v2;
	v3 =	vmul.f32 v53, v51  }
0x22b: {  	v16 =	vmul.f32 v53, v53;
	v17 =	vld [tilespmem:s26+$0xC050];
	v0 =	vadd.f32 v58, v0;
	v1 =	vadd.f32 v60, v1  }
0x22c: {  	v18 =	vmul.f32 v55, v55;
	v21 =	vld [tilespmem:s26+$0xC060];
	v2 =	vadd.f32 v3, v2;
	v3 =	vmul.f32 v57, v55  }
0x22d: {  	v19 =	vld [tilespmem:s25+$0x6460];
	v20 =	vmul.f32 v57, v57;
	v0 =	vadd.f32 v62, v0;
	v1 =	vadd.f32 v16, v1  }
0x22e: {  	v22 =	vmul.f32 v59, v59;
	v23 =	vld [tilespmem:s25+$0x6470];
	v2 =	vadd.f32 v3, v2;
	v3 =	vmul.f32 v61, v59  }
0x22f: {  	v25 =	vld [tilespmem:s26+$0xC070];
	v24 =	vmul.f32 v61, v61;
	v0 =	vadd.f32 v18, v0;
	v1 =	vadd.f32 v20, v1  }
0x230: {  	s28 =	sadd.s32 $0x6800, s25;
	v27 =	vld [tilespmem:s25+$0x6800];
	v26 =	vmul.f32 v63, v63;
	v2 =	vadd.f32 v3, v2;
	v3 =	vmul.f32 v17, v63  }
0x231: {  	v29 =	vld [tilespmem:s28+$0xC000];
	v28 =	vmul.f32 v17, v17;
	v0 =	vadd.f32 v22, v0;
	v1 =	vadd.f32 v24, v1  }
0x232: {  	v31 =	vld [tilespmem:s25+$0x6810];
	v30 =	vmul.f32 v19, v19;
	v2 =	vadd.f32 v3, v2;
	v3 =	vmul.f32 v21, v19  }
0x233: {  	v32 =	vmul.f32 v21, v21;
	v33 =	vld [tilespmem:s28+$0xC010];
	v0 =	vadd.f32 v26, v0;
	v1 =	vadd.f32 v28, v1  }
0x234: {  	v34 =	vmul.f32 v23, v23;
	v35 =	vld [tilespmem:s25+$0x6820];
	v2 =	vadd.f32 v3, v2;
	v3 =	vmul.f32 v25, v23  }
0x235: {  	v36 =	vmul.f32 v25, v25;
	v37 =	vld [tilespmem:s28+$0xC020];
	v0 =	vadd.f32 v30, v0;
	v1 =	vadd.f32 v32, v1  }
0x236: {  	v38 =	vmul.f32 v27, v27;
	v41 =	vld [tilespmem:s28+$0xC030];
	v2 =	vadd.f32 v3, v2;
	v3 =	vmul.f32 v29, v27  }
0x237: {  	v39 =	vld [tilespmem:s25+$0x6830];
	v40 =	vmul.f32 v29, v29;
	v0 =	vadd.f32 v34, v0;
	v1 =	vadd.f32 v36, v1  }
0x238: {  	v42 =	vmul.f32 v31, v31;
	v43 =	vld [tilespmem:s25+$0x6840];
	v2 =	vadd.f32 v3, v2;
	v3 =	vmul.f32 v33, v31  }
0x239: {  	v44 =	vmul.f32 v33, v33;
	v45 =	vld [tilespmem:s28+$0xC040];
	v0 =	vadd.f32 v38, v0;
	v1 =	vadd.f32 v40, v1  }
0x23a: {  	v46 =	vmul.f32 v35, v35;
	v47 =	vld [tilespmem:s25+$0x6850];
	v2 =	vadd.f32 v3, v2;
	v3 =	vmul.f32 v37, v35  }
0x23b: {  	v48 =	vmul.f32 v37, v37;
	v49 =	vld [tilespmem:s28+$0xC050];
	v0 =	vadd.f32 v42, v0;
	v1 =	vadd.f32 v44, v1  }
0x23c: {  	v50 =	vmul.f32 v39, v39;
	v51 =	vld [tilespmem:s25+$0x6860];
	v2 =	vadd.f32 v3, v2;
	v3 =	vmul.f32 v41, v39  }
0x23d: {  	v52 =	vmul.f32 v41, v41;
	v53 =	vld [tilespmem:s28+$0xC060];
	v0 =	vadd.f32 v46, v0;
	v1 =	vadd.f32 v48, v1  }
0x23e: {  	v54 =	vmul.f32 v43, v43;
	v55 =	vld [tilespmem:s25+$0x6870];
	v2 =	vadd.f32 v3, v2;
	v3 =	vmul.f32 v45, v43  }
0x23f: {  	v56 =	vmul.f32 v45, v45;
	v57 =	vld [tilespmem:s28+$0xC070];
	v0 =	vadd.f32 v50, v0;
	v1 =	vadd.f32 v52, v1  }
0x240: {  	s29 =	sadd.s32 $0x6C00, s25;
	v58 =	vmul.f32 v47, v47;
	v59 =	vld [tilespmem:s25+$0x6C00];
	v2 =	vadd.f32 v3, v2;
	v3 =	vmul.f32 v49, v47  }
0x241: {  	v60 =	vmul.f32 v49, v49;
	v61 =	vld [tilespmem:s29+$0xC000];
	v0 =	vadd.f32 v54, v0;
	v1 =	vadd.f32 v56, v1  }
0x242: {  	v62 =	vmul.f32 v51, v51;
	v63 =	vld [tilespmem:s25+$0x6C10];
	v2 =	vadd.f32 v3, v2;
	v3 =	vmul.f32 v53, v51  }
0x243: {  	v16 =	vmul.f32 v53, v53;
	v17 =	vld [tilespmem:s29+$0xC010];
	v0 =	vadd.f32 v58, v0;
	v1 =	vadd.f32 v60, v1  }
0x244: {  	v18 =	vmul.f32 v55, v55;
	v19 =	vld [tilespmem:s25+$0x6C20];
	v2 =	vadd.f32 v3, v2;
	v3 =	vmul.f32 v57, v55  }
0x245: {  	v20 =	vmul.f32 v57, v57;
	v21 =	vld [tilespmem:s29+$0xC020];
	v0 =	vadd.f32 v62, v0;
	v1 =	vadd.f32 v16, v1  }
0x246: {  	v22 =	vmul.f32 v59, v59;
	v23 =	vld [tilespmem:s25+$0x6C30];
	v2 =	vadd.f32 v3, v2;
	v3 =	vmul.f32 v61, v59  }
0x247: {  	v24 =	vmul.f32 v61, v61;
	v25 =	vld [tilespmem:s29+$0xC030];
	v0 =	vadd.f32 v18, v0;
	v1 =	vadd.f32 v20, v1  }
0x248: {  	v26 =	vmul.f32 v63, v63;
	v27 =	vld [tilespmem:s25+$0x6C40];
	v2 =	vadd.f32 v3, v2;
	v3 =	vmul.f32 v17, v63  }
0x249: {  	v28 =	vmul.f32 v17, v17;
	v29 =	vld [tilespmem:s29+$0xC040];
	v0 =	vadd.f32 v22, v0;
	v1 =	vadd.f32 v24, v1  }
0x24a: {  	v30 =	vmul.f32 v19, v19;
	v31 =	vld [tilespmem:s25+$0x6C50];
	v2 =	vadd.f32 v3, v2;
	v3 =	vmul.f32 v21, v19  }
0x24b: {  	v32 =	vmul.f32 v21, v21;
	v33 =	vld [tilespmem:s29+$0xC050];
	v0 =	vadd.f32 v26, v0;
	v1 =	vadd.f32 v28, v1  }
0x24c: {  	v34 =	vmul.f32 v23, v23;
	v35 =	vld [tilespmem:s25+$0x6C60];
	v2 =	vadd.f32 v3, v2;
	v3 =	vmul.f32 v25, v23  }
0x24d: {  	v36 =	vmul.f32 v25, v25;
	v37 =	vld [tilespmem:s29+$0xC060];
	v0 =	vadd.f32 v30, v0;
	v1 =	vadd.f32 v32, v1  }
0x24e: {  	v38 =	vmul.f32 v27, v27;
	v39 =	vld [tilespmem:s25+$0x6C70];
	v2 =	vadd.f32 v3, v2;
	v3 =	vmul.f32 v29, v27  }
0x24f: {  	v40 =	vmul.f32 v29, v29;
	v41 =	vld [tilespmem:s29+$0xC070];
	v0 =	vadd.f32 v34, v0;
	v1 =	vadd.f32 v36, v1  }
0x250: {  	s30 =	sadd.s32 $0x7000, s25;
	v42 =	vmul.f32 v31, v31;
	v43 =	vld [tilespmem:s25+$0x7000];
	v2 =	vadd.f32 v3, v2;
	v3 =	vmul.f32 v33, v31  }
0x251: {  	v44 =	vmul.f32 v33, v33;
	v45 =	vld [tilespmem:s30+$0xC000];
	v0 =	vadd.f32 v38, v0;
	v1 =	vadd.f32 v40, v1  }
0x252: {  	v46 =	vmul.f32 v35, v35;
	v47 =	vld [tilespmem:s25+$0x7010];
	v2 =	vadd.f32 v3, v2;
	v3 =	vmul.f32 v37, v35  }
0x253: {  	v48 =	vmul.f32 v37, v37;
	v49 =	vld [tilespmem:s30+$0xC010];
	v0 =	vadd.f32 v42, v0;
	v1 =	vadd.f32 v44, v1  }
0x254: {  	v50 =	vmul.f32 v39, v39;
	v51 =	vld [tilespmem:s25+$0x7020];
	v2 =	vadd.f32 v3, v2;
	v3 =	vmul.f32 v41, v39  }
0x255: {  	v52 =	vmul.f32 v41, v41;
	v53 =	vld [tilespmem:s30+$0xC020];
	v0 =	vadd.f32 v46, v0;
	v1 =	vadd.f32 v48, v1  }
0x256: {  	v54 =	vmul.f32 v43, v43;
	v55 =	vld [tilespmem:s25+$0x7030];
	v2 =	vadd.f32 v3, v2;
	v3 =	vmul.f32 v45, v43  }
0x257: {  	v56 =	vmul.f32 v45, v45;
	v57 =	vld [tilespmem:s30+$0xC030];
	v0 =	vadd.f32 v50, v0;
	v1 =	vadd.f32 v52, v1  }
0x258: {  	v58 =	vmul.f32 v47, v47;
	v59 =	vld [tilespmem:s25+$0x7040];
	v2 =	vadd.f32 v3, v2;
	v3 =	vmul.f32 v49, v47  }
0x259: {  	v60 =	vmul.f32 v49, v49;
	v61 =	vld [tilespmem:s30+$0xC040];
	v0 =	vadd.f32 v54, v0;
	v1 =	vadd.f32 v56, v1  }
0x25a: {  	v62 =	vmul.f32 v51, v51;
	v63 =	vld [tilespmem:s25+$0x7050];
	v2 =	vadd.f32 v3, v2;
	v3 =	vmul.f32 v53, v51  }
0x25b: {  	v16 =	vmul.f32 v53, v53;
	v17 =	vld [tilespmem:s30+$0xC050];
	v0 =	vadd.f32 v58, v0;
	v1 =	vadd.f32 v60, v1  }
0x25c: {  	v18 =	vmul.f32 v55, v55;
	v19 =	vld [tilespmem:s25+$0x7060];
	v2 =	vadd.f32 v3, v2;
	v3 =	vmul.f32 v57, v55  }
0x25d: {  	v20 =	vmul.f32 v57, v57;
	v21 =	vld [tilespmem:s30+$0xC060];
	v0 =	vadd.f32 v62, v0;
	v1 =	vadd.f32 v16, v1  }
0x25e: {  	v22 =	vmul.f32 v59, v59;
	v23 =	vld [tilespmem:s25+$0x7070];
	v2 =	vadd.f32 v3, v2;
	v3 =	vmul.f32 v61, v59  }
0x25f: {  	v24 =	vmul.f32 v61, v61;
	v25 =	vld [tilespmem:s30+$0xC070];
	v0 =	vadd.f32 v18, v0;
	v1 =	vadd.f32 v20, v1  }
0x260: {  	s31 =	sadd.s32 $0x7400, s25;
	v26 =	vmul.f32 v63, v63;
	v27 =	vld [tilespmem:s25+$0x7400];
	v2 =	vadd.f32 v3, v2;
	v3 =	vmul.f32 v17, v63  }
0x261: {  	v28 =	vmul.f32 v17, v17;
	v29 =	vld [tilespmem:s31+$0xC000];
	v0 =	vadd.f32 v22, v0;
	v1 =	vadd.f32 v24, v1  }
0x262: {  	v30 =	vmul.f32 v19, v19;
	v31 =	vld [tilespmem:s25+$0x7410];
	v2 =	vadd.f32 v3, v2;
	v3 =	vmul.f32 v21, v19  }
0x263: {  	v32 =	vmul.f32 v21, v21;
	v33 =	vld [tilespmem:s31+$0xC010];
	v0 =	vadd.f32 v26, v0;
	v1 =	vadd.f32 v28, v1  }
0x264: {  	v34 =	vmul.f32 v23, v23;
	v35 =	vld [tilespmem:s25+$0x7420];
	v2 =	vadd.f32 v3, v2;
	v3 =	vmul.f32 v25, v23  }
0x265: {  	v36 =	vmul.f32 v25, v25;
	v37 =	vld [tilespmem:s31+$0xC020];
	v0 =	vadd.f32 v30, v0;
	v1 =	vadd.f32 v32, v1  }
0x266: {  	v38 =	vmul.f32 v27, v27;
	v39 =	vld [tilespmem:s25+$0x7430];
	v2 =	vadd.f32 v3, v2;
	v3 =	vmul.f32 v29, v27  }
0x267: {  	v40 =	vmul.f32 v29, v29;
	v41 =	vld [tilespmem:s31+$0xC030];
	v0 =	vadd.f32 v34, v0;
	v1 =	vadd.f32 v36, v1  }
0x268: {  	v42 =	vmul.f32 v31, v31;
	v43 =	vld [tilespmem:s25+$0x7440];
	v2 =	vadd.f32 v3, v2;
	v3 =	vmul.f32 v33, v31  }
0x269: {  	v44 =	vmul.f32 v33, v33;
	v45 =	vld [tilespmem:s31+$0xC040];
	v0 =	vadd.f32 v38, v0;
	v1 =	vadd.f32 v40, v1  }
0x26a: {  	v46 =	vmul.f32 v35, v35;
	v47 =	vld [tilespmem:s25+$0x7450];
	v2 =	vadd.f32 v3, v2;
	v3 =	vmul.f32 v37, v35  }
0x26b: {  	v48 =	vmul.f32 v37, v37;
	v49 =	vld [tilespmem:s31+$0xC050];
	v0 =	vadd.f32 v42, v0;
	v1 =	vadd.f32 v44, v1  }
0x26c: {  	v50 =	vmul.f32 v39, v39;
	v51 =	vld [tilespmem:s25+$0x7460];
	v2 =	vadd.f32 v3, v2;
	v3 =	vmul.f32 v41, v39  }
0x26d: {  	v52 =	vmul.f32 v41, v41;
	v53 =	vld [tilespmem:s31+$0xC060];
	v0 =	vadd.f32 v46, v0;
	v1 =	vadd.f32 v48, v1  }
0x26e: {  	v54 =	vmul.f32 v43, v43;
	v55 =	vld [tilespmem:s25+$0x7470];
	v2 =	vadd.f32 v3, v2;
	v3 =	vmul.f32 v45, v43  }
0x26f: {  	v56 =	vmul.f32 v45, v45;
	v57 =	vld [tilespmem:s31+$0xC070];
	v0 =	vadd.f32 v50, v0;
	v1 =	vadd.f32 v52, v1  }
0x270: {  	v58 =	vmul.f32 v47, v47;
	v2 =	vadd.f32 v3, v2;
	v3 =	vmul.f32 v49, v47  }
0x271: {  	v59 =	vmul.f32 v49, v49;
	v0 =	vadd.f32 v54, v0;
	v1 =	vadd.f32 v56, v1  }
0x272: {  	v60 =	vmul.f32 v51, v51;
	v2 =	vadd.f32 v3, v2;
	v3 =	vmul.f32 v53, v51  }
.Ltmp4:
0x273: {  	v61 =	vmul.f32 v53, v53;
	v0 =	vadd.f32 v58, v0;
	v1 =	vadd.f32 v59, v1;
	(pc) =	sbr.rel @p0 .LBB2_8-.Ltmp4, $4  }
0x274: {  	v62 =	vmul.f32 v55, v55;
	v2 =	vadd.f32 v3, v2;
	v3 =	vmul.f32 v57, v55  }
0x275: {  	v63 =	vmul.f32 v57, v57;
	v0 =	vadd.f32 v60, v0;
	v4 =	vadd.f32 v61, v1  }
0x276: {  	v2 =	vadd.f32 v3, v2  }
0x277: {  	v1 =	vadd.f32 v62, v0;
	v0 =	vadd.f32 v63, v4  }
.Ltmp5:
0x278: {  	(pc) =	sbr.rel .LBB2_2-.Ltmp5, $3  }
0x279: {  	_ =	sdelay $0x1  }
0x27a: {  	[tilespmem:s15], [sflag:$0x2] =	stream.linear.gather [hbm4b:s10+s2], $0x6000, $0x38;
	[tilespmem:$0x18200] =	vst v63  }
0x27b: {  	p0 =	por $0x1, $0x1;
	s21 =	smov.u32 s11  }
.LBB2_9:
0x27c: {  	_ =	sfence.sel $0x180000  }
0x27d: {  	[bflag:$0x0] =	sbarrier.arrive $0xFFFF  }
0x27e: {  	p0 =	sne.s32 s0, $0x0;
	_ =	strace $0x90000047  }
0x27f: {  	s0 =	sadd.s32 @!p0 $0x100000, s1;
	[bflag:$0x2] =	sbarrier.arrive $0xFFFF  }
0x280: {  	[sflag:s0] =	ssyncadd.tile.s32 @!p0 $0x1;
	_ =	shalt  }
.Lfunc_end2:
_tile_overlayer_lowered:
.L_overlay_start_2:
0x281: {  	(tag) =	ssettag $0x2  }
0x282: {  	s0 =	rddreg [dreg:$0x0];
	s2 =	stileid.u32  }
0x283: {  	s1 =	rddreg [dreg:$0x1];
	p0 =	sne.s32 s2, $0x0  }
0x284: {  	s3 =	rddreg [dreg:$0x2];
	[bflag:$0x3] =	sbarrier.arrive $0xFFFF;
	s2 =	simm.s32 @!p0 $0x1C03  }
0x285: {  	[timem:s3], [sflag:s2] =	dma.local @!p0 [hbm:s0], s1  }
0x286: {  	s0 =	simm.s32 @!p0 $0x3  }
0x287: {  	_ =	swait.ge @!p0 [sflag:s0], s1  }
0x288: {  	s1 =	ssub.s32 @!p0 $0x0, s1;
	[sflag:s0] =	ssyncset.done @!p0 $0x0  }
0x289: {  	[sflag:s0] =	ssyncadd.s32 @!p0 s1  }
0x28a: {  	[bflag:$0x3] =	sbarrier.arrive $0xFFFF  }
0x28b: {  	_ =	shalt  }

</sc_bundles>
